<compile_context>
chip_gen: v7x
topology: tpu7x:2x2x1
jax: 0.10.2.dev20260603
libtpu: 0.0.44.dev20260713+nightly
codegen_flags: <defaults>
</compile_context>

<pallas_src>
import dataclasses
import functools

import jax
import jax.numpy as jnp
from jax import lax
from jax.experimental import pallas as pl
from jax.experimental.pallas import tpu as pltpu
from jax.experimental.pallas import tpu_sc as plsc

_NUM_WORKERS = 32
_CHUNK = 2048
_GSUB = 128
_PBLK = 2000


def _sc_grid_sample(tab0, tab1, tab0s, tab1s, grid_lin, *, H, W, N, Ho, Wo):
    HOWO = Ho * Wo
    HW = H * W
    imgs_per_worker = N // _NUM_WORKERS
    chunks_per_img = HOWO // _CHUNK
    nch = imgs_per_worker * chunks_per_img
    nblk = HW // _PBLK
    blk_slots = -(-nblk // 16)
    if blk_slots % 2:
        blk_slots += 1
    sx = (W - 1) / 2.0
    sy = (H - 1) / 2.0

    mesh = plsc.VectorSubcoreMesh(core_axis_name="c", subcore_axis_name="s")

    cp = pltpu.CompilerParams()
    for fld, val in (("needs_layout_passes", False),
                     ("use_tc_tiling_on_sc", False)):
        if fld in pltpu.CompilerParams.__dataclass_fields__:
            cp = dataclasses.replace(cp, **{fld: val})

    vm = pltpu.VMEM
    scratch = []
    for _ in range(2):
        scratch += [
            vm((2 * _CHUNK,), jnp.float32),
            vm((_CHUNK,), jnp.int32),
            vm((_CHUNK,), jnp.float32),
            vm((_CHUNK,), jnp.float32),
            vm((_CHUNK, 8), jnp.int32),
            vm((_CHUNK,), jnp.float32),
            vm((_CHUNK,), jnp.float32),
            pltpu.SemaphoreType.DMA,
            pltpu.SemaphoreType.DMA,
            pltpu.SemaphoreType.DMA,
        ]
    scratch += [
        vm((_PBLK,), jnp.int32),
        vm((_PBLK,), jnp.int32),
        vm((_PBLK,), jnp.int32),
        vm((_PBLK,), jnp.int32),
        vm((_PBLK, 8), jnp.int32),
        vm((_PBLK, 8), jnp.int32),
        pltpu.SemaphoreType.DMA,
        pltpu.SemaphoreType.DMA,
    ]

    out_types = (
        jax.ShapeDtypeStruct((N * 2 * HOWO,), jnp.float32),
        jax.ShapeDtypeStruct((2 * HW, 8), jnp.int32),
    )

    @functools.partial(
        pl.kernel,
        compiler_params=cp,
        out_type=out_types,
        mesh=mesh,
        scratch_types=scratch,
    )
    def sc_kernel(t0_hbm, t1_hbm, t0s_hbm, t1s_hbm, grid_hbm,
                  out_hbm, tab8_hbm, *bufs):
        cid = lax.axis_index("c")
        sid = lax.axis_index("s")
        wid = sid * 2 + cid
        cbase = cid * HW

        names = ("g", "idx", "wx", "wy", "rows", "o0", "o1",
                 "gsem", "rsem", "osem")
        B = [dict(zip(names, bufs[:10])), dict(zip(names, bufs[10:20]))]
        pa, pb, pcv, pd, inter0, inter1, psem, qsem = bufs[20:]

        lane = lax.iota(jnp.int32, 16)
        himask = jnp.full((16,), -65536, jnp.int32)
        cols = [jnp.full((16,), t, jnp.int32) for t in range(4)]

        def build_block(k, ib):
            c = jnp.minimum(sid + 16 * k, nblk - 1)
            q0 = c * _PBLK
            copies = [
                pltpu.make_async_copy(t0_hbm.at[pl.ds(q0, _PBLK)], pa, psem),
                pltpu.make_async_copy(t1_hbm.at[pl.ds(q0, _PBLK)], pb, psem),
                pltpu.make_async_copy(t0s_hbm.at[pl.ds(q0, _PBLK)], pcv, psem),
                pltpu.make_async_copy(t1s_hbm.at[pl.ds(q0, _PBLK)], pd, psem),
            ]
            for cp_ in copies:
                cp_.start()
            for cp_ in copies:
                cp_.wait()

            @pl.loop(0, _PBLK, step=16)
            def _(i):
                s = pl.ds(i, 16)
                p = i + lane
                plsc.store_scatter(ib, [p, cols[0]], pa[s])
                plsc.store_scatter(ib, [p, cols[1]], pb[s])
                plsc.store_scatter(ib, [p, cols[2]], pcv[s])
                plsc.store_scatter(ib, [p, cols[3]], pd[s])

            pltpu.async_copy(ib, tab8_hbm.at[pl.ds(cbase + q0, _PBLK)], qsem)

        def wait_block(ib):
            pltpu.make_async_copy(
                ib, tab8_hbm.at[pl.ds(0, _PBLK)], qsem).wait()

        @pl.loop(0, blk_slots // 2)
        def _(m):
            @pl.when(m >= 1)
            def _():
                wait_block(inter0)

            build_block(2 * m, inter0)

            @pl.when(m >= 1)
            def _():
                wait_block(inter1)

            build_block(2 * m + 1, inter1)

        wait_block(inter0)
        wait_block(inter1)
        plsc.subcore_barrier()

        def p_off(t):
            n = wid * imgs_per_worker + t // chunks_per_img
            j = lax.rem(t, chunks_per_img)
            return n * HOWO + j * _CHUNK

        def o_off(t):
            n = wid * imgs_per_worker + t // chunks_per_img
            j = lax.rem(t, chunks_per_img)
            return n * 2 * HOWO + j * _CHUNK

        def start_grid(t, b):
            pltpu.async_copy(grid_hbm.at[pl.ds(2 * p_off(t), 2 * _CHUNK)],
                             B[b]["g"], B[b]["gsem"])

        def wait_grid(b):
            pltpu.make_async_copy(grid_hbm.at[pl.ds(0, 2 * _CHUNK)],
                                  B[b]["g"], B[b]["gsem"]).wait()

        def compute(b):
            g_v, idx_v = B[b]["g"], B[b]["idx"]
            wx_v, wy_v = B[b]["wx"], B[b]["wy"]

            @pl.loop(0, _CHUNK // 128)
            def _(r):
                @pl.loop(0, 128, step=64)
                def _(m):
                    for u in (0, 16, 32, 48):
                        base = r * 256 + m + u
                        iu = r * 128 + m + u
                        gx = g_v[pl.ds(base, 16)]
                        gy = g_v[pl.ds(base + 128, 16)]
                        x = jnp.minimum(gx * sx + sx, W - 1.0)
                        y = jnp.minimum(gy * sy + sy, H - 1.0)
                        xi = x.astype(jnp.int32)
                        yi = y.astype(jnp.int32)
                        idx_v[pl.ds(iu, 16)] = xi * H + yi + cbase
                        wx_v[pl.ds(iu, 16)] = x - xi.astype(jnp.float32)
                        wy_v[pl.ds(iu, 16)] = y - yi.astype(jnp.float32)

        def gather_copies(b):
            d = B[b]
            for k in range(_CHUNK // _GSUB):
                s = pl.ds(k * _GSUB, _GSUB)
                yield pltpu.make_async_copy(
                    tab8_hbm.at[d["idx"].at[s]], d["rows"].at[s], d["rsem"])

        def fire(b):
            for c in gather_copies(b):
                c.start()

        def drain(b):
            d = B[b]
            pltpu.make_async_copy(
                tab8_hbm.at[pl.ds(0, _CHUNK)], d["rows"], d["rsem"]).wait()

        def combine(b):
            d = B[b]
            rows_v = d["rows"]
            wx_v, wy_v, out0_v, out1_v = d["wx"], d["wy"], d["o0"], d["o1"]

            @pl.loop(0, _CHUNK, step=32)
            def _(i):
                for u in (0, 16):
                    s = pl.ds(i + u, 16)
                    p = i + u + lane
                    wx = wx_v[s]
                    wy = wy_v[s]
                    wl0 = plsc.load_gather(rows_v, [p, cols[0]])
                    wl1 = plsc.load_gather(rows_v, [p, cols[1]])
                    wr0 = plsc.load_gather(rows_v, [p, cols[2]])
                    wr1 = plsc.load_gather(rows_v, [p, cols[3]])
                    v00 = plsc.bitcast(wl0 << 16, jnp.float32)
                    v10 = plsc.bitcast(wl0 & himask, jnp.float32)
                    v01 = plsc.bitcast(wr0 << 16, jnp.float32)
                    v11 = plsc.bitcast(wr0 & himask, jnp.float32)
                    u00 = plsc.bitcast(wl1 << 16, jnp.float32)
                    u10 = plsc.bitcast(wl1 & himask, jnp.float32)
                    u01 = plsc.bitcast(wr1 << 16, jnp.float32)
                    u11 = plsc.bitcast(wr1 & himask, jnp.float32)
                    cl0 = v00 + wy * (v10 - v00)
                    cr0 = v01 + wy * (v11 - v01)
                    cl1 = u00 + wy * (u10 - u00)
                    cr1 = u01 + wy * (u11 - u01)
                    out0_v[s] = cl0 + wx * (cr0 - cl0)
                    out1_v[s] = cl1 + wx * (cr1 - cl1)

        def out_copies(t, b):
            d = B[b]
            o0 = o_off(t)
            yield pltpu.make_async_copy(
                d["o0"], out_hbm.at[pl.ds(o0, _CHUNK)], d["osem"])
            yield pltpu.make_async_copy(
                d["o1"], out_hbm.at[pl.ds(o0 + HOWO, _CHUNK)], d["osem"])

        def drain_out(b):
            for c in out_copies(0, b):
                c.wait()

        def stage_a(t, b):
            wait_grid(b)
            compute(b)
            fire(b)

        def stage_b(t, b):
            drain(b)

            @pl.when(t >= 2)
            def _():
                drain_out(b)

            combine(b)
            for c in out_copies(t, b):
                c.start()

        start_grid(0, 0)
        stage_a(0, 0)
        start_grid(1, 1)

        @pl.loop(0, nch, step=2)
        def _(t):
            stage_a(t + 1, 1)

            @pl.when(t + 2 < nch)
            def _():
                start_grid(t + 2, 0)

            stage_b(t, 0)

            @pl.when(t + 2 < nch)
            def _():
                stage_a(t + 2, 0)
                start_grid(t + 3, 1)

            stage_b(t + 1, 1)

        drain_out(0)
        drain_out(1)

    return sc_kernel(tab0, tab1, tab0s, tab1s, grid_lin)[0]


def _pack_vert_pairs(plane_cm):
    lo = lax.bitcast_convert_type(
        plane_cm.astype(jnp.bfloat16), jnp.uint16).astype(jnp.uint32)
    hi = jnp.concatenate([lo[1:], lo[-1:]])
    return (lo | (hi << 16)).astype(jnp.int32)


def kernel(grid, inp):
    N, Ho, Wo, _ = grid.shape
    _, C, H, W = inp.shape
    assert C == 2 and N % _NUM_WORKERS == 0 and (Ho * Wo) % _CHUNK == 0
    assert Wo >= 128 and Wo % 128 == 0 and _CHUNK % 128 == 0
    assert (H * W) % _PBLK == 0 and _PBLK % 16 == 0

    tab0 = _pack_vert_pairs(inp[0, 0].T.reshape(-1))
    tab1 = _pack_vert_pairs(inp[0, 1].T.reshape(-1))
    tab0s = jnp.concatenate([tab0[H:], tab0[-H:]])
    tab1s = jnp.concatenate([tab1[H:], tab1[-H:]])
    grid_lin = grid.transpose(0, 1, 3, 2).reshape(-1)

    out_flat = _sc_grid_sample(tab0, tab1, tab0s, tab1s, grid_lin,
                               H=H, W=W, N=N, Ho=Ho, Wo=Wo)
    return out_flat.reshape(N, C, Ho, Wo)

# --- scband reference (transcript-rebuilt; emitter-appended) ---
"""Pipeline reference for scband-my-model-61933428408923 (READ-ONLY COPY).

The authoritative reference and input builder live on the scoring server;
editing this copy changes nothing except your own understanding.
"""

import jax, jax.numpy as jnp
import numpy as np


def setup_inputs(seed: int = 0) -> dict:
    key = jax.random.key(seed)
    k1, k2 = jax.random.split(key)
    # forward arg: grid in [0,1) per fill=rand (valid sub-range of [-1,1])
    grid = jax.random.uniform(k1, (128, 128, 128, 2), dtype=jnp.float32)
    # module parameter: self.input = torch.rand(1, C, H, W) (non-trainable)
    inp = jax.random.uniform(k2, (1, 2, 1000, 1200), dtype=jnp.float32)
    return {"grid": grid, "inp": inp}


def reference(grid, inp):
    # F.grid_sample(expanded_input, grid, mode='bilinear', padding_mode='border', align_corners=True)
    # inp: [1, C, H, W] expanded (view) to [N, C, H, W]; grid: [N, Ho, Wo, 2] with (x, y) order
    C = inp.shape[1]
    H = inp.shape[2]
    W = inp.shape[3]
    gx = grid[..., 0]
    gy = grid[..., 1]
    # align_corners=True unnormalization
    x = (gx + 1.0) * (W - 1) / 2.0
    y = (gy + 1.0) * (H - 1) / 2.0
    # padding_mode='border': clamp coordinates into the valid range
    x = jnp.clip(x, 0.0, W - 1.0)
    y = jnp.clip(y, 0.0, H - 1.0)
    x0 = jnp.floor(x)
    y0 = jnp.floor(y)
    x1 = x0 + 1.0
    y1 = y0 + 1.0
    wx1 = x - x0
    wx0 = 1.0 - wx1
    wy1 = y - y0
    wy0 = 1.0 - wy1
    x0i = jnp.clip(x0, 0, W - 1).astype(jnp.int32)
    x1i = jnp.clip(x1, 0, W - 1).astype(jnp.int32)
    y0i = jnp.clip(y0, 0, H - 1).astype(jnp.int32)
    y1i = jnp.clip(y1, 0, H - 1).astype(jnp.int32)
    img = inp[0]  # [C, H, W]; expand() shares storage across the batch
    # advanced-index gathers: result [C, N, Ho, Wo]
    v00 = img[:, y0i, x0i]
    v01 = img[:, y0i, x1i]
    v10 = img[:, y1i, x0i]
    v11 = img[:, y1i, x1i]
    out = (v00 * (wy0 * wx0) + v01 * (wy0 * wx1)
           + v10 * (wy1 * wx0) + v11 * (wy1 * wx1))
    out = jnp.transpose(out, (1, 0, 2, 3))  # [N, C, Ho, Wo]
    return out

if __name__ == "__main__":
    import jax
    _d = setup_inputs()
    print(jax.jit(kernel)(*tuple(_d.values())))

</pallas_src>

<mosaic_0001>
#map = affine_map<(d0, d1) -> (0)>
#map1 = affine_map<(d0, d1) -> (0, 0)>
module attributes {stable_mosaic.version = 14 : i64} {
  func.func @sc_kernel(%arg0: i32, %arg1: i32, %arg2: memref<1200000xi32, #tpu.memory_space<hbm>>, %arg3: memref<1200000xi32, #tpu.memory_space<hbm>>, %arg4: memref<1200000xi32, #tpu.memory_space<hbm>>, %arg5: memref<1200000xi32, #tpu.memory_space<hbm>>, %arg6: memref<4194304xf32, #tpu.memory_space<hbm>>, %arg7: memref<4194304xf32, #tpu.memory_space<hbm>>, %arg8: memref<2400000x8xi32, #tpu.memory_space<hbm>>, %arg9: memref<4096xf32, #tpu.memory_space<vmem>>, %arg10: memref<2048xi32, #tpu.memory_space<vmem>>, %arg11: memref<2048xf32, #tpu.memory_space<vmem>>, %arg12: memref<2048xf32, #tpu.memory_space<vmem>>, %arg13: memref<2048x8xi32, #tpu.memory_space<vmem>>, %arg14: memref<2048xf32, #tpu.memory_space<vmem>>, %arg15: memref<2048xf32, #tpu.memory_space<vmem>>, %arg16: memref<!tpu.dma_semaphore, #tpu.memory_space<semaphore_mem>>, %arg17: memref<!tpu.dma_semaphore, #tpu.memory_space<semaphore_mem>>, %arg18: memref<!tpu.dma_semaphore, #tpu.memory_space<semaphore_mem>>, %arg19: memref<4096xf32, #tpu.memory_space<vmem>>, %arg20: memref<2048xi32, #tpu.memory_space<vmem>>, %arg21: memref<2048xf32, #tpu.memory_space<vmem>>, %arg22: memref<2048xf32, #tpu.memory_space<vmem>>, %arg23: memref<2048x8xi32, #tpu.memory_space<vmem>>, %arg24: memref<2048xf32, #tpu.memory_space<vmem>>, %arg25: memref<2048xf32, #tpu.memory_space<vmem>>, %arg26: memref<!tpu.dma_semaphore, #tpu.memory_space<semaphore_mem>>, %arg27: memref<!tpu.dma_semaphore, #tpu.memory_space<semaphore_mem>>, %arg28: memref<!tpu.dma_semaphore, #tpu.memory_space<semaphore_mem>>, %arg29: memref<2000xi32, #tpu.memory_space<vmem>>, %arg30: memref<2000xi32, #tpu.memory_space<vmem>>, %arg31: memref<2000xi32, #tpu.memory_space<vmem>>, %arg32: memref<2000xi32, #tpu.memory_space<vmem>>, %arg33: memref<2000x8xi32, #tpu.memory_space<vmem>>, %arg34: memref<2000x8xi32, #tpu.memory_space<vmem>>, %arg35: memref<!tpu.dma_semaphore, #tpu.memory_space<semaphore_mem>>, %arg36: memref<!tpu.dma_semaphore, #tpu.memory_space<semaphore_mem>>) attributes {dimension_semantics = [#tpu.dimension_semantics<core_parallel>, #tpu.dimension_semantics<subcore_parallel>], iteration_bounds = array<i64: 2, 16>, scalar_prefetch = 0 : i64, scratch_operands = 28 : i64, tpu.core_type = #tpu.core_type<sc_vector_subcore>, window_params = [{transform_indices = #map}, {transform_indices = #map}, {transform_indices = #map}, {transform_indices = #map}, {transform_indices = #map}, {transform_indices = #map}, {transform_indices = #map1}]} {
    %mul3A = arith.constant 2 : i32
    %mul3A_0 = arith.muli %arg1, %mul3A : i32
    %add3A = arith.addi %mul3A_0, %arg0 : i32
    %mul3A_1 = arith.constant 1200000 : i32
    %mul3A_2 = arith.muli %arg0, %mul3A_1 : i32
    %iota3A = tpu.iota {dimensions = array<i32: 0>} : vector<16xi32>
    %broadcast_in_dim3A = arith.constant -65536 : i32
    %broadcast_in_dim3A_3 = vector.broadcast %broadcast_in_dim3A : i32 to vector<16xi32>
    %broadcast_in_dim3A_4 = arith.constant 0 : i32
    %broadcast_in_dim3A_5 = vector.broadcast %broadcast_in_dim3A_4 : i32 to vector<16xi32>
    %broadcast_in_dim3A_6 = arith.constant 1 : i32
    %broadcast_in_dim3A_7 = vector.broadcast %broadcast_in_dim3A_6 : i32 to vector<16xi32>
    %broadcast_in_dim3A_8 = arith.constant 2 : i32
    %broadcast_in_dim3A_9 = vector.broadcast %broadcast_in_dim3A_8 : i32 to vector<16xi32>
    %broadcast_in_dim3A_10 = arith.constant 3 : i32
    %broadcast_in_dim3A_11 = vector.broadcast %broadcast_in_dim3A_10 : i32 to vector<16xi32>
    %scan3A = arith.constant 0 : i32
    %scan3A_12 = arith.constant 19 : i32
    %scan3A_13 = arith.addi %scan3A, %scan3A_12 : i32
    %scan3A_14 = arith.constant 1 : i32
    scf.for %scan3A_239 = %scan3A to %scan3A_13 step %scan3A_14  : i32 {
      %mul3A_240 = arith.constant 1 : i32
      %mul3A_241 = arith.muli %scan3A_239, %mul3A_240 : i32
      %add3A_242 = arith.constant 0 : i32
      %add3A_243 = arith.addi %add3A_242, %mul3A_241 : i32
      %ge3A = arith.constant 1 : i32
      %ge3A_244 = arith.cmpi sge, %add3A_243, %ge3A : i32
      %convert_element_type3A = arith.extui %ge3A_244 : i1 to i32
      %cond3A = arith.constant 0 : i32
      %cond3A_245 = arith.cmpi ne, %convert_element_type3A, %cond3A : i32
      scf.if %cond3A_245 {
        %dma_wait3A_322 = arith.constant 0 : i32
        %dma_wait3A_323 = arith.constant 0 : i32
        %dma_wait3A_324 = tpu.memref_slice %arg8[%dma_wait3A_322, %dma_wait3A_323] : memref<2400000x8xi32, #tpu.memory_space<hbm>> -> memref<2000x8xi32, #tpu.memory_space<hbm>>
        %dma_wait3A_325 = arith.constant 0 : i32
        %dma_wait3A_326 = arith.constant 0 : i32
        %dma_wait3A_327 = tpu.memref_slice %arg8[%dma_wait3A_325, %dma_wait3A_326] : memref<2400000x8xi32, #tpu.memory_space<hbm>> -> memref<2000x8xi32, #tpu.memory_space<hbm>>
        tpu.wait_dma2 semaphore(%arg36 : memref<!tpu.dma_semaphore, #tpu.memory_space<semaphore_mem>>) src(%arg33 : memref<2000x8xi32, #tpu.memory_space<vmem>>) dst(%dma_wait3A_327 : memref<2000x8xi32, #tpu.memory_space<hbm>>)
      } else {
      }
      %mul3A_246 = arith.constant 2 : i32
      %mul3A_247 = arith.muli %mul3A_246, %add3A_243 : i32
      %mul3A_248 = arith.constant 16 : i32
      %mul3A_249 = arith.muli %mul3A_248, %mul3A_247 : i32
      %add3A_250 = arith.addi %arg1, %mul3A_249 : i32
      %min3A = arith.constant 599 : i32
      %min3A_251 = arith.minsi %add3A_250, %min3A : i32
      %mul3A_252 = arith.constant 2000 : i32
      %mul3A_253 = arith.muli %min3A_251, %mul3A_252 : i32
      %dma_start3A_254 = tpu.memref_slice %arg2[%mul3A_253] : memref<1200000xi32, #tpu.memory_space<hbm>> -> memref<2000xi32, #tpu.memory_space<hbm>>
      %dma_start3A_255 = tpu.memref_slice %arg2[%mul3A_253] : memref<1200000xi32, #tpu.memory_space<hbm>> -> memref<2000xi32, #tpu.memory_space<hbm>>
      tpu.enqueue_dma source(%dma_start3A_255 : memref<2000xi32, #tpu.memory_space<hbm>>) target(%arg29 : memref<2000xi32, #tpu.memory_space<vmem>>) target_semaphore(%arg35 : memref<!tpu.dma_semaphore, #tpu.memory_space<semaphore_mem>>)
      %dma_start3A_256 = tpu.memref_slice %arg3[%mul3A_253] : memref<1200000xi32, #tpu.memory_space<hbm>> -> memref<2000xi32, #tpu.memory_space<hbm>>
      %dma_start3A_257 = tpu.memref_slice %arg3[%mul3A_253] : memref<1200000xi32, #tpu.memory_space<hbm>> -> memref<2000xi32, #tpu.memory_space<hbm>>
      tpu.enqueue_dma source(%dma_start3A_257 : memref<2000xi32, #tpu.memory_space<hbm>>) target(%arg30 : memref<2000xi32, #tpu.memory_space<vmem>>) target_semaphore(%arg35 : memref<!tpu.dma_semaphore, #tpu.memory_space<semaphore_mem>>)
      %dma_start3A_258 = tpu.memref_slice %arg4[%mul3A_253] : memref<1200000xi32, #tpu.memory_space<hbm>> -> memref<2000xi32, #tpu.memory_space<hbm>>
      %dma_start3A_259 = tpu.memref_slice %arg4[%mul3A_253] : memref<1200000xi32, #tpu.memory_space<hbm>> -> memref<2000xi32, #tpu.memory_space<hbm>>
      tpu.enqueue_dma source(%dma_start3A_259 : memref<2000xi32, #tpu.memory_space<hbm>>) target(%arg31 : memref<2000xi32, #tpu.memory_space<vmem>>) target_semaphore(%arg35 : memref<!tpu.dma_semaphore, #tpu.memory_space<semaphore_mem>>)
      %dma_start3A_260 = tpu.memref_slice %arg5[%mul3A_253] : memref<1200000xi32, #tpu.memory_space<hbm>> -> memref<2000xi32, #tpu.memory_space<hbm>>
      %dma_start3A_261 = tpu.memref_slice %arg5[%mul3A_253] : memref<1200000xi32, #tpu.memory_space<hbm>> -> memref<2000xi32, #tpu.memory_space<hbm>>
      tpu.enqueue_dma source(%dma_start3A_261 : memref<2000xi32, #tpu.memory_space<hbm>>) target(%arg32 : memref<2000xi32, #tpu.memory_space<vmem>>) target_semaphore(%arg35 : memref<!tpu.dma_semaphore, #tpu.memory_space<semaphore_mem>>)
      %dma_wait3A_262 = tpu.memref_slice %arg2[%mul3A_253] : memref<1200000xi32, #tpu.memory_space<hbm>> -> memref<2000xi32, #tpu.memory_space<hbm>>
      %dma_wait3A_263 = tpu.memref_slice %arg2[%mul3A_253] : memref<1200000xi32, #tpu.memory_space<hbm>> -> memref<2000xi32, #tpu.memory_space<hbm>>
      tpu.wait_dma2 semaphore(%arg35 : memref<!tpu.dma_semaphore, #tpu.memory_space<semaphore_mem>>) src(%dma_wait3A_263 : memref<2000xi32, #tpu.memory_space<hbm>>) dst(%arg29 : memref<2000xi32, #tpu.memory_space<vmem>>)
      %dma_wait3A_264 = tpu.memref_slice %arg3[%mul3A_253] : memref<1200000xi32, #tpu.memory_space<hbm>> -> memref<2000xi32, #tpu.memory_space<hbm>>
      %dma_wait3A_265 = tpu.memref_slice %arg3[%mul3A_253] : memref<1200000xi32, #tpu.memory_space<hbm>> -> memref<2000xi32, #tpu.memory_space<hbm>>
      tpu.wait_dma2 semaphore(%arg35 : memref<!tpu.dma_semaphore, #tpu.memory_space<semaphore_mem>>) src(%dma_wait3A_265 : memref<2000xi32, #tpu.memory_space<hbm>>) dst(%arg30 : memref<2000xi32, #tpu.memory_space<vmem>>)
      %dma_wait3A_266 = tpu.memref_slice %arg4[%mul3A_253] : memref<1200000xi32, #tpu.memory_space<hbm>> -> memref<2000xi32, #tpu.memory_space<hbm>>
      %dma_wait3A_267 = tpu.memref_slice %arg4[%mul3A_253] : memref<1200000xi32, #tpu.memory_space<hbm>> -> memref<2000xi32, #tpu.memory_space<hbm>>
      tpu.wait_dma2 semaphore(%arg35 : memref<!tpu.dma_semaphore, #tpu.memory_space<semaphore_mem>>) src(%dma_wait3A_267 : memref<2000xi32, #tpu.memory_space<hbm>>) dst(%arg31 : memref<2000xi32, #tpu.memory_space<vmem>>)
      %dma_wait3A_268 = tpu.memref_slice %arg5[%mul3A_253] : memref<1200000xi32, #tpu.memory_space<hbm>> -> memref<2000xi32, #tpu.memory_space<hbm>>
      %dma_wait3A_269 = tpu.memref_slice %arg5[%mul3A_253] : memref<1200000xi32, #tpu.memory_space<hbm>> -> memref<2000xi32, #tpu.memory_space<hbm>>
      tpu.wait_dma2 semaphore(%arg35 : memref<!tpu.dma_semaphore, #tpu.memory_space<semaphore_mem>>) src(%dma_wait3A_269 : memref<2000xi32, #tpu.memory_space<hbm>>) dst(%arg32 : memref<2000xi32, #tpu.memory_space<vmem>>)
      %scan3A_270 = arith.constant 0 : i32
      %scan3A_271 = arith.constant 125 : i32
      %scan3A_272 = arith.addi %scan3A_270, %scan3A_271 : i32
      %scan3A_273 = arith.constant 1 : i32
      scf.for %scan3A_322 = %scan3A_270 to %scan3A_272 step %scan3A_273  : i32 {
        %mul3A_323 = arith.constant 16 : i32
        %mul3A_324 = arith.muli %scan3A_322, %mul3A_323 : i32
        %add3A_325 = arith.constant 0 : i32
        %add3A_326 = arith.addi %add3A_325, %mul3A_324 : i32
        %add3A_327 = vector.broadcast %add3A_326 : i32 to vector<16xi32>
        %add3A_328 = arith.addi %add3A_327, %iota3A : vector<16xi32>
        %get3A = arith.index_cast %add3A_326 : i32 to index
        %get3A_329 = tpu.vector_load %arg29[%get3A] {strides = array<i32>} : memref<2000xi32, #tpu.memory_space<vmem>>, vector<16xi32>,
        tpu.vector_store_idx %arg33[%add3A_328, %broadcast_in_dim3A_5], %get3A_329 : memref<2000x8xi32, #tpu.memory_space<vmem>>[vector<16xi32>, vector<16xi32>], vector<16xi32>,
        %get3A_330 = arith.index_cast %add3A_326 : i32 to index
        %get3A_331 = tpu.vector_load %arg30[%get3A_330] {strides = array<i32>} : memref<2000xi32, #tpu.memory_space<vmem>>, vector<16xi32>,
        tpu.vector_store_idx %arg33[%add3A_328, %broadcast_in_dim3A_7], %get3A_331 : memref<2000x8xi32, #tpu.memory_space<vmem>>[vector<16xi32>, vector<16xi32>], vector<16xi32>,
        %get3A_332 = arith.index_cast %add3A_326 : i32 to index
        %get3A_333 = tpu.vector_load %arg31[%get3A_332] {strides = array<i32>} : memref<2000xi32, #tpu.memory_space<vmem>>, vector<16xi32>,
        tpu.vector_store_idx %arg33[%add3A_328, %broadcast_in_dim3A_9], %get3A_333 : memref<2000x8xi32, #tpu.memory_space<vmem>>[vector<16xi32>, vector<16xi32>], vector<16xi32>,
        %get3A_334 = arith.index_cast %add3A_326 : i32 to index
        %get3A_335 = tpu.vector_load %arg32[%get3A_334] {strides = array<i32>} : memref<2000xi32, #tpu.memory_space<vmem>>, vector<16xi32>,
        tpu.vector_store_idx %arg33[%add3A_328, %broadcast_in_dim3A_11], %get3A_335 : memref<2000x8xi32, #tpu.memory_space<vmem>>[vector<16xi32>, vector<16xi32>], vector<16xi32>,
      }
      %scan3A_274 = arith.constant 125 : i32
      %add3A_275 = arith.addi %mul3A_2, %mul3A_253 : i32
      %dma_start3A_276 = arith.constant 0 : i32
      %dma_start3A_277 = tpu.memref_slice %arg8[%add3A_275, %dma_start3A_276] : memref<2400000x8xi32, #tpu.memory_space<hbm>> -> memref<2000x8xi32, #tpu.memory_space<hbm>>
      %dma_start3A_278 = arith.constant 0 : i32
      %dma_start3A_279 = tpu.memref_slice %arg8[%add3A_275, %dma_start3A_278] : memref<2400000x8xi32, #tpu.memory_space<hbm>> -> memref<2000x8xi32, #tpu.memory_space<hbm>>
      tpu.enqueue_dma source(%arg33 : memref<2000x8xi32, #tpu.memory_space<vmem>>) target(%dma_start3A_279 : memref<2000x8xi32, #tpu.memory_space<hbm>>) target_semaphore(%arg36 : memref<!tpu.dma_semaphore, #tpu.memory_space<semaphore_mem>>)
      %ge3A_280 = arith.constant 1 : i32
      %ge3A_281 = arith.cmpi sge, %add3A_243, %ge3A_280 : i32
      %convert_element_type3A_282 = arith.extui %ge3A_281 : i1 to i32
      %cond3A_283 = arith.constant 0 : i32
      %cond3A_284 = arith.cmpi ne, %convert_element_type3A_282, %cond3A_283 : i32
      scf.if %cond3A_284 {
        %dma_wait3A_322 = arith.constant 0 : i32
        %dma_wait3A_323 = arith.constant 0 : i32
        %dma_wait3A_324 = tpu.memref_slice %arg8[%dma_wait3A_322, %dma_wait3A_323] : memref<2400000x8xi32, #tpu.memory_space<hbm>> -> memref<2000x8xi32, #tpu.memory_space<hbm>>
        %dma_wait3A_325 = arith.constant 0 : i32
        %dma_wait3A_326 = arith.constant 0 : i32
        %dma_wait3A_327 = tpu.memref_slice %arg8[%dma_wait3A_325, %dma_wait3A_326] : memref<2400000x8xi32, #tpu.memory_space<hbm>> -> memref<2000x8xi32, #tpu.memory_space<hbm>>
        tpu.wait_dma2 semaphore(%arg36 : memref<!tpu.dma_semaphore, #tpu.memory_space<semaphore_mem>>) src(%arg34 : memref<2000x8xi32, #tpu.memory_space<vmem>>) dst(%dma_wait3A_327 : memref<2000x8xi32, #tpu.memory_space<hbm>>)
      } else {
      }
      %mul3A_285 = arith.constant 2 : i32
      %mul3A_286 = arith.muli %mul3A_285, %add3A_243 : i32
      %add3A_287 = arith.constant 1 : i32
      %add3A_288 = arith.addi %mul3A_286, %add3A_287 : i32
      %mul3A_289 = arith.constant 16 : i32
      %mul3A_290 = arith.muli %mul3A_289, %add3A_288 : i32
      %add3A_291 = arith.addi %arg1, %mul3A_290 : i32
      %min3A_292 = arith.constant 599 : i32
      %min3A_293 = arith.minsi %add3A_291, %min3A_292 : i32
      %mul3A_294 = arith.constant 2000 : i32
      %mul3A_295 = arith.muli %min3A_293, %mul3A_294 : i32
      %dma_start3A_296 = tpu.memref_slice %arg2[%mul3A_295] : memref<1200000xi32, #tpu.memory_space<hbm>> -> memref<2000xi32, #tpu.memory_space<hbm>>
      %dma_start3A_297 = tpu.memref_slice %arg2[%mul3A_295] : memref<1200000xi32, #tpu.memory_space<hbm>> -> memref<2000xi32, #tpu.memory_space<hbm>>
      tpu.enqueue_dma source(%dma_start3A_297 : memref<2000xi32, #tpu.memory_space<hbm>>) target(%arg29 : memref<2000xi32, #tpu.memory_space<vmem>>) target_semaphore(%arg35 : memref<!tpu.dma_semaphore, #tpu.memory_space<semaphore_mem>>)
      %dma_start3A_298 = tpu.memref_slice %arg3[%mul3A_295] : memref<1200000xi32, #tpu.memory_space<hbm>> -> memref<2000xi32, #tpu.memory_space<hbm>>
      %dma_start3A_299 = tpu.memref_slice %arg3[%mul3A_295] : memref<1200000xi32, #tpu.memory_space<hbm>> -> memref<2000xi32, #tpu.memory_space<hbm>>
      tpu.enqueue_dma source(%dma_start3A_299 : memref<2000xi32, #tpu.memory_space<hbm>>) target(%arg30 : memref<2000xi32, #tpu.memory_space<vmem>>) target_semaphore(%arg35 : memref<!tpu.dma_semaphore, #tpu.memory_space<semaphore_mem>>)
      %dma_start3A_300 = tpu.memref_slice %arg4[%mul3A_295] : memref<1200000xi32, #tpu.memory_space<hbm>> -> memref<2000xi32, #tpu.memory_space<hbm>>
      %dma_start3A_301 = tpu.memref_slice %arg4[%mul3A_295] : memref<1200000xi32, #tpu.memory_space<hbm>> -> memref<2000xi32, #tpu.memory_space<hbm>>
      tpu.enqueue_dma source(%dma_start3A_301 : memref<2000xi32, #tpu.memory_space<hbm>>) target(%arg31 : memref<2000xi32, #tpu.memory_space<vmem>>) target_semaphore(%arg35 : memref<!tpu.dma_semaphore, #tpu.memory_space<semaphore_mem>>)
      %dma_start3A_302 = tpu.memref_slice %arg5[%mul3A_295] : memref<1200000xi32, #tpu.memory_space<hbm>> -> memref<2000xi32, #tpu.memory_space<hbm>>
      %dma_start3A_303 = tpu.memref_slice %arg5[%mul3A_295] : memref<1200000xi32, #tpu.memory_space<hbm>> -> memref<2000xi32, #tpu.memory_space<hbm>>
      tpu.enqueue_dma source(%dma_start3A_303 : memref<2000xi32, #tpu.memory_space<hbm>>) target(%arg32 : memref<2000xi32, #tpu.memory_space<vmem>>) target_semaphore(%arg35 : memref<!tpu.dma_semaphore, #tpu.memory_space<semaphore_mem>>)
      %dma_wait3A_304 = tpu.memref_slice %arg2[%mul3A_295] : memref<1200000xi32, #tpu.memory_space<hbm>> -> memref<2000xi32, #tpu.memory_space<hbm>>
      %dma_wait3A_305 = tpu.memref_slice %arg2[%mul3A_295] : memref<1200000xi32, #tpu.memory_space<hbm>> -> memref<2000xi32, #tpu.memory_space<hbm>>
      tpu.wait_dma2 semaphore(%arg35 : memref<!tpu.dma_semaphore, #tpu.memory_space<semaphore_mem>>) src(%dma_wait3A_305 : memref<2000xi32, #tpu.memory_space<hbm>>) dst(%arg29 : memref<2000xi32, #tpu.memory_space<vmem>>)
      %dma_wait3A_306 = tpu.memref_slice %arg3[%mul3A_295] : memref<1200000xi32, #tpu.memory_space<hbm>> -> memref<2000xi32, #tpu.memory_space<hbm>>
      %dma_wait3A_307 = tpu.memref_slice %arg3[%mul3A_295] : memref<1200000xi32, #tpu.memory_space<hbm>> -> memref<2000xi32, #tpu.memory_space<hbm>>
      tpu.wait_dma2 semaphore(%arg35 : memref<!tpu.dma_semaphore, #tpu.memory_space<semaphore_mem>>) src(%dma_wait3A_307 : memref<2000xi32, #tpu.memory_space<hbm>>) dst(%arg30 : memref<2000xi32, #tpu.memory_space<vmem>>)
      %dma_wait3A_308 = tpu.memref_slice %arg4[%mul3A_295] : memref<1200000xi32, #tpu.memory_space<hbm>> -> memref<2000xi32, #tpu.memory_space<hbm>>
      %dma_wait3A_309 = tpu.memref_slice %arg4[%mul3A_295] : memref<1200000xi32, #tpu.memory_space<hbm>> -> memref<2000xi32, #tpu.memory_space<hbm>>
      tpu.wait_dma2 semaphore(%arg35 : memref<!tpu.dma_semaphore, #tpu.memory_space<semaphore_mem>>) src(%dma_wait3A_309 : memref<2000xi32, #tpu.memory_space<hbm>>) dst(%arg31 : memref<2000xi32, #tpu.memory_space<vmem>>)
      %dma_wait3A_310 = tpu.memref_slice %arg5[%mul3A_295] : memref<1200000xi32, #tpu.memory_space<hbm>> -> memref<2000xi32, #tpu.memory_space<hbm>>
      %dma_wait3A_311 = tpu.memref_slice %arg5[%mul3A_295] : memref<1200000xi32, #tpu.memory_space<hbm>> -> memref<2000xi32, #tpu.memory_space<hbm>>
      tpu.wait_dma2 semaphore(%arg35 : memref<!tpu.dma_semaphore, #tpu.memory_space<semaphore_mem>>) src(%dma_wait3A_311 : memref<2000xi32, #tpu.memory_space<hbm>>) dst(%arg32 : memref<2000xi32, #tpu.memory_space<vmem>>)
      %scan3A_312 = arith.constant 0 : i32
      %scan3A_313 = arith.constant 125 : i32
      %scan3A_314 = arith.addi %scan3A_312, %scan3A_313 : i32
      %scan3A_315 = arith.constant 1 : i32
      scf.for %scan3A_322 = %scan3A_312 to %scan3A_314 step %scan3A_315  : i32 {
        %mul3A_323 = arith.constant 16 : i32
        %mul3A_324 = arith.muli %scan3A_322, %mul3A_323 : i32
        %add3A_325 = arith.constant 0 : i32
        %add3A_326 = arith.addi %add3A_325, %mul3A_324 : i32
        %add3A_327 = vector.broadcast %add3A_326 : i32 to vector<16xi32>
        %add3A_328 = arith.addi %add3A_327, %iota3A : vector<16xi32>
        %get3A = arith.index_cast %add3A_326 : i32 to index
        %get3A_329 = tpu.vector_load %arg29[%get3A] {strides = array<i32>} : memref<2000xi32, #tpu.memory_space<vmem>>, vector<16xi32>,
        tpu.vector_store_idx %arg34[%add3A_328, %broadcast_in_dim3A_5], %get3A_329 : memref<2000x8xi32, #tpu.memory_space<vmem>>[vector<16xi32>, vector<16xi32>], vector<16xi32>,
        %get3A_330 = arith.index_cast %add3A_326 : i32 to index
        %get3A_331 = tpu.vector_load %arg30[%get3A_330] {strides = array<i32>} : memref<2000xi32, #tpu.memory_space<vmem>>, vector<16xi32>,
        tpu.vector_store_idx %arg34[%add3A_328, %broadcast_in_dim3A_7], %get3A_331 : memref<2000x8xi32, #tpu.memory_space<vmem>>[vector<16xi32>, vector<16xi32>], vector<16xi32>,
        %get3A_332 = arith.index_cast %add3A_326 : i32 to index
        %get3A_333 = tpu.vector_load %arg31[%get3A_332] {strides = array<i32>} : memref<2000xi32, #tpu.memory_space<vmem>>, vector<16xi32>,
        tpu.vector_store_idx %arg34[%add3A_328, %broadcast_in_dim3A_9], %get3A_333 : memref<2000x8xi32, #tpu.memory_space<vmem>>[vector<16xi32>, vector<16xi32>], vector<16xi32>,
        %get3A_334 = arith.index_cast %add3A_326 : i32 to index
        %get3A_335 = tpu.vector_load %arg32[%get3A_334] {strides = array<i32>} : memref<2000xi32, #tpu.memory_space<vmem>>, vector<16xi32>,
        tpu.vector_store_idx %arg34[%add3A_328, %broadcast_in_dim3A_11], %get3A_335 : memref<2000x8xi32, #tpu.memory_space<vmem>>[vector<16xi32>, vector<16xi32>], vector<16xi32>,
      }
      %scan3A_316 = arith.constant 125 : i32
      %add3A_317 = arith.addi %mul3A_2, %mul3A_295 : i32
      %dma_start3A_318 = arith.constant 0 : i32
      %dma_start3A_319 = tpu.memref_slice %arg8[%add3A_317, %dma_start3A_318] : memref<2400000x8xi32, #tpu.memory_space<hbm>> -> memref<2000x8xi32, #tpu.memory_space<hbm>>
      %dma_start3A_320 = arith.constant 0 : i32
      %dma_start3A_321 = tpu.memref_slice %arg8[%add3A_317, %dma_start3A_320] : memref<2400000x8xi32, #tpu.memory_space<hbm>> -> memref<2000x8xi32, #tpu.memory_space<hbm>>
      tpu.enqueue_dma source(%arg34 : memref<2000x8xi32, #tpu.memory_space<vmem>>) target(%dma_start3A_321 : memref<2000x8xi32, #tpu.memory_space<hbm>>) target_semaphore(%arg36 : memref<!tpu.dma_semaphore, #tpu.memory_space<semaphore_mem>>)
    }
    %scan3A_15 = arith.constant 19 : i32
    %dma_wait3A = arith.constant 0 : i32
    %dma_wait3A_16 = arith.constant 0 : i32
    %dma_wait3A_17 = tpu.memref_slice %arg8[%dma_wait3A, %dma_wait3A_16] : memref<2400000x8xi32, #tpu.memory_space<hbm>> -> memref<2000x8xi32, #tpu.memory_space<hbm>>
    %dma_wait3A_18 = arith.constant 0 : i32
    %dma_wait3A_19 = arith.constant 0 : i32
    %dma_wait3A_20 = tpu.memref_slice %arg8[%dma_wait3A_18, %dma_wait3A_19] : memref<2400000x8xi32, #tpu.memory_space<hbm>> -> memref<2000x8xi32, #tpu.memory_space<hbm>>
    tpu.wait_dma2 semaphore(%arg36 : memref<!tpu.dma_semaphore, #tpu.memory_space<semaphore_mem>>) src(%arg33 : memref<2000x8xi32, #tpu.memory_space<vmem>>) dst(%dma_wait3A_20 : memref<2000x8xi32, #tpu.memory_space<hbm>>)
    %dma_wait3A_21 = arith.constant 0 : i32
    %dma_wait3A_22 = arith.constant 0 : i32
    %dma_wait3A_23 = tpu.memref_slice %arg8[%dma_wait3A_21, %dma_wait3A_22] : memref<2400000x8xi32, #tpu.memory_space<hbm>> -> memref<2000x8xi32, #tpu.memory_space<hbm>>
    %dma_wait3A_24 = arith.constant 0 : i32
    %dma_wait3A_25 = arith.constant 0 : i32
    %dma_wait3A_26 = tpu.memref_slice %arg8[%dma_wait3A_24, %dma_wait3A_25] : memref<2400000x8xi32, #tpu.memory_space<hbm>> -> memref<2000x8xi32, #tpu.memory_space<hbm>>
    tpu.wait_dma2 semaphore(%arg36 : memref<!tpu.dma_semaphore, #tpu.memory_space<semaphore_mem>>) src(%arg34 : memref<2000x8xi32, #tpu.memory_space<vmem>>) dst(%dma_wait3A_26 : memref<2000x8xi32, #tpu.memory_space<hbm>>)
    %barrier3A = arith.constant 0 : index
    tpu.barrier barrier_id(%barrier3A)
    %mul3A_27 = arith.constant 4 : i32
    %mul3A_28 = arith.muli %add3A, %mul3A_27 : i32
    %add3A_29 = arith.constant 0 : i32
    %add3A_30 = arith.addi %mul3A_28, %add3A_29 : i32
    %rem3A = arith.constant 0 : i32
    %rem3A_31 = arith.constant 8 : i32
    %rem3A_32 = arith.remsi %rem3A, %rem3A_31 : i32
    %mul3A_33 = arith.constant 16384 : i32
    %mul3A_34 = arith.muli %add3A_30, %mul3A_33 : i32
    %mul3A_35 = arith.constant 2048 : i32
    %mul3A_36 = arith.muli %rem3A_32, %mul3A_35 : i32
    %add3A_37 = arith.addi %mul3A_34, %mul3A_36 : i32
    %mul3A_38 = arith.constant 2 : i32
    %mul3A_39 = arith.muli %mul3A_38, %add3A_37 : i32
    %dma_start3A = tpu.memref_slice %arg6[%mul3A_39] : memref<4194304xf32, #tpu.memory_space<hbm>> -> memref<4096xf32, #tpu.memory_space<hbm>>
    %dma_start3A_40 = tpu.memref_slice %arg6[%mul3A_39] : memref<4194304xf32, #tpu.memory_space<hbm>> -> memref<4096xf32, #tpu.memory_space<hbm>>
    tpu.enqueue_dma source(%dma_start3A_40 : memref<4096xf32, #tpu.memory_space<hbm>>) target(%arg9 : memref<4096xf32, #tpu.memory_space<vmem>>) target_semaphore(%arg16 : memref<!tpu.dma_semaphore, #tpu.memory_space<semaphore_mem>>)
    %dma_wait3A_41 = arith.constant 0 : i32
    %dma_wait3A_42 = tpu.memref_slice %arg6[%dma_wait3A_41] : memref<4194304xf32, #tpu.memory_space<hbm>> -> memref<4096xf32, #tpu.memory_space<hbm>>
    %dma_wait3A_43 = arith.constant 0 : i32
    %dma_wait3A_44 = tpu.memref_slice %arg6[%dma_wait3A_43] : memref<4194304xf32, #tpu.memory_space<hbm>> -> memref<4096xf32, #tpu.memory_space<hbm>>
    tpu.wait_dma2 semaphore(%arg16 : memref<!tpu.dma_semaphore, #tpu.memory_space<semaphore_mem>>) src(%dma_wait3A_44 : memref<4096xf32, #tpu.memory_space<hbm>>) dst(%arg9 : memref<4096xf32, #tpu.memory_space<vmem>>)
    %scan3A_45 = arith.constant 0 : i32
    %scan3A_46 = arith.constant 16 : i32
    %scan3A_47 = arith.addi %scan3A_45, %scan3A_46 : i32
    %scan3A_48 = arith.constant 1 : i32
    scf.for %scan3A_239 = %scan3A_45 to %scan3A_47 step %scan3A_48  : i32 {
      %mul3A_240 = arith.constant 1 : i32
      %mul3A_241 = arith.muli %scan3A_239, %mul3A_240 : i32
      %add3A_242 = arith.constant 0 : i32
      %add3A_243 = arith.addi %add3A_242, %mul3A_241 : i32
      %scan3A_244 = arith.constant 0 : i32
      %scan3A_245 = arith.constant 2 : i32
      %scan3A_246 = arith.addi %scan3A_244, %scan3A_245 : i32
      %scan3A_247 = arith.constant 1 : i32
      scf.for %scan3A_249 = %scan3A_244 to %scan3A_246 step %scan3A_247  : i32 {
        %mul3A_250 = arith.constant 64 : i32
        %mul3A_251 = arith.muli %scan3A_249, %mul3A_250 : i32
        %add3A_252 = arith.constant 0 : i32
        %add3A_253 = arith.addi %add3A_252, %mul3A_251 : i32
        %mul3A_254 = arith.constant 256 : i32
        %mul3A_255 = arith.muli %add3A_243, %mul3A_254 : i32
        %add3A_256 = arith.addi %mul3A_255, %add3A_253 : i32
        %add3A_257 = arith.constant 0 : i32
        %add3A_258 = arith.addi %add3A_256, %add3A_257 : i32
        %mul3A_259 = arith.constant 128 : i32
        %mul3A_260 = arith.muli %add3A_243, %mul3A_259 : i32
        %add3A_261 = arith.addi %mul3A_260, %add3A_253 : i32
        %add3A_262 = arith.constant 0 : i32
        %add3A_263 = arith.addi %add3A_261, %add3A_262 : i32
        %get3A = arith.index_cast %add3A_258 : i32 to index
        %get3A_264 = tpu.vector_load %arg9[%get3A] {strides = array<i32>} : memref<4096xf32, #tpu.memory_space<vmem>>, vector<16xf32>,
        %add3A_265 = arith.constant 128 : i32
        %add3A_266 = arith.addi %add3A_258, %add3A_265 : i32
        %get3A_267 = arith.index_cast %add3A_266 : i32 to index
        %get3A_268 = tpu.vector_load %arg9[%get3A_267] {strides = array<i32>} : memref<4096xf32, #tpu.memory_space<vmem>>, vector<16xf32>,
        %mul3A_269 = arith.constant 5.995000e+02 : f32
        %mul3A_270 = vector.broadcast %mul3A_269 : f32 to vector<16xf32>
        %mul3A_271 = arith.mulf %get3A_264, %mul3A_270 : vector<16xf32>
        %add3A_272 = arith.constant 5.995000e+02 : f32
        %add3A_273 = vector.broadcast %add3A_272 : f32 to vector<16xf32>
        %add3A_274 = arith.addf %mul3A_271, %add3A_273 : vector<16xf32>
        %min3A = arith.constant 1.199000e+03 : f32
        %min3A_275 = vector.broadcast %min3A : f32 to vector<16xf32>
        %min3A_276 = arith.minimumf %add3A_274, %min3A_275 : vector<16xf32>
        %mul3A_277 = arith.constant 4.995000e+02 : f32
        %mul3A_278 = vector.broadcast %mul3A_277 : f32 to vector<16xf32>
        %mul3A_279 = arith.mulf %get3A_268, %mul3A_278 : vector<16xf32>
        %add3A_280 = arith.constant 4.995000e+02 : f32
        %add3A_281 = vector.broadcast %add3A_280 : f32 to vector<16xf32>
        %add3A_282 = arith.addf %mul3A_279, %add3A_281 : vector<16xf32>
        %min3A_283 = arith.constant 9.990000e+02 : f32
        %min3A_284 = vector.broadcast %min3A_283 : f32 to vector<16xf32>
        %min3A_285 = arith.minimumf %add3A_282, %min3A_284 : vector<16xf32>
        %convert_element_type3A = arith.fptosi %min3A_276 : vector<16xf32> to vector<16xi32>
        %convert_element_type3A_286 = arith.fptosi %min3A_285 : vector<16xf32> to vector<16xi32>
        %mul3A_287 = arith.constant 1000 : i32
        %mul3A_288 = vector.broadcast %mul3A_287 : i32 to vector<16xi32>
        %mul3A_289 = arith.muli %convert_element_type3A, %mul3A_288 : vector<16xi32>
        %add3A_290 = arith.addi %mul3A_289, %convert_element_type3A_286 : vector<16xi32>
        %add3A_291 = vector.broadcast %mul3A_2 : i32 to vector<16xi32>
        %add3A_292 = arith.addi %add3A_290, %add3A_291 : vector<16xi32>
        %swap3A = arith.index_cast %add3A_263 : i32 to index
        %swap3A_293 = tpu.vector_load %arg10[%swap3A] {strides = array<i32>} : memref<2048xi32, #tpu.memory_space<vmem>>, vector<16xi32>,
        tpu.vector_store %arg10[%swap3A], %add3A_292 {strides = array<i32>} : memref<2048xi32, #tpu.memory_space<vmem>>, vector<16xi32>,
        %convert_element_type3A_294 = arith.sitofp %convert_element_type3A : vector<16xi32> to vector<16xf32>
        %sub3A = arith.subf %min3A_276, %convert_element_type3A_294 : vector<16xf32>
        %swap3A_295 = arith.index_cast %add3A_263 : i32 to index
        %swap3A_296 = tpu.vector_load %arg11[%swap3A_295] {strides = array<i32>} : memref<2048xf32, #tpu.memory_space<vmem>>, vector<16xf32>,
        tpu.vector_store %arg11[%swap3A_295], %sub3A {strides = array<i32>} : memref<2048xf32, #tpu.memory_space<vmem>>, vector<16xf32>,
        %convert_element_type3A_297 = arith.sitofp %convert_element_type3A_286 : vector<16xi32> to vector<16xf32>
        %sub3A_298 = arith.subf %min3A_285, %convert_element_type3A_297 : vector<16xf32>
        %swap3A_299 = arith.index_cast %add3A_263 : i32 to index
        %swap3A_300 = tpu.vector_load %arg12[%swap3A_299] {strides = array<i32>} : memref<2048xf32, #tpu.memory_space<vmem>>, vector<16xf32>,
        tpu.vector_store %arg12[%swap3A_299], %sub3A_298 {strides = array<i32>} : memref<2048xf32, #tpu.memory_space<vmem>>, vector<16xf32>,
        %mul3A_301 = arith.constant 256 : i32
        %mul3A_302 = arith.muli %add3A_243, %mul3A_301 : i32
        %add3A_303 = arith.addi %mul3A_302, %add3A_253 : i32
        %add3A_304 = arith.constant 16 : i32
        %add3A_305 = arith.addi %add3A_303, %add3A_304 : i32
        %mul3A_306 = arith.constant 128 : i32
        %mul3A_307 = arith.muli %add3A_243, %mul3A_306 : i32
        %add3A_308 = arith.addi %mul3A_307, %add3A_253 : i32
        %add3A_309 = arith.constant 16 : i32
        %add3A_310 = arith.addi %add3A_308, %add3A_309 : i32
        %get3A_311 = arith.index_cast %add3A_305 : i32 to index
        %get3A_312 = tpu.vector_load %arg9[%get3A_311] {strides = array<i32>} : memref<4096xf32, #tpu.memory_space<vmem>>, vector<16xf32>,
        %add3A_313 = arith.constant 128 : i32
        %add3A_314 = arith.addi %add3A_305, %add3A_313 : i32
        %get3A_315 = arith.index_cast %add3A_314 : i32 to index
        %get3A_316 = tpu.vector_load %arg9[%get3A_315] {strides = array<i32>} : memref<4096xf32, #tpu.memory_space<vmem>>, vector<16xf32>,
        %mul3A_317 = arith.constant 5.995000e+02 : f32
        %mul3A_318 = vector.broadcast %mul3A_317 : f32 to vector<16xf32>
        %mul3A_319 = arith.mulf %get3A_312, %mul3A_318 : vector<16xf32>
        %add3A_320 = arith.constant 5.995000e+02 : f32
        %add3A_321 = vector.broadcast %add3A_320 : f32 to vector<16xf32>
        %add3A_322 = arith.addf %mul3A_319, %add3A_321 : vector<16xf32>
        %min3A_323 = arith.constant 1.199000e+03 : f32
        %min3A_324 = vector.broadcast %min3A_323 : f32 to vector<16xf32>
        %min3A_325 = arith.minimumf %add3A_322, %min3A_324 : vector<16xf32>
        %mul3A_326 = arith.constant 4.995000e+02 : f32
        %mul3A_327 = vector.broadcast %mul3A_326 : f32 to vector<16xf32>
        %mul3A_328 = arith.mulf %get3A_316, %mul3A_327 : vector<16xf32>
        %add3A_329 = arith.constant 4.995000e+02 : f32
        %add3A_330 = vector.broadcast %add3A_329 : f32 to vector<16xf32>
        %add3A_331 = arith.addf %mul3A_328, %add3A_330 : vector<16xf32>
        %min3A_332 = arith.constant 9.990000e+02 : f32
        %min3A_333 = vector.broadcast %min3A_332 : f32 to vector<16xf32>
        %min3A_334 = arith.minimumf %add3A_331, %min3A_333 : vector<16xf32>
        %convert_element_type3A_335 = arith.fptosi %min3A_325 : vector<16xf32> to vector<16xi32>
        %convert_element_type3A_336 = arith.fptosi %min3A_334 : vector<16xf32> to vector<16xi32>
        %mul3A_337 = arith.constant 1000 : i32
        %mul3A_338 = vector.broadcast %mul3A_337 : i32 to vector<16xi32>
        %mul3A_339 = arith.muli %convert_element_type3A_335, %mul3A_338 : vector<16xi32>
        %add3A_340 = arith.addi %mul3A_339, %convert_element_type3A_336 : vector<16xi32>
        %add3A_341 = vector.broadcast %mul3A_2 : i32 to vector<16xi32>
        %add3A_342 = arith.addi %add3A_340, %add3A_341 : vector<16xi32>
        %swap3A_343 = arith.index_cast %add3A_310 : i32 to index
        %swap3A_344 = tpu.vector_load %arg10[%swap3A_343] {strides = array<i32>} : memref<2048xi32, #tpu.memory_space<vmem>>, vector<16xi32>,
        tpu.vector_store %arg10[%swap3A_343], %add3A_342 {strides = array<i32>} : memref<2048xi32, #tpu.memory_space<vmem>>, vector<16xi32>,
        %convert_element_type3A_345 = arith.sitofp %convert_element_type3A_335 : vector<16xi32> to vector<16xf32>
        %sub3A_346 = arith.subf %min3A_325, %convert_element_type3A_345 : vector<16xf32>
        %swap3A_347 = arith.index_cast %add3A_310 : i32 to index
        %swap3A_348 = tpu.vector_load %arg11[%swap3A_347] {strides = array<i32>} : memref<2048xf32, #tpu.memory_space<vmem>>, vector<16xf32>,
        tpu.vector_store %arg11[%swap3A_347], %sub3A_346 {strides = array<i32>} : memref<2048xf32, #tpu.memory_space<vmem>>, vector<16xf32>,
        %convert_element_type3A_349 = arith.sitofp %convert_element_type3A_336 : vector<16xi32> to vector<16xf32>
        %sub3A_350 = arith.subf %min3A_334, %convert_element_type3A_349 : vector<16xf32>
        %swap3A_351 = arith.index_cast %add3A_310 : i32 to index
        %swap3A_352 = tpu.vector_load %arg12[%swap3A_351] {strides = array<i32>} : memref<2048xf32, #tpu.memory_space<vmem>>, vector<16xf32>,
        tpu.vector_store %arg12[%swap3A_351], %sub3A_350 {strides = array<i32>} : memref<2048xf32, #tpu.memory_space<vmem>>, vector<16xf32>,
        %mul3A_353 = arith.constant 256 : i32
        %mul3A_354 = arith.muli %add3A_243, %mul3A_353 : i32
        %add3A_355 = arith.addi %mul3A_354, %add3A_253 : i32
        %add3A_356 = arith.constant 32 : i32
        %add3A_357 = arith.addi %add3A_355, %add3A_356 : i32
        %mul3A_358 = arith.constant 128 : i32
        %mul3A_359 = arith.muli %add3A_243, %mul3A_358 : i32
        %add3A_360 = arith.addi %mul3A_359, %add3A_253 : i32
        %add3A_361 = arith.constant 32 : i32
        %add3A_362 = arith.addi %add3A_360, %add3A_361 : i32
        %get3A_363 = arith.index_cast %add3A_357 : i32 to index
        %get3A_364 = tpu.vector_load %arg9[%get3A_363] {strides = array<i32>} : memref<4096xf32, #tpu.memory_space<vmem>>, vector<16xf32>,
        %add3A_365 = arith.constant 128 : i32
        %add3A_366 = arith.addi %add3A_357, %add3A_365 : i32
        %get3A_367 = arith.index_cast %add3A_366 : i32 to index
        %get3A_368 = tpu.vector_load %arg9[%get3A_367] {strides = array<i32>} : memref<4096xf32, #tpu.memory_space<vmem>>, vector<16xf32>,
        %mul3A_369 = arith.constant 5.995000e+02 : f32
        %mul3A_370 = vector.broadcast %mul3A_369 : f32 to vector<16xf32>
        %mul3A_371 = arith.mulf %get3A_364, %mul3A_370 : vector<16xf32>
        %add3A_372 = arith.constant 5.995000e+02 : f32
        %add3A_373 = vector.broadcast %add3A_372 : f32 to vector<16xf32>
        %add3A_374 = arith.addf %mul3A_371, %add3A_373 : vector<16xf32>
        %min3A_375 = arith.constant 1.199000e+03 : f32
        %min3A_376 = vector.broadcast %min3A_375 : f32 to vector<16xf32>
        %min3A_377 = arith.minimumf %add3A_374, %min3A_376 : vector<16xf32>
        %mul3A_378 = arith.constant 4.995000e+02 : f32
        %mul3A_379 = vector.broadcast %mul3A_378 : f32 to vector<16xf32>
        %mul3A_380 = arith.mulf %get3A_368, %mul3A_379 : vector<16xf32>
        %add3A_381 = arith.constant 4.995000e+02 : f32
        %add3A_382 = vector.broadcast %add3A_381 : f32 to vector<16xf32>
        %add3A_383 = arith.addf %mul3A_380, %add3A_382 : vector<16xf32>
        %min3A_384 = arith.constant 9.990000e+02 : f32
        %min3A_385 = vector.broadcast %min3A_384 : f32 to vector<16xf32>
        %min3A_386 = arith.minimumf %add3A_383, %min3A_385 : vector<16xf32>
        %convert_element_type3A_387 = arith.fptosi %min3A_377 : vector<16xf32> to vector<16xi32>
        %convert_element_type3A_388 = arith.fptosi %min3A_386 : vector<16xf32> to vector<16xi32>
        %mul3A_389 = arith.constant 1000 : i32
        %mul3A_390 = vector.broadcast %mul3A_389 : i32 to vector<16xi32>
        %mul3A_391 = arith.muli %convert_element_type3A_387, %mul3A_390 : vector<16xi32>
        %add3A_392 = arith.addi %mul3A_391, %convert_element_type3A_388 : vector<16xi32>
        %add3A_393 = vector.broadcast %mul3A_2 : i32 to vector<16xi32>
        %add3A_394 = arith.addi %add3A_392, %add3A_393 : vector<16xi32>
        %swap3A_395 = arith.index_cast %add3A_362 : i32 to index
        %swap3A_396 = tpu.vector_load %arg10[%swap3A_395] {strides = array<i32>} : memref<2048xi32, #tpu.memory_space<vmem>>, vector<16xi32>,
        tpu.vector_store %arg10[%swap3A_395], %add3A_394 {strides = array<i32>} : memref<2048xi32, #tpu.memory_space<vmem>>, vector<16xi32>,
        %convert_element_type3A_397 = arith.sitofp %convert_element_type3A_387 : vector<16xi32> to vector<16xf32>
        %sub3A_398 = arith.subf %min3A_377, %convert_element_type3A_397 : vector<16xf32>
        %swap3A_399 = arith.index_cast %add3A_362 : i32 to index
        %swap3A_400 = tpu.vector_load %arg11[%swap3A_399] {strides = array<i32>} : memref<2048xf32, #tpu.memory_space<vmem>>, vector<16xf32>,
        tpu.vector_store %arg11[%swap3A_399], %sub3A_398 {strides = array<i32>} : memref<2048xf32, #tpu.memory_space<vmem>>, vector<16xf32>,
        %convert_element_type3A_401 = arith.sitofp %convert_element_type3A_388 : vector<16xi32> to vector<16xf32>
        %sub3A_402 = arith.subf %min3A_386, %convert_element_type3A_401 : vector<16xf32>
        %swap3A_403 = arith.index_cast %add3A_362 : i32 to index
        %swap3A_404 = tpu.vector_load %arg12[%swap3A_403] {strides = array<i32>} : memref<2048xf32, #tpu.memory_space<vmem>>, vector<16xf32>,
        tpu.vector_store %arg12[%swap3A_403], %sub3A_402 {strides = array<i32>} : memref<2048xf32, #tpu.memory_space<vmem>>, vector<16xf32>,
        %mul3A_405 = arith.constant 256 : i32
        %mul3A_406 = arith.muli %add3A_243, %mul3A_405 : i32
        %add3A_407 = arith.addi %mul3A_406, %add3A_253 : i32
        %add3A_408 = arith.constant 48 : i32
        %add3A_409 = arith.addi %add3A_407, %add3A_408 : i32
        %mul3A_410 = arith.constant 128 : i32
        %mul3A_411 = arith.muli %add3A_243, %mul3A_410 : i32
        %add3A_412 = arith.addi %mul3A_411, %add3A_253 : i32
        %add3A_413 = arith.constant 48 : i32
        %add3A_414 = arith.addi %add3A_412, %add3A_413 : i32
        %get3A_415 = arith.index_cast %add3A_409 : i32 to index
        %get3A_416 = tpu.vector_load %arg9[%get3A_415] {strides = array<i32>} : memref<4096xf32, #tpu.memory_space<vmem>>, vector<16xf32>,
        %add3A_417 = arith.constant 128 : i32
        %add3A_418 = arith.addi %add3A_409, %add3A_417 : i32
        %get3A_419 = arith.index_cast %add3A_418 : i32 to index
        %get3A_420 = tpu.vector_load %arg9[%get3A_419] {strides = array<i32>} : memref<4096xf32, #tpu.memory_space<vmem>>, vector<16xf32>,
        %mul3A_421 = arith.constant 5.995000e+02 : f32
        %mul3A_422 = vector.broadcast %mul3A_421 : f32 to vector<16xf32>
        %mul3A_423 = arith.mulf %get3A_416, %mul3A_422 : vector<16xf32>
        %add3A_424 = arith.constant 5.995000e+02 : f32
        %add3A_425 = vector.broadcast %add3A_424 : f32 to vector<16xf32>
        %add3A_426 = arith.addf %mul3A_423, %add3A_425 : vector<16xf32>
        %min3A_427 = arith.constant 1.199000e+03 : f32
        %min3A_428 = vector.broadcast %min3A_427 : f32 to vector<16xf32>
        %min3A_429 = arith.minimumf %add3A_426, %min3A_428 : vector<16xf32>
        %mul3A_430 = arith.constant 4.995000e+02 : f32
        %mul3A_431 = vector.broadcast %mul3A_430 : f32 to vector<16xf32>
        %mul3A_432 = arith.mulf %get3A_420, %mul3A_431 : vector<16xf32>
        %add3A_433 = arith.constant 4.995000e+02 : f32
        %add3A_434 = vector.broadcast %add3A_433 : f32 to vector<16xf32>
        %add3A_435 = arith.addf %mul3A_432, %add3A_434 : vector<16xf32>
        %min3A_436 = arith.constant 9.990000e+02 : f32
        %min3A_437 = vector.broadcast %min3A_436 : f32 to vector<16xf32>
        %min3A_438 = arith.minimumf %add3A_435, %min3A_437 : vector<16xf32>
        %convert_element_type3A_439 = arith.fptosi %min3A_429 : vector<16xf32> to vector<16xi32>
        %convert_element_type3A_440 = arith.fptosi %min3A_438 : vector<16xf32> to vector<16xi32>
        %mul3A_441 = arith.constant 1000 : i32
        %mul3A_442 = vector.broadcast %mul3A_441 : i32 to vector<16xi32>
        %mul3A_443 = arith.muli %convert_element_type3A_439, %mul3A_442 : vector<16xi32>
        %add3A_444 = arith.addi %mul3A_443, %convert_element_type3A_440 : vector<16xi32>
        %add3A_445 = vector.broadcast %mul3A_2 : i32 to vector<16xi32>
        %add3A_446 = arith.addi %add3A_444, %add3A_445 : vector<16xi32>
        %swap3A_447 = arith.index_cast %add3A_414 : i32 to index
        %swap3A_448 = tpu.vector_load %arg10[%swap3A_447] {strides = array<i32>} : memref<2048xi32, #tpu.memory_space<vmem>>, vector<16xi32>,
        tpu.vector_store %arg10[%swap3A_447], %add3A_446 {strides = array<i32>} : memref<2048xi32, #tpu.memory_space<vmem>>, vector<16xi32>,
        %convert_element_type3A_449 = arith.sitofp %convert_element_type3A_439 : vector<16xi32> to vector<16xf32>
        %sub3A_450 = arith.subf %min3A_429, %convert_element_type3A_449 : vector<16xf32>
        %swap3A_451 = arith.index_cast %add3A_414 : i32 to index
        %swap3A_452 = tpu.vector_load %arg11[%swap3A_451] {strides = array<i32>} : memref<2048xf32, #tpu.memory_space<vmem>>, vector<16xf32>,
        tpu.vector_store %arg11[%swap3A_451], %sub3A_450 {strides = array<i32>} : memref<2048xf32, #tpu.memory_space<vmem>>, vector<16xf32>,
        %convert_element_type3A_453 = arith.sitofp %convert_element_type3A_440 : vector<16xi32> to vector<16xf32>
        %sub3A_454 = arith.subf %min3A_438, %convert_element_type3A_453 : vector<16xf32>
        %swap3A_455 = arith.index_cast %add3A_414 : i32 to index
        %swap3A_456 = tpu.vector_load %arg12[%swap3A_455] {strides = array<i32>} : memref<2048xf32, #tpu.memory_space<vmem>>, vector<16xf32>,
        tpu.vector_store %arg12[%swap3A_455], %sub3A_454 {strides = array<i32>} : memref<2048xf32, #tpu.memory_space<vmem>>, vector<16xf32>,
      }
      %scan3A_248 = arith.constant 2 : i32
    }
    %scan3A_49 = arith.constant 16 : i32
    %dma_start3A_50 = arith.constant 0 : i32
    %dma_start3A_51 = arith.constant 0 : i32
    %dma_start3A_52 = tpu.memref_slice %arg13[%dma_start3A_50, %dma_start3A_51] : memref<2048x8xi32, #tpu.memory_space<vmem>> -> memref<128x8xi32, #tpu.memory_space<vmem>>
    %dma_start3A_53 = arith.constant 0 : i32
    %dma_start3A_54 = tpu.memref_slice %arg10[%dma_start3A_53] : memref<2048xi32, #tpu.memory_space<vmem>> -> memref<128xi32, #tpu.memory_space<vmem>>
    %dma_start3A_55 = arith.constant 0 : i32
    %dma_start3A_56 = arith.constant 0 : i32
    %dma_start3A_57 = tpu.memref_slice %arg8[%dma_start3A_55, %dma_start3A_56] : memref<2400000x8xi32, #tpu.memory_space<hbm>> -> memref<2400000x8xi32, #tpu.memory_space<hbm>>
    tpu.enqueue_indirect_dma source(%dma_start3A_57 : memref<2400000x8xi32, #tpu.memory_space<hbm>>) target(%dma_start3A_52 : memref<128x8xi32, #tpu.memory_space<vmem>>) offsets(%dma_start3A_54 : memref<128xi32, #tpu.memory_space<vmem>>) semaphore(%arg17 : memref<!tpu.dma_semaphore, #tpu.memory_space<semaphore_mem>>)
    %dma_start3A_58 = arith.constant 128 : i32
    %dma_start3A_59 = arith.constant 0 : i32
    %dma_start3A_60 = tpu.memref_slice %arg13[%dma_start3A_58, %dma_start3A_59] : memref<2048x8xi32, #tpu.memory_space<vmem>> -> memref<128x8xi32, #tpu.memory_space<vmem>>
    %dma_start3A_61 = arith.constant 128 : i32
    %dma_start3A_62 = tpu.memref_slice %arg10[%dma_start3A_61] : memref<2048xi32, #tpu.memory_space<vmem>> -> memref<128xi32, #tpu.memory_space<vmem>>
    %dma_start3A_63 = arith.constant 0 : i32
    %dma_start3A_64 = arith.constant 0 : i32
    %dma_start3A_65 = tpu.memref_slice %arg8[%dma_start3A_63, %dma_start3A_64] : memref<2400000x8xi32, #tpu.memory_space<hbm>> -> memref<2400000x8xi32, #tpu.memory_space<hbm>>
    tpu.enqueue_indirect_dma source(%dma_start3A_65 : memref<2400000x8xi32, #tpu.memory_space<hbm>>) target(%dma_start3A_60 : memref<128x8xi32, #tpu.memory_space<vmem>>) offsets(%dma_start3A_62 : memref<128xi32, #tpu.memory_space<vmem>>) semaphore(%arg17 : memref<!tpu.dma_semaphore, #tpu.memory_space<semaphore_mem>>)
    %dma_start3A_66 = arith.constant 256 : i32
    %dma_start3A_67 = arith.constant 0 : i32
    %dma_start3A_68 = tpu.memref_slice %arg13[%dma_start3A_66, %dma_start3A_67] : memref<2048x8xi32, #tpu.memory_space<vmem>> -> memref<128x8xi32, #tpu.memory_space<vmem>>
    %dma_start3A_69 = arith.constant 256 : i32
    %dma_start3A_70 = tpu.memref_slice %arg10[%dma_start3A_69] : memref<2048xi32, #tpu.memory_space<vmem>> -> memref<128xi32, #tpu.memory_space<vmem>>
    %dma_start3A_71 = arith.constant 0 : i32
    %dma_start3A_72 = arith.constant 0 : i32
    %dma_start3A_73 = tpu.memref_slice %arg8[%dma_start3A_71, %dma_start3A_72] : memref<2400000x8xi32, #tpu.memory_space<hbm>> -> memref<2400000x8xi32, #tpu.memory_space<hbm>>
    tpu.enqueue_indirect_dma source(%dma_start3A_73 : memref<2400000x8xi32, #tpu.memory_space<hbm>>) target(%dma_start3A_68 : memref<128x8xi32, #tpu.memory_space<vmem>>) offsets(%dma_start3A_70 : memref<128xi32, #tpu.memory_space<vmem>>) semaphore(%arg17 : memref<!tpu.dma_semaphore, #tpu.memory_space<semaphore_mem>>)
    %dma_start3A_74 = arith.constant 384 : i32
    %dma_start3A_75 = arith.constant 0 : i32
    %dma_start3A_76 = tpu.memref_slice %arg13[%dma_start3A_74, %dma_start3A_75] : memref<2048x8xi32, #tpu.memory_space<vmem>> -> memref<128x8xi32, #tpu.memory_space<vmem>>
    %dma_start3A_77 = arith.constant 384 : i32
    %dma_start3A_78 = tpu.memref_slice %arg10[%dma_start3A_77] : memref<2048xi32, #tpu.memory_space<vmem>> -> memref<128xi32, #tpu.memory_space<vmem>>
    %dma_start3A_79 = arith.constant 0 : i32
    %dma_start3A_80 = arith.constant 0 : i32
    %dma_start3A_81 = tpu.memref_slice %arg8[%dma_start3A_79, %dma_start3A_80] : memref<2400000x8xi32, #tpu.memory_space<hbm>> -> memref<2400000x8xi32, #tpu.memory_space<hbm>>
    tpu.enqueue_indirect_dma source(%dma_start3A_81 : memref<2400000x8xi32, #tpu.memory_space<hbm>>) target(%dma_start3A_76 : memref<128x8xi32, #tpu.memory_space<vmem>>) offsets(%dma_start3A_78 : memref<128xi32, #tpu.memory_space<vmem>>) semaphore(%arg17 : memref<!tpu.dma_semaphore, #tpu.memory_space<semaphore_mem>>)
    %dma_start3A_82 = arith.constant 512 : i32
    %dma_start3A_83 = arith.constant 0 : i32
    %dma_start3A_84 = tpu.memref_slice %arg13[%dma_start3A_82, %dma_start3A_83] : memref<2048x8xi32, #tpu.memory_space<vmem>> -> memref<128x8xi32, #tpu.memory_space<vmem>>
    %dma_start3A_85 = arith.constant 512 : i32
    %dma_start3A_86 = tpu.memref_slice %arg10[%dma_start3A_85] : memref<2048xi32, #tpu.memory_space<vmem>> -> memref<128xi32, #tpu.memory_space<vmem>>
    %dma_start3A_87 = arith.constant 0 : i32
    %dma_start3A_88 = arith.constant 0 : i32
    %dma_start3A_89 = tpu.memref_slice %arg8[%dma_start3A_87, %dma_start3A_88] : memref<2400000x8xi32, #tpu.memory_space<hbm>> -> memref<2400000x8xi32, #tpu.memory_space<hbm>>
    tpu.enqueue_indirect_dma source(%dma_start3A_89 : memref<2400000x8xi32, #tpu.memory_space<hbm>>) target(%dma_start3A_84 : memref<128x8xi32, #tpu.memory_space<vmem>>) offsets(%dma_start3A_86 : memref<128xi32, #tpu.memory_space<vmem>>) semaphore(%arg17 : memref<!tpu.dma_semaphore, #tpu.memory_space<semaphore_mem>>)
    %dma_start3A_90 = arith.constant 640 : i32
    %dma_start3A_91 = arith.constant 0 : i32
    %dma_start3A_92 = tpu.memref_slice %arg13[%dma_start3A_90, %dma_start3A_91] : memref<2048x8xi32, #tpu.memory_space<vmem>> -> memref<128x8xi32, #tpu.memory_space<vmem>>
    %dma_start3A_93 = arith.constant 640 : i32
    %dma_start3A_94 = tpu.memref_slice %arg10[%dma_start3A_93] : memref<2048xi32, #tpu.memory_space<vmem>> -> memref<128xi32, #tpu.memory_space<vmem>>
    %dma_start3A_95 = arith.constant 0 : i32
    %dma_start3A_96 = arith.constant 0 : i32
    %dma_start3A_97 = tpu.memref_slice %arg8[%dma_start3A_95, %dma_start3A_96] : memref<2400000x8xi32, #tpu.memory_space<hbm>> -> memref<2400000x8xi32, #tpu.memory_space<hbm>>
    tpu.enqueue_indirect_dma source(%dma_start3A_97 : memref<2400000x8xi32, #tpu.memory_space<hbm>>) target(%dma_start3A_92 : memref<128x8xi32, #tpu.memory_space<vmem>>) offsets(%dma_start3A_94 : memref<128xi32, #tpu.memory_space<vmem>>) semaphore(%arg17 : memref<!tpu.dma_semaphore, #tpu.memory_space<semaphore_mem>>)
    %dma_start3A_98 = arith.constant 768 : i32
    %dma_start3A_99 = arith.constant 0 : i32
    %dma_start3A_100 = tpu.memref_slice %arg13[%dma_start3A_98, %dma_start3A_99] : memref<2048x8xi32, #tpu.memory_space<vmem>> -> memref<128x8xi32, #tpu.memory_space<vmem>>
    %dma_start3A_101 = arith.constant 768 : i32
    %dma_start3A_102 = tpu.memref_slice %arg10[%dma_start3A_101] : memref<2048xi32, #tpu.memory_space<vmem>> -> memref<128xi32, #tpu.memory_space<vmem>>
    %dma_start3A_103 = arith.constant 0 : i32
    %dma_start3A_104 = arith.constant 0 : i32
    %dma_start3A_105 = tpu.memref_slice %arg8[%dma_start3A_103, %dma_start3A_104] : memref<2400000x8xi32, #tpu.memory_space<hbm>> -> memref<2400000x8xi32, #tpu.memory_space<hbm>>
    tpu.enqueue_indirect_dma source(%dma_start3A_105 : memref<2400000x8xi32, #tpu.memory_space<hbm>>) target(%dma_start3A_100 : memref<128x8xi32, #tpu.memory_space<vmem>>) offsets(%dma_start3A_102 : memref<128xi32, #tpu.memory_space<vmem>>) semaphore(%arg17 : memref<!tpu.dma_semaphore, #tpu.memory_space<semaphore_mem>>)
    %dma_start3A_106 = arith.constant 896 : i32
    %dma_start3A_107 = arith.constant 0 : i32
    %dma_start3A_108 = tpu.memref_slice %arg13[%dma_start3A_106, %dma_start3A_107] : memref<2048x8xi32, #tpu.memory_space<vmem>> -> memref<128x8xi32, #tpu.memory_space<vmem>>
    %dma_start3A_109 = arith.constant 896 : i32
    %dma_start3A_110 = tpu.memref_slice %arg10[%dma_start3A_109] : memref<2048xi32, #tpu.memory_space<vmem>> -> memref<128xi32, #tpu.memory_space<vmem>>
    %dma_start3A_111 = arith.constant 0 : i32
    %dma_start3A_112 = arith.constant 0 : i32
    %dma_start3A_113 = tpu.memref_slice %arg8[%dma_start3A_111, %dma_start3A_112] : memref<2400000x8xi32, #tpu.memory_space<hbm>> -> memref<2400000x8xi32, #tpu.memory_space<hbm>>
    tpu.enqueue_indirect_dma source(%dma_start3A_113 : memref<2400000x8xi32, #tpu.memory_space<hbm>>) target(%dma_start3A_108 : memref<128x8xi32, #tpu.memory_space<vmem>>) offsets(%dma_start3A_110 : memref<128xi32, #tpu.memory_space<vmem>>) semaphore(%arg17 : memref<!tpu.dma_semaphore, #tpu.memory_space<semaphore_mem>>)
    %dma_start3A_114 = arith.constant 1024 : i32
    %dma_start3A_115 = arith.constant 0 : i32
    %dma_start3A_116 = tpu.memref_slice %arg13[%dma_start3A_114, %dma_start3A_115] : memref<2048x8xi32, #tpu.memory_space<vmem>> -> memref<128x8xi32, #tpu.memory_space<vmem>>
    %dma_start3A_117 = arith.constant 1024 : i32
    %dma_start3A_118 = tpu.memref_slice %arg10[%dma_start3A_117] : memref<2048xi32, #tpu.memory_space<vmem>> -> memref<128xi32, #tpu.memory_space<vmem>>
    %dma_start3A_119 = arith.constant 0 : i32
    %dma_start3A_120 = arith.constant 0 : i32
    %dma_start3A_121 = tpu.memref_slice %arg8[%dma_start3A_119, %dma_start3A_120] : memref<2400000x8xi32, #tpu.memory_space<hbm>> -> memref<2400000x8xi32, #tpu.memory_space<hbm>>
    tpu.enqueue_indirect_dma source(%dma_start3A_121 : memref<2400000x8xi32, #tpu.memory_space<hbm>>) target(%dma_start3A_116 : memref<128x8xi32, #tpu.memory_space<vmem>>) offsets(%dma_start3A_118 : memref<128xi32, #tpu.memory_space<vmem>>) semaphore(%arg17 : memref<!tpu.dma_semaphore, #tpu.memory_space<semaphore_mem>>)
    %dma_start3A_122 = arith.constant 1152 : i32
    %dma_start3A_123 = arith.constant 0 : i32
    %dma_start3A_124 = tpu.memref_slice %arg13[%dma_start3A_122, %dma_start3A_123] : memref<2048x8xi32, #tpu.memory_space<vmem>> -> memref<128x8xi32, #tpu.memory_space<vmem>>
    %dma_start3A_125 = arith.constant 1152 : i32
    %dma_start3A_126 = tpu.memref_slice %arg10[%dma_start3A_125] : memref<2048xi32, #tpu.memory_space<vmem>> -> memref<128xi32, #tpu.memory_space<vmem>>
    %dma_start3A_127 = arith.constant 0 : i32
    %dma_start3A_128 = arith.constant 0 : i32
    %dma_start3A_129 = tpu.memref_slice %arg8[%dma_start3A_127, %dma_start3A_128] : memref<2400000x8xi32, #tpu.memory_space<hbm>> -> memref<2400000x8xi32, #tpu.memory_space<hbm>>
    tpu.enqueue_indirect_dma source(%dma_start3A_129 : memref<2400000x8xi32, #tpu.memory_space<hbm>>) target(%dma_start3A_124 : memref<128x8xi32, #tpu.memory_space<vmem>>) offsets(%dma_start3A_126 : memref<128xi32, #tpu.memory_space<vmem>>) semaphore(%arg17 : memref<!tpu.dma_semaphore, #tpu.memory_space<semaphore_mem>>)
    %dma_start3A_130 = arith.constant 1280 : i32
    %dma_start3A_131 = arith.constant 0 : i32
    %dma_start3A_132 = tpu.memref_slice %arg13[%dma_start3A_130, %dma_start3A_131] : memref<2048x8xi32, #tpu.memory_space<vmem>> -> memref<128x8xi32, #tpu.memory_space<vmem>>
    %dma_start3A_133 = arith.constant 1280 : i32
    %dma_start3A_134 = tpu.memref_slice %arg10[%dma_start3A_133] : memref<2048xi32, #tpu.memory_space<vmem>> -> memref<128xi32, #tpu.memory_space<vmem>>
    %dma_start3A_135 = arith.constant 0 : i32
    %dma_start3A_136 = arith.constant 0 : i32
    %dma_start3A_137 = tpu.memref_slice %arg8[%dma_start3A_135, %dma_start3A_136] : memref<2400000x8xi32, #tpu.memory_space<hbm>> -> memref<2400000x8xi32, #tpu.memory_space<hbm>>
    tpu.enqueue_indirect_dma source(%dma_start3A_137 : memref<2400000x8xi32, #tpu.memory_space<hbm>>) target(%dma_start3A_132 : memref<128x8xi32, #tpu.memory_space<vmem>>) offsets(%dma_start3A_134 : memref<128xi32, #tpu.memory_space<vmem>>) semaphore(%arg17 : memref<!tpu.dma_semaphore, #tpu.memory_space<semaphore_mem>>)
    %dma_start3A_138 = arith.constant 1408 : i32
    %dma_start3A_139 = arith.constant 0 : i32
    %dma_start3A_140 = tpu.memref_slice %arg13[%dma_start3A_138, %dma_start3A_139] : memref<2048x8xi32, #tpu.memory_space<vmem>> -> memref<128x8xi32, #tpu.memory_space<vmem>>
    %dma_start3A_141 = arith.constant 1408 : i32
    %dma_start3A_142 = tpu.memref_slice %arg10[%dma_start3A_141] : memref<2048xi32, #tpu.memory_space<vmem>> -> memref<128xi32, #tpu.memory_space<vmem>>
    %dma_start3A_143 = arith.constant 0 : i32
    %dma_start3A_144 = arith.constant 0 : i32
    %dma_start3A_145 = tpu.memref_slice %arg8[%dma_start3A_143, %dma_start3A_144] : memref<2400000x8xi32, #tpu.memory_space<hbm>> -> memref<2400000x8xi32, #tpu.memory_space<hbm>>
    tpu.enqueue_indirect_dma source(%dma_start3A_145 : memref<2400000x8xi32, #tpu.memory_space<hbm>>) target(%dma_start3A_140 : memref<128x8xi32, #tpu.memory_space<vmem>>) offsets(%dma_start3A_142 : memref<128xi32, #tpu.memory_space<vmem>>) semaphore(%arg17 : memref<!tpu.dma_semaphore, #tpu.memory_space<semaphore_mem>>)
    %dma_start3A_146 = arith.constant 1536 : i32
    %dma_start3A_147 = arith.constant 0 : i32
    %dma_start3A_148 = tpu.memref_slice %arg13[%dma_start3A_146, %dma_start3A_147] : memref<2048x8xi32, #tpu.memory_space<vmem>> -> memref<128x8xi32, #tpu.memory_space<vmem>>
    %dma_start3A_149 = arith.constant 1536 : i32
    %dma_start3A_150 = tpu.memref_slice %arg10[%dma_start3A_149] : memref<2048xi32, #tpu.memory_space<vmem>> -> memref<128xi32, #tpu.memory_space<vmem>>
    %dma_start3A_151 = arith.constant 0 : i32
    %dma_start3A_152 = arith.constant 0 : i32
    %dma_start3A_153 = tpu.memref_slice %arg8[%dma_start3A_151, %dma_start3A_152] : memref<2400000x8xi32, #tpu.memory_space<hbm>> -> memref<2400000x8xi32, #tpu.memory_space<hbm>>
    tpu.enqueue_indirect_dma source(%dma_start3A_153 : memref<2400000x8xi32, #tpu.memory_space<hbm>>) target(%dma_start3A_148 : memref<128x8xi32, #tpu.memory_space<vmem>>) offsets(%dma_start3A_150 : memref<128xi32, #tpu.memory_space<vmem>>) semaphore(%arg17 : memref<!tpu.dma_semaphore, #tpu.memory_space<semaphore_mem>>)
    %dma_start3A_154 = arith.constant 1664 : i32
    %dma_start3A_155 = arith.constant 0 : i32
    %dma_start3A_156 = tpu.memref_slice %arg13[%dma_start3A_154, %dma_start3A_155] : memref<2048x8xi32, #tpu.memory_space<vmem>> -> memref<128x8xi32, #tpu.memory_space<vmem>>
    %dma_start3A_157 = arith.constant 1664 : i32
    %dma_start3A_158 = tpu.memref_slice %arg10[%dma_start3A_157] : memref<2048xi32, #tpu.memory_space<vmem>> -> memref<128xi32, #tpu.memory_space<vmem>>
    %dma_start3A_159 = arith.constant 0 : i32
    %dma_start3A_160 = arith.constant 0 : i32
    %dma_start3A_161 = tpu.memref_slice %arg8[%dma_start3A_159, %dma_start3A_160] : memref<2400000x8xi32, #tpu.memory_space<hbm>> -> memref<2400000x8xi32, #tpu.memory_space<hbm>>
    tpu.enqueue_indirect_dma source(%dma_start3A_161 : memref<2400000x8xi32, #tpu.memory_space<hbm>>) target(%dma_start3A_156 : memref<128x8xi32, #tpu.memory_space<vmem>>) offsets(%dma_start3A_158 : memref<128xi32, #tpu.memory_space<vmem>>) semaphore(%arg17 : memref<!tpu.dma_semaphore, #tpu.memory_space<semaphore_mem>>)
    %dma_start3A_162 = arith.constant 1792 : i32
    %dma_start3A_163 = arith.constant 0 : i32
    %dma_start3A_164 = tpu.memref_slice %arg13[%dma_start3A_162, %dma_start3A_163] : memref<2048x8xi32, #tpu.memory_space<vmem>> -> memref<128x8xi32, #tpu.memory_space<vmem>>
    %dma_start3A_165 = arith.constant 1792 : i32
    %dma_start3A_166 = tpu.memref_slice %arg10[%dma_start3A_165] : memref<2048xi32, #tpu.memory_space<vmem>> -> memref<128xi32, #tpu.memory_space<vmem>>
    %dma_start3A_167 = arith.constant 0 : i32
    %dma_start3A_168 = arith.constant 0 : i32
    %dma_start3A_169 = tpu.memref_slice %arg8[%dma_start3A_167, %dma_start3A_168] : memref<2400000x8xi32, #tpu.memory_space<hbm>> -> memref<2400000x8xi32, #tpu.memory_space<hbm>>
    tpu.enqueue_indirect_dma source(%dma_start3A_169 : memref<2400000x8xi32, #tpu.memory_space<hbm>>) target(%dma_start3A_164 : memref<128x8xi32, #tpu.memory_space<vmem>>) offsets(%dma_start3A_166 : memref<128xi32, #tpu.memory_space<vmem>>) semaphore(%arg17 : memref<!tpu.dma_semaphore, #tpu.memory_space<semaphore_mem>>)
    %dma_start3A_170 = arith.constant 1920 : i32
    %dma_start3A_171 = arith.constant 0 : i32
    %dma_start3A_172 = tpu.memref_slice %arg13[%dma_start3A_170, %dma_start3A_171] : memref<2048x8xi32, #tpu.memory_space<vmem>> -> memref<128x8xi32, #tpu.memory_space<vmem>>
    %dma_start3A_173 = arith.constant 1920 : i32
    %dma_start3A_174 = tpu.memref_slice %arg10[%dma_start3A_173] : memref<2048xi32, #tpu.memory_space<vmem>> -> memref<128xi32, #tpu.memory_space<vmem>>
    %dma_start3A_175 = arith.constant 0 : i32
    %dma_start3A_176 = arith.constant 0 : i32
    %dma_start3A_177 = tpu.memref_slice %arg8[%dma_start3A_175, %dma_start3A_176] : memref<2400000x8xi32, #tpu.memory_space<hbm>> -> memref<2400000x8xi32, #tpu.memory_space<hbm>>
    tpu.enqueue_indirect_dma source(%dma_start3A_177 : memref<2400000x8xi32, #tpu.memory_space<hbm>>) target(%dma_start3A_172 : memref<128x8xi32, #tpu.memory_space<vmem>>) offsets(%dma_start3A_174 : memref<128xi32, #tpu.memory_space<vmem>>) semaphore(%arg17 : memref<!tpu.dma_semaphore, #tpu.memory_space<semaphore_mem>>)
    %mul3A_178 = arith.constant 4 : i32
    %mul3A_179 = arith.muli %add3A, %mul3A_178 : i32
    %add3A_180 = arith.constant 0 : i32
    %add3A_181 = arith.addi %mul3A_179, %add3A_180 : i32
    %rem3A_182 = arith.constant 1 : i32
    %rem3A_183 = arith.constant 8 : i32
    %rem3A_184 = arith.remsi %rem3A_182, %rem3A_183 : i32
    %mul3A_185 = arith.constant 16384 : i32
    %mul3A_186 = arith.muli %add3A_181, %mul3A_185 : i32
    %mul3A_187 = arith.constant 2048 : i32
    %mul3A_188 = arith.muli %rem3A_184, %mul3A_187 : i32
    %add3A_189 = arith.addi %mul3A_186, %mul3A_188 : i32
    %mul3A_190 = arith.constant 2 : i32
    %mul3A_191 = arith.muli %mul3A_190, %add3A_189 : i32
    %dma_start3A_192 = tpu.memref_slice %arg6[%mul3A_191] : memref<4194304xf32, #tpu.memory_space<hbm>> -> memref<4096xf32, #tpu.memory_space<hbm>>
    %dma_start3A_193 = tpu.memref_slice %arg6[%mul3A_191] : memref<4194304xf32, #tpu.memory_space<hbm>> -> memref<4096xf32, #tpu.memory_space<hbm>>
    tpu.enqueue_dma source(%dma_start3A_193 : memref<4096xf32, #tpu.memory_space<hbm>>) target(%arg19 : memref<4096xf32, #tpu.memory_space<vmem>>) target_semaphore(%arg26 : memref<!tpu.dma_semaphore, #tpu.memory_space<semaphore_mem>>)
    %scan3A_194 = arith.constant 0 : i32
    %scan3A_195 = arith.constant 16 : i32
    %scan3A_196 = arith.addi %scan3A_194, %scan3A_195 : i32
    %scan3A_197 = arith.constant 1 : i32
    scf.for %scan3A_239 = %scan3A_194 to %scan3A_196 step %scan3A_197  : i32 {
      %mul3A_240 = arith.constant 2 : i32
      %mul3A_241 = arith.muli %scan3A_239, %mul3A_240 : i32
      %add3A_242 = arith.constant 0 : i32
      %add3A_243 = arith.addi %add3A_242, %mul3A_241 : i32
      %add3A_244 = arith.constant 1 : i32
      %add3A_245 = arith.addi %add3A_243, %add3A_244 : i32
      %dma_wait3A_246 = arith.constant 0 : i32
      %dma_wait3A_247 = tpu.memref_slice %arg6[%dma_wait3A_246] : memref<4194304xf32, #tpu.memory_space<hbm>> -> memref<4096xf32, #tpu.memory_space<hbm>>
      %dma_wait3A_248 = arith.constant 0 : i32
      %dma_wait3A_249 = tpu.memref_slice %arg6[%dma_wait3A_248] : memref<4194304xf32, #tpu.memory_space<hbm>> -> memref<4096xf32, #tpu.memory_space<hbm>>
      tpu.wait_dma2 semaphore(%arg26 : memref<!tpu.dma_semaphore, #tpu.memory_space<semaphore_mem>>) src(%dma_wait3A_249 : memref<4096xf32, #tpu.memory_space<hbm>>) dst(%arg19 : memref<4096xf32, #tpu.memory_space<vmem>>)
      %scan3A_250 = arith.constant 0 : i32
      %scan3A_251 = arith.constant 16 : i32
      %scan3A_252 = arith.addi %scan3A_250, %scan3A_251 : i32
      %scan3A_253 = arith.constant 1 : i32
      scf.for %scan3A_504 = %scan3A_250 to %scan3A_252 step %scan3A_253  : i32 {
        %mul3A_505 = arith.constant 1 : i32
        %mul3A_506 = arith.muli %scan3A_504, %mul3A_505 : i32
        %add3A_507 = arith.constant 0 : i32
        %add3A_508 = arith.addi %add3A_507, %mul3A_506 : i32
        %scan3A_509 = arith.constant 0 : i32
        %scan3A_510 = arith.constant 2 : i32
        %scan3A_511 = arith.addi %scan3A_509, %scan3A_510 : i32
        %scan3A_512 = arith.constant 1 : i32
        scf.for %scan3A_514 = %scan3A_509 to %scan3A_511 step %scan3A_512  : i32 {
          %mul3A_515 = arith.constant 64 : i32
          %mul3A_516 = arith.muli %scan3A_514, %mul3A_515 : i32
          %add3A_517 = arith.constant 0 : i32
          %add3A_518 = arith.addi %add3A_517, %mul3A_516 : i32
          %mul3A_519 = arith.constant 256 : i32
          %mul3A_520 = arith.muli %add3A_508, %mul3A_519 : i32
          %add3A_521 = arith.addi %mul3A_520, %add3A_518 : i32
          %add3A_522 = arith.constant 0 : i32
          %add3A_523 = arith.addi %add3A_521, %add3A_522 : i32
          %mul3A_524 = arith.constant 128 : i32
          %mul3A_525 = arith.muli %add3A_508, %mul3A_524 : i32
          %add3A_526 = arith.addi %mul3A_525, %add3A_518 : i32
          %add3A_527 = arith.constant 0 : i32
          %add3A_528 = arith.addi %add3A_526, %add3A_527 : i32
          %get3A = arith.index_cast %add3A_523 : i32 to index
          %get3A_529 = tpu.vector_load %arg19[%get3A] {strides = array<i32>} : memref<4096xf32, #tpu.memory_space<vmem>>, vector<16xf32>,
          %add3A_530 = arith.constant 128 : i32
          %add3A_531 = arith.addi %add3A_523, %add3A_530 : i32
          %get3A_532 = arith.index_cast %add3A_531 : i32 to index
          %get3A_533 = tpu.vector_load %arg19[%get3A_532] {strides = array<i32>} : memref<4096xf32, #tpu.memory_space<vmem>>, vector<16xf32>,
          %mul3A_534 = arith.constant 5.995000e+02 : f32
          %mul3A_535 = vector.broadcast %mul3A_534 : f32 to vector<16xf32>
          %mul3A_536 = arith.mulf %get3A_529, %mul3A_535 : vector<16xf32>
          %add3A_537 = arith.constant 5.995000e+02 : f32
          %add3A_538 = vector.broadcast %add3A_537 : f32 to vector<16xf32>
          %add3A_539 = arith.addf %mul3A_536, %add3A_538 : vector<16xf32>
          %min3A = arith.constant 1.199000e+03 : f32
          %min3A_540 = vector.broadcast %min3A : f32 to vector<16xf32>
          %min3A_541 = arith.minimumf %add3A_539, %min3A_540 : vector<16xf32>
          %mul3A_542 = arith.constant 4.995000e+02 : f32
          %mul3A_543 = vector.broadcast %mul3A_542 : f32 to vector<16xf32>
          %mul3A_544 = arith.mulf %get3A_533, %mul3A_543 : vector<16xf32>
          %add3A_545 = arith.constant 4.995000e+02 : f32
          %add3A_546 = vector.broadcast %add3A_545 : f32 to vector<16xf32>
          %add3A_547 = arith.addf %mul3A_544, %add3A_546 : vector<16xf32>
          %min3A_548 = arith.constant 9.990000e+02 : f32
          %min3A_549 = vector.broadcast %min3A_548 : f32 to vector<16xf32>
          %min3A_550 = arith.minimumf %add3A_547, %min3A_549 : vector<16xf32>
          %convert_element_type3A_551 = arith.fptosi %min3A_541 : vector<16xf32> to vector<16xi32>
          %convert_element_type3A_552 = arith.fptosi %min3A_550 : vector<16xf32> to vector<16xi32>
          %mul3A_553 = arith.constant 1000 : i32
          %mul3A_554 = vector.broadcast %mul3A_553 : i32 to vector<16xi32>
          %mul3A_555 = arith.muli %convert_element_type3A_551, %mul3A_554 : vector<16xi32>
          %add3A_556 = arith.addi %mul3A_555, %convert_element_type3A_552 : vector<16xi32>
          %add3A_557 = vector.broadcast %mul3A_2 : i32 to vector<16xi32>
          %add3A_558 = arith.addi %add3A_556, %add3A_557 : vector<16xi32>
          %swap3A = arith.index_cast %add3A_528 : i32 to index
          %swap3A_559 = tpu.vector_load %arg20[%swap3A] {strides = array<i32>} : memref<2048xi32, #tpu.memory_space<vmem>>, vector<16xi32>,
          tpu.vector_store %arg20[%swap3A], %add3A_558 {strides = array<i32>} : memref<2048xi32, #tpu.memory_space<vmem>>, vector<16xi32>,
          %convert_element_type3A_560 = arith.sitofp %convert_element_type3A_551 : vector<16xi32> to vector<16xf32>
          %sub3A_561 = arith.subf %min3A_541, %convert_element_type3A_560 : vector<16xf32>
          %swap3A_562 = arith.index_cast %add3A_528 : i32 to index
          %swap3A_563 = tpu.vector_load %arg21[%swap3A_562] {strides = array<i32>} : memref<2048xf32, #tpu.memory_space<vmem>>, vector<16xf32>,
          tpu.vector_store %arg21[%swap3A_562], %sub3A_561 {strides = array<i32>} : memref<2048xf32, #tpu.memory_space<vmem>>, vector<16xf32>,
          %convert_element_type3A_564 = arith.sitofp %convert_element_type3A_552 : vector<16xi32> to vector<16xf32>
          %sub3A_565 = arith.subf %min3A_550, %convert_element_type3A_564 : vector<16xf32>
          %swap3A_566 = arith.index_cast %add3A_528 : i32 to index
          %swap3A_567 = tpu.vector_load %arg22[%swap3A_566] {strides = array<i32>} : memref<2048xf32, #tpu.memory_space<vmem>>, vector<16xf32>,
          tpu.vector_store %arg22[%swap3A_566], %sub3A_565 {strides = array<i32>} : memref<2048xf32, #tpu.memory_space<vmem>>, vector<16xf32>,
          %mul3A_568 = arith.constant 256 : i32
          %mul3A_569 = arith.muli %add3A_508, %mul3A_568 : i32
          %add3A_570 = arith.addi %mul3A_569, %add3A_518 : i32
          %add3A_571 = arith.constant 16 : i32
          %add3A_572 = arith.addi %add3A_570, %add3A_571 : i32
          %mul3A_573 = arith.constant 128 : i32
          %mul3A_574 = arith.muli %add3A_508, %mul3A_573 : i32
          %add3A_575 = arith.addi %mul3A_574, %add3A_518 : i32
          %add3A_576 = arith.constant 16 : i32
          %add3A_577 = arith.addi %add3A_575, %add3A_576 : i32
          %get3A_578 = arith.index_cast %add3A_572 : i32 to index
          %get3A_579 = tpu.vector_load %arg19[%get3A_578] {strides = array<i32>} : memref<4096xf32, #tpu.memory_space<vmem>>, vector<16xf32>,
          %add3A_580 = arith.constant 128 : i32
          %add3A_581 = arith.addi %add3A_572, %add3A_580 : i32
          %get3A_582 = arith.index_cast %add3A_581 : i32 to index
          %get3A_583 = tpu.vector_load %arg19[%get3A_582] {strides = array<i32>} : memref<4096xf32, #tpu.memory_space<vmem>>, vector<16xf32>,
          %mul3A_584 = arith.constant 5.995000e+02 : f32
          %mul3A_585 = vector.broadcast %mul3A_584 : f32 to vector<16xf32>
          %mul3A_586 = arith.mulf %get3A_579, %mul3A_585 : vector<16xf32>
          %add3A_587 = arith.constant 5.995000e+02 : f32
          %add3A_588 = vector.broadcast %add3A_587 : f32 to vector<16xf32>
          %add3A_589 = arith.addf %mul3A_586, %add3A_588 : vector<16xf32>
          %min3A_590 = arith.constant 1.199000e+03 : f32
          %min3A_591 = vector.broadcast %min3A_590 : f32 to vector<16xf32>
          %min3A_592 = arith.minimumf %add3A_589, %min3A_591 : vector<16xf32>
          %mul3A_593 = arith.constant 4.995000e+02 : f32
          %mul3A_594 = vector.broadcast %mul3A_593 : f32 to vector<16xf32>
          %mul3A_595 = arith.mulf %get3A_583, %mul3A_594 : vector<16xf32>
          %add3A_596 = arith.constant 4.995000e+02 : f32
          %add3A_597 = vector.broadcast %add3A_596 : f32 to vector<16xf32>
          %add3A_598 = arith.addf %mul3A_595, %add3A_597 : vector<16xf32>
          %min3A_599 = arith.constant 9.990000e+02 : f32
          %min3A_600 = vector.broadcast %min3A_599 : f32 to vector<16xf32>
          %min3A_601 = arith.minimumf %add3A_598, %min3A_600 : vector<16xf32>
          %convert_element_type3A_602 = arith.fptosi %min3A_592 : vector<16xf32> to vector<16xi32>
          %convert_element_type3A_603 = arith.fptosi %min3A_601 : vector<16xf32> to vector<16xi32>
          %mul3A_604 = arith.constant 1000 : i32
          %mul3A_605 = vector.broadcast %mul3A_604 : i32 to vector<16xi32>
          %mul3A_606 = arith.muli %convert_element_type3A_602, %mul3A_605 : vector<16xi32>
          %add3A_607 = arith.addi %mul3A_606, %convert_element_type3A_603 : vector<16xi32>
          %add3A_608 = vector.broadcast %mul3A_2 : i32 to vector<16xi32>
          %add3A_609 = arith.addi %add3A_607, %add3A_608 : vector<16xi32>
          %swap3A_610 = arith.index_cast %add3A_577 : i32 to index
          %swap3A_611 = tpu.vector_load %arg20[%swap3A_610] {strides = array<i32>} : memref<2048xi32, #tpu.memory_space<vmem>>, vector<16xi32>,
          tpu.vector_store %arg20[%swap3A_610], %add3A_609 {strides = array<i32>} : memref<2048xi32, #tpu.memory_space<vmem>>, vector<16xi32>,
          %convert_element_type3A_612 = arith.sitofp %convert_element_type3A_602 : vector<16xi32> to vector<16xf32>
          %sub3A_613 = arith.subf %min3A_592, %convert_element_type3A_612 : vector<16xf32>
          %swap3A_614 = arith.index_cast %add3A_577 : i32 to index
          %swap3A_615 = tpu.vector_load %arg21[%swap3A_614] {strides = array<i32>} : memref<2048xf32, #tpu.memory_space<vmem>>, vector<16xf32>,
          tpu.vector_store %arg21[%swap3A_614], %sub3A_613 {strides = array<i32>} : memref<2048xf32, #tpu.memory_space<vmem>>, vector<16xf32>,
          %convert_element_type3A_616 = arith.sitofp %convert_element_type3A_603 : vector<16xi32> to vector<16xf32>
          %sub3A_617 = arith.subf %min3A_601, %convert_element_type3A_616 : vector<16xf32>
          %swap3A_618 = arith.index_cast %add3A_577 : i32 to index
          %swap3A_619 = tpu.vector_load %arg22[%swap3A_618] {strides = array<i32>} : memref<2048xf32, #tpu.memory_space<vmem>>, vector<16xf32>,
          tpu.vector_store %arg22[%swap3A_618], %sub3A_617 {strides = array<i32>} : memref<2048xf32, #tpu.memory_space<vmem>>, vector<16xf32>,
          %mul3A_620 = arith.constant 256 : i32
          %mul3A_621 = arith.muli %add3A_508, %mul3A_620 : i32
          %add3A_622 = arith.addi %mul3A_621, %add3A_518 : i32
          %add3A_623 = arith.constant 32 : i32
          %add3A_624 = arith.addi %add3A_622, %add3A_623 : i32
          %mul3A_625 = arith.constant 128 : i32
          %mul3A_626 = arith.muli %add3A_508, %mul3A_625 : i32
          %add3A_627 = arith.addi %mul3A_626, %add3A_518 : i32
          %add3A_628 = arith.constant 32 : i32
          %add3A_629 = arith.addi %add3A_627, %add3A_628 : i32
          %get3A_630 = arith.index_cast %add3A_624 : i32 to index
          %get3A_631 = tpu.vector_load %arg19[%get3A_630] {strides = array<i32>} : memref<4096xf32, #tpu.memory_space<vmem>>, vector<16xf32>,
          %add3A_632 = arith.constant 128 : i32
          %add3A_633 = arith.addi %add3A_624, %add3A_632 : i32
          %get3A_634 = arith.index_cast %add3A_633 : i32 to index
          %get3A_635 = tpu.vector_load %arg19[%get3A_634] {strides = array<i32>} : memref<4096xf32, #tpu.memory_space<vmem>>, vector<16xf32>,
          %mul3A_636 = arith.constant 5.995000e+02 : f32
          %mul3A_637 = vector.broadcast %mul3A_636 : f32 to vector<16xf32>
          %mul3A_638 = arith.mulf %get3A_631, %mul3A_637 : vector<16xf32>
          %add3A_639 = arith.constant 5.995000e+02 : f32
          %add3A_640 = vector.broadcast %add3A_639 : f32 to vector<16xf32>
          %add3A_641 = arith.addf %mul3A_638, %add3A_640 : vector<16xf32>
          %min3A_642 = arith.constant 1.199000e+03 : f32
          %min3A_643 = vector.broadcast %min3A_642 : f32 to vector<16xf32>
          %min3A_644 = arith.minimumf %add3A_641, %min3A_643 : vector<16xf32>
          %mul3A_645 = arith.constant 4.995000e+02 : f32
          %mul3A_646 = vector.broadcast %mul3A_645 : f32 to vector<16xf32>
          %mul3A_647 = arith.mulf %get3A_635, %mul3A_646 : vector<16xf32>
          %add3A_648 = arith.constant 4.995000e+02 : f32
          %add3A_649 = vector.broadcast %add3A_648 : f32 to vector<16xf32>
          %add3A_650 = arith.addf %mul3A_647, %add3A_649 : vector<16xf32>
          %min3A_651 = arith.constant 9.990000e+02 : f32
          %min3A_652 = vector.broadcast %min3A_651 : f32 to vector<16xf32>
          %min3A_653 = arith.minimumf %add3A_650, %min3A_652 : vector<16xf32>
          %convert_element_type3A_654 = arith.fptosi %min3A_644 : vector<16xf32> to vector<16xi32>
          %convert_element_type3A_655 = arith.fptosi %min3A_653 : vector<16xf32> to vector<16xi32>
          %mul3A_656 = arith.constant 1000 : i32
          %mul3A_657 = vector.broadcast %mul3A_656 : i32 to vector<16xi32>
          %mul3A_658 = arith.muli %convert_element_type3A_654, %mul3A_657 : vector<16xi32>
          %add3A_659 = arith.addi %mul3A_658, %convert_element_type3A_655 : vector<16xi32>
          %add3A_660 = vector.broadcast %mul3A_2 : i32 to vector<16xi32>
          %add3A_661 = arith.addi %add3A_659, %add3A_660 : vector<16xi32>
          %swap3A_662 = arith.index_cast %add3A_629 : i32 to index
          %swap3A_663 = tpu.vector_load %arg20[%swap3A_662] {strides = array<i32>} : memref<2048xi32, #tpu.memory_space<vmem>>, vector<16xi32>,
          tpu.vector_store %arg20[%swap3A_662], %add3A_661 {strides = array<i32>} : memref<2048xi32, #tpu.memory_space<vmem>>, vector<16xi32>,
          %convert_element_type3A_664 = arith.sitofp %convert_element_type3A_654 : vector<16xi32> to vector<16xf32>
          %sub3A_665 = arith.subf %min3A_644, %convert_element_type3A_664 : vector<16xf32>
          %swap3A_666 = arith.index_cast %add3A_629 : i32 to index
          %swap3A_667 = tpu.vector_load %arg21[%swap3A_666] {strides = array<i32>} : memref<2048xf32, #tpu.memory_space<vmem>>, vector<16xf32>,
          tpu.vector_store %arg21[%swap3A_666], %sub3A_665 {strides = array<i32>} : memref<2048xf32, #tpu.memory_space<vmem>>, vector<16xf32>,
          %convert_element_type3A_668 = arith.sitofp %convert_element_type3A_655 : vector<16xi32> to vector<16xf32>
          %sub3A_669 = arith.subf %min3A_653, %convert_element_type3A_668 : vector<16xf32>
          %swap3A_670 = arith.index_cast %add3A_629 : i32 to index
          %swap3A_671 = tpu.vector_load %arg22[%swap3A_670] {strides = array<i32>} : memref<2048xf32, #tpu.memory_space<vmem>>, vector<16xf32>,
          tpu.vector_store %arg22[%swap3A_670], %sub3A_669 {strides = array<i32>} : memref<2048xf32, #tpu.memory_space<vmem>>, vector<16xf32>,
          %mul3A_672 = arith.constant 256 : i32
          %mul3A_673 = arith.muli %add3A_508, %mul3A_672 : i32
          %add3A_674 = arith.addi %mul3A_673, %add3A_518 : i32
          %add3A_675 = arith.constant 48 : i32
          %add3A_676 = arith.addi %add3A_674, %add3A_675 : i32
          %mul3A_677 = arith.constant 128 : i32
          %mul3A_678 = arith.muli %add3A_508, %mul3A_677 : i32
          %add3A_679 = arith.addi %mul3A_678, %add3A_518 : i32
          %add3A_680 = arith.constant 48 : i32
          %add3A_681 = arith.addi %add3A_679, %add3A_680 : i32
          %get3A_682 = arith.index_cast %add3A_676 : i32 to index
          %get3A_683 = tpu.vector_load %arg19[%get3A_682] {strides = array<i32>} : memref<4096xf32, #tpu.memory_space<vmem>>, vector<16xf32>,
          %add3A_684 = arith.constant 128 : i32
          %add3A_685 = arith.addi %add3A_676, %add3A_684 : i32
          %get3A_686 = arith.index_cast %add3A_685 : i32 to index
          %get3A_687 = tpu.vector_load %arg19[%get3A_686] {strides = array<i32>} : memref<4096xf32, #tpu.memory_space<vmem>>, vector<16xf32>,
          %mul3A_688 = arith.constant 5.995000e+02 : f32
          %mul3A_689 = vector.broadcast %mul3A_688 : f32 to vector<16xf32>
          %mul3A_690 = arith.mulf %get3A_683, %mul3A_689 : vector<16xf32>
          %add3A_691 = arith.constant 5.995000e+02 : f32
          %add3A_692 = vector.broadcast %add3A_691 : f32 to vector<16xf32>
          %add3A_693 = arith.addf %mul3A_690, %add3A_692 : vector<16xf32>
          %min3A_694 = arith.constant 1.199000e+03 : f32
          %min3A_695 = vector.broadcast %min3A_694 : f32 to vector<16xf32>
          %min3A_696 = arith.minimumf %add3A_693, %min3A_695 : vector<16xf32>
          %mul3A_697 = arith.constant 4.995000e+02 : f32
          %mul3A_698 = vector.broadcast %mul3A_697 : f32 to vector<16xf32>
          %mul3A_699 = arith.mulf %get3A_687, %mul3A_698 : vector<16xf32>
          %add3A_700 = arith.constant 4.995000e+02 : f32
          %add3A_701 = vector.broadcast %add3A_700 : f32 to vector<16xf32>
          %add3A_702 = arith.addf %mul3A_699, %add3A_701 : vector<16xf32>
          %min3A_703 = arith.constant 9.990000e+02 : f32
          %min3A_704 = vector.broadcast %min3A_703 : f32 to vector<16xf32>
          %min3A_705 = arith.minimumf %add3A_702, %min3A_704 : vector<16xf32>
          %convert_element_type3A_706 = arith.fptosi %min3A_696 : vector<16xf32> to vector<16xi32>
          %convert_element_type3A_707 = arith.fptosi %min3A_705 : vector<16xf32> to vector<16xi32>
          %mul3A_708 = arith.constant 1000 : i32
          %mul3A_709 = vector.broadcast %mul3A_708 : i32 to vector<16xi32>
          %mul3A_710 = arith.muli %convert_element_type3A_706, %mul3A_709 : vector<16xi32>
          %add3A_711 = arith.addi %mul3A_710, %convert_element_type3A_707 : vector<16xi32>
          %add3A_712 = vector.broadcast %mul3A_2 : i32 to vector<16xi32>
          %add3A_713 = arith.addi %add3A_711, %add3A_712 : vector<16xi32>
          %swap3A_714 = arith.index_cast %add3A_681 : i32 to index
          %swap3A_715 = tpu.vector_load %arg20[%swap3A_714] {strides = array<i32>} : memref<2048xi32, #tpu.memory_space<vmem>>, vector<16xi32>,
          tpu.vector_store %arg20[%swap3A_714], %add3A_713 {strides = array<i32>} : memref<2048xi32, #tpu.memory_space<vmem>>, vector<16xi32>,
          %convert_element_type3A_716 = arith.sitofp %convert_element_type3A_706 : vector<16xi32> to vector<16xf32>
          %sub3A_717 = arith.subf %min3A_696, %convert_element_type3A_716 : vector<16xf32>
          %swap3A_718 = arith.index_cast %add3A_681 : i32 to index
          %swap3A_719 = tpu.vector_load %arg21[%swap3A_718] {strides = array<i32>} : memref<2048xf32, #tpu.memory_space<vmem>>, vector<16xf32>,
          tpu.vector_store %arg21[%swap3A_718], %sub3A_717 {strides = array<i32>} : memref<2048xf32, #tpu.memory_space<vmem>>, vector<16xf32>,
          %convert_element_type3A_720 = arith.sitofp %convert_element_type3A_707 : vector<16xi32> to vector<16xf32>
          %sub3A_721 = arith.subf %min3A_705, %convert_element_type3A_720 : vector<16xf32>
          %swap3A_722 = arith.index_cast %add3A_681 : i32 to index
          %swap3A_723 = tpu.vector_load %arg22[%swap3A_722] {strides = array<i32>} : memref<2048xf32, #tpu.memory_space<vmem>>, vector<16xf32>,
          tpu.vector_store %arg22[%swap3A_722], %sub3A_721 {strides = array<i32>} : memref<2048xf32, #tpu.memory_space<vmem>>, vector<16xf32>,
        }
        %scan3A_513 = arith.constant 2 : i32
      }
      %scan3A_254 = arith.constant 16 : i32
      %dma_start3A_255 = arith.constant 0 : i32
      %dma_start3A_256 = arith.constant 0 : i32
      %dma_start3A_257 = tpu.memref_slice %arg23[%dma_start3A_255, %dma_start3A_256] : memref<2048x8xi32, #tpu.memory_space<vmem>> -> memref<128x8xi32, #tpu.memory_space<vmem>>
      %dma_start3A_258 = arith.constant 0 : i32
      %dma_start3A_259 = tpu.memref_slice %arg20[%dma_start3A_258] : memref<2048xi32, #tpu.memory_space<vmem>> -> memref<128xi32, #tpu.memory_space<vmem>>
      %dma_start3A_260 = arith.constant 0 : i32
      %dma_start3A_261 = arith.constant 0 : i32
      %dma_start3A_262 = tpu.memref_slice %arg8[%dma_start3A_260, %dma_start3A_261] : memref<2400000x8xi32, #tpu.memory_space<hbm>> -> memref<2400000x8xi32, #tpu.memory_space<hbm>>
      tpu.enqueue_indirect_dma source(%dma_start3A_262 : memref<2400000x8xi32, #tpu.memory_space<hbm>>) target(%dma_start3A_257 : memref<128x8xi32, #tpu.memory_space<vmem>>) offsets(%dma_start3A_259 : memref<128xi32, #tpu.memory_space<vmem>>) semaphore(%arg27 : memref<!tpu.dma_semaphore, #tpu.memory_space<semaphore_mem>>)
      %dma_start3A_263 = arith.constant 128 : i32
      %dma_start3A_264 = arith.constant 0 : i32
      %dma_start3A_265 = tpu.memref_slice %arg23[%dma_start3A_263, %dma_start3A_264] : memref<2048x8xi32, #tpu.memory_space<vmem>> -> memref<128x8xi32, #tpu.memory_space<vmem>>
      %dma_start3A_266 = arith.constant 128 : i32
      %dma_start3A_267 = tpu.memref_slice %arg20[%dma_start3A_266] : memref<2048xi32, #tpu.memory_space<vmem>> -> memref<128xi32, #tpu.memory_space<vmem>>
      %dma_start3A_268 = arith.constant 0 : i32
      %dma_start3A_269 = arith.constant 0 : i32
      %dma_start3A_270 = tpu.memref_slice %arg8[%dma_start3A_268, %dma_start3A_269] : memref<2400000x8xi32, #tpu.memory_space<hbm>> -> memref<2400000x8xi32, #tpu.memory_space<hbm>>
      tpu.enqueue_indirect_dma source(%dma_start3A_270 : memref<2400000x8xi32, #tpu.memory_space<hbm>>) target(%dma_start3A_265 : memref<128x8xi32, #tpu.memory_space<vmem>>) offsets(%dma_start3A_267 : memref<128xi32, #tpu.memory_space<vmem>>) semaphore(%arg27 : memref<!tpu.dma_semaphore, #tpu.memory_space<semaphore_mem>>)
      %dma_start3A_271 = arith.constant 256 : i32
      %dma_start3A_272 = arith.constant 0 : i32
      %dma_start3A_273 = tpu.memref_slice %arg23[%dma_start3A_271, %dma_start3A_272] : memref<2048x8xi32, #tpu.memory_space<vmem>> -> memref<128x8xi32, #tpu.memory_space<vmem>>
      %dma_start3A_274 = arith.constant 256 : i32
      %dma_start3A_275 = tpu.memref_slice %arg20[%dma_start3A_274] : memref<2048xi32, #tpu.memory_space<vmem>> -> memref<128xi32, #tpu.memory_space<vmem>>
      %dma_start3A_276 = arith.constant 0 : i32
      %dma_start3A_277 = arith.constant 0 : i32
      %dma_start3A_278 = tpu.memref_slice %arg8[%dma_start3A_276, %dma_start3A_277] : memref<2400000x8xi32, #tpu.memory_space<hbm>> -> memref<2400000x8xi32, #tpu.memory_space<hbm>>
      tpu.enqueue_indirect_dma source(%dma_start3A_278 : memref<2400000x8xi32, #tpu.memory_space<hbm>>) target(%dma_start3A_273 : memref<128x8xi32, #tpu.memory_space<vmem>>) offsets(%dma_start3A_275 : memref<128xi32, #tpu.memory_space<vmem>>) semaphore(%arg27 : memref<!tpu.dma_semaphore, #tpu.memory_space<semaphore_mem>>)
      %dma_start3A_279 = arith.constant 384 : i32
      %dma_start3A_280 = arith.constant 0 : i32
      %dma_start3A_281 = tpu.memref_slice %arg23[%dma_start3A_279, %dma_start3A_280] : memref<2048x8xi32, #tpu.memory_space<vmem>> -> memref<128x8xi32, #tpu.memory_space<vmem>>
      %dma_start3A_282 = arith.constant 384 : i32
      %dma_start3A_283 = tpu.memref_slice %arg20[%dma_start3A_282] : memref<2048xi32, #tpu.memory_space<vmem>> -> memref<128xi32, #tpu.memory_space<vmem>>
      %dma_start3A_284 = arith.constant 0 : i32
      %dma_start3A_285 = arith.constant 0 : i32
      %dma_start3A_286 = tpu.memref_slice %arg8[%dma_start3A_284, %dma_start3A_285] : memref<2400000x8xi32, #tpu.memory_space<hbm>> -> memref<2400000x8xi32, #tpu.memory_space<hbm>>
      tpu.enqueue_indirect_dma source(%dma_start3A_286 : memref<2400000x8xi32, #tpu.memory_space<hbm>>) target(%dma_start3A_281 : memref<128x8xi32, #tpu.memory_space<vmem>>) offsets(%dma_start3A_283 : memref<128xi32, #tpu.memory_space<vmem>>) semaphore(%arg27 : memref<!tpu.dma_semaphore, #tpu.memory_space<semaphore_mem>>)
      %dma_start3A_287 = arith.constant 512 : i32
      %dma_start3A_288 = arith.constant 0 : i32
      %dma_start3A_289 = tpu.memref_slice %arg23[%dma_start3A_287, %dma_start3A_288] : memref<2048x8xi32, #tpu.memory_space<vmem>> -> memref<128x8xi32, #tpu.memory_space<vmem>>
      %dma_start3A_290 = arith.constant 512 : i32
      %dma_start3A_291 = tpu.memref_slice %arg20[%dma_start3A_290] : memref<2048xi32, #tpu.memory_space<vmem>> -> memref<128xi32, #tpu.memory_space<vmem>>
      %dma_start3A_292 = arith.constant 0 : i32
      %dma_start3A_293 = arith.constant 0 : i32
      %dma_start3A_294 = tpu.memref_slice %arg8[%dma_start3A_292, %dma_start3A_293] : memref<2400000x8xi32, #tpu.memory_space<hbm>> -> memref<2400000x8xi32, #tpu.memory_space<hbm>>
      tpu.enqueue_indirect_dma source(%dma_start3A_294 : memref<2400000x8xi32, #tpu.memory_space<hbm>>) target(%dma_start3A_289 : memref<128x8xi32, #tpu.memory_space<vmem>>) offsets(%dma_start3A_291 : memref<128xi32, #tpu.memory_space<vmem>>) semaphore(%arg27 : memref<!tpu.dma_semaphore, #tpu.memory_space<semaphore_mem>>)
      %dma_start3A_295 = arith.constant 640 : i32
      %dma_start3A_296 = arith.constant 0 : i32
      %dma_start3A_297 = tpu.memref_slice %arg23[%dma_start3A_295, %dma_start3A_296] : memref<2048x8xi32, #tpu.memory_space<vmem>> -> memref<128x8xi32, #tpu.memory_space<vmem>>
      %dma_start3A_298 = arith.constant 640 : i32
      %dma_start3A_299 = tpu.memref_slice %arg20[%dma_start3A_298] : memref<2048xi32, #tpu.memory_space<vmem>> -> memref<128xi32, #tpu.memory_space<vmem>>
      %dma_start3A_300 = arith.constant 0 : i32
      %dma_start3A_301 = arith.constant 0 : i32
      %dma_start3A_302 = tpu.memref_slice %arg8[%dma_start3A_300, %dma_start3A_301] : memref<2400000x8xi32, #tpu.memory_space<hbm>> -> memref<2400000x8xi32, #tpu.memory_space<hbm>>
      tpu.enqueue_indirect_dma source(%dma_start3A_302 : memref<2400000x8xi32, #tpu.memory_space<hbm>>) target(%dma_start3A_297 : memref<128x8xi32, #tpu.memory_space<vmem>>) offsets(%dma_start3A_299 : memref<128xi32, #tpu.memory_space<vmem>>) semaphore(%arg27 : memref<!tpu.dma_semaphore, #tpu.memory_space<semaphore_mem>>)
      %dma_start3A_303 = arith.constant 768 : i32
      %dma_start3A_304 = arith.constant 0 : i32
      %dma_start3A_305 = tpu.memref_slice %arg23[%dma_start3A_303, %dma_start3A_304] : memref<2048x8xi32, #tpu.memory_space<vmem>> -> memref<128x8xi32, #tpu.memory_space<vmem>>
      %dma_start3A_306 = arith.constant 768 : i32
      %dma_start3A_307 = tpu.memref_slice %arg20[%dma_start3A_306] : memref<2048xi32, #tpu.memory_space<vmem>> -> memref<128xi32, #tpu.memory_space<vmem>>
      %dma_start3A_308 = arith.constant 0 : i32
      %dma_start3A_309 = arith.constant 0 : i32
      %dma_start3A_310 = tpu.memref_slice %arg8[%dma_start3A_308, %dma_start3A_309] : memref<2400000x8xi32, #tpu.memory_space<hbm>> -> memref<2400000x8xi32, #tpu.memory_space<hbm>>
      tpu.enqueue_indirect_dma source(%dma_start3A_310 : memref<2400000x8xi32, #tpu.memory_space<hbm>>) target(%dma_start3A_305 : memref<128x8xi32, #tpu.memory_space<vmem>>) offsets(%dma_start3A_307 : memref<128xi32, #tpu.memory_space<vmem>>) semaphore(%arg27 : memref<!tpu.dma_semaphore, #tpu.memory_space<semaphore_mem>>)
      %dma_start3A_311 = arith.constant 896 : i32
      %dma_start3A_312 = arith.constant 0 : i32
      %dma_start3A_313 = tpu.memref_slice %arg23[%dma_start3A_311, %dma_start3A_312] : memref<2048x8xi32, #tpu.memory_space<vmem>> -> memref<128x8xi32, #tpu.memory_space<vmem>>
      %dma_start3A_314 = arith.constant 896 : i32
      %dma_start3A_315 = tpu.memref_slice %arg20[%dma_start3A_314] : memref<2048xi32, #tpu.memory_space<vmem>> -> memref<128xi32, #tpu.memory_space<vmem>>
      %dma_start3A_316 = arith.constant 0 : i32
      %dma_start3A_317 = arith.constant 0 : i32
      %dma_start3A_318 = tpu.memref_slice %arg8[%dma_start3A_316, %dma_start3A_317] : memref<2400000x8xi32, #tpu.memory_space<hbm>> -> memref<2400000x8xi32, #tpu.memory_space<hbm>>
      tpu.enqueue_indirect_dma source(%dma_start3A_318 : memref<2400000x8xi32, #tpu.memory_space<hbm>>) target(%dma_start3A_313 : memref<128x8xi32, #tpu.memory_space<vmem>>) offsets(%dma_start3A_315 : memref<128xi32, #tpu.memory_space<vmem>>) semaphore(%arg27 : memref<!tpu.dma_semaphore, #tpu.memory_space<semaphore_mem>>)
      %dma_start3A_319 = arith.constant 1024 : i32
      %dma_start3A_320 = arith.constant 0 : i32
      %dma_start3A_321 = tpu.memref_slice %arg23[%dma_start3A_319, %dma_start3A_320] : memref<2048x8xi32, #tpu.memory_space<vmem>> -> memref<128x8xi32, #tpu.memory_space<vmem>>
      %dma_start3A_322 = arith.constant 1024 : i32
      %dma_start3A_323 = tpu.memref_slice %arg20[%dma_start3A_322] : memref<2048xi32, #tpu.memory_space<vmem>> -> memref<128xi32, #tpu.memory_space<vmem>>
      %dma_start3A_324 = arith.constant 0 : i32
      %dma_start3A_325 = arith.constant 0 : i32
      %dma_start3A_326 = tpu.memref_slice %arg8[%dma_start3A_324, %dma_start3A_325] : memref<2400000x8xi32, #tpu.memory_space<hbm>> -> memref<2400000x8xi32, #tpu.memory_space<hbm>>
      tpu.enqueue_indirect_dma source(%dma_start3A_326 : memref<2400000x8xi32, #tpu.memory_space<hbm>>) target(%dma_start3A_321 : memref<128x8xi32, #tpu.memory_space<vmem>>) offsets(%dma_start3A_323 : memref<128xi32, #tpu.memory_space<vmem>>) semaphore(%arg27 : memref<!tpu.dma_semaphore, #tpu.memory_space<semaphore_mem>>)
      %dma_start3A_327 = arith.constant 1152 : i32
      %dma_start3A_328 = arith.constant 0 : i32
      %dma_start3A_329 = tpu.memref_slice %arg23[%dma_start3A_327, %dma_start3A_328] : memref<2048x8xi32, #tpu.memory_space<vmem>> -> memref<128x8xi32, #tpu.memory_space<vmem>>
      %dma_start3A_330 = arith.constant 1152 : i32
      %dma_start3A_331 = tpu.memref_slice %arg20[%dma_start3A_330] : memref<2048xi32, #tpu.memory_space<vmem>> -> memref<128xi32, #tpu.memory_space<vmem>>
      %dma_start3A_332 = arith.constant 0 : i32
      %dma_start3A_333 = arith.constant 0 : i32
      %dma_start3A_334 = tpu.memref_slice %arg8[%dma_start3A_332, %dma_start3A_333] : memref<2400000x8xi32, #tpu.memory_space<hbm>> -> memref<2400000x8xi32, #tpu.memory_space<hbm>>
      tpu.enqueue_indirect_dma source(%dma_start3A_334 : memref<2400000x8xi32, #tpu.memory_space<hbm>>) target(%dma_start3A_329 : memref<128x8xi32, #tpu.memory_space<vmem>>) offsets(%dma_start3A_331 : memref<128xi32, #tpu.memory_space<vmem>>) semaphore(%arg27 : memref<!tpu.dma_semaphore, #tpu.memory_space<semaphore_mem>>)
      %dma_start3A_335 = arith.constant 1280 : i32
      %dma_start3A_336 = arith.constant 0 : i32
      %dma_start3A_337 = tpu.memref_slice %arg23[%dma_start3A_335, %dma_start3A_336] : memref<2048x8xi32, #tpu.memory_space<vmem>> -> memref<128x8xi32, #tpu.memory_space<vmem>>
      %dma_start3A_338 = arith.constant 1280 : i32
      %dma_start3A_339 = tpu.memref_slice %arg20[%dma_start3A_338] : memref<2048xi32, #tpu.memory_space<vmem>> -> memref<128xi32, #tpu.memory_space<vmem>>
      %dma_start3A_340 = arith.constant 0 : i32
      %dma_start3A_341 = arith.constant 0 : i32
      %dma_start3A_342 = tpu.memref_slice %arg8[%dma_start3A_340, %dma_start3A_341] : memref<2400000x8xi32, #tpu.memory_space<hbm>> -> memref<2400000x8xi32, #tpu.memory_space<hbm>>
      tpu.enqueue_indirect_dma source(%dma_start3A_342 : memref<2400000x8xi32, #tpu.memory_space<hbm>>) target(%dma_start3A_337 : memref<128x8xi32, #tpu.memory_space<vmem>>) offsets(%dma_start3A_339 : memref<128xi32, #tpu.memory_space<vmem>>) semaphore(%arg27 : memref<!tpu.dma_semaphore, #tpu.memory_space<semaphore_mem>>)
      %dma_start3A_343 = arith.constant 1408 : i32
      %dma_start3A_344 = arith.constant 0 : i32
      %dma_start3A_345 = tpu.memref_slice %arg23[%dma_start3A_343, %dma_start3A_344] : memref<2048x8xi32, #tpu.memory_space<vmem>> -> memref<128x8xi32, #tpu.memory_space<vmem>>
      %dma_start3A_346 = arith.constant 1408 : i32
      %dma_start3A_347 = tpu.memref_slice %arg20[%dma_start3A_346] : memref<2048xi32, #tpu.memory_space<vmem>> -> memref<128xi32, #tpu.memory_space<vmem>>
      %dma_start3A_348 = arith.constant 0 : i32
      %dma_start3A_349 = arith.constant 0 : i32
      %dma_start3A_350 = tpu.memref_slice %arg8[%dma_start3A_348, %dma_start3A_349] : memref<2400000x8xi32, #tpu.memory_space<hbm>> -> memref<2400000x8xi32, #tpu.memory_space<hbm>>
      tpu.enqueue_indirect_dma source(%dma_start3A_350 : memref<2400000x8xi32, #tpu.memory_space<hbm>>) target(%dma_start3A_345 : memref<128x8xi32, #tpu.memory_space<vmem>>) offsets(%dma_start3A_347 : memref<128xi32, #tpu.memory_space<vmem>>) semaphore(%arg27 : memref<!tpu.dma_semaphore, #tpu.memory_space<semaphore_mem>>)
      %dma_start3A_351 = arith.constant 1536 : i32
      %dma_start3A_352 = arith.constant 0 : i32
      %dma_start3A_353 = tpu.memref_slice %arg23[%dma_start3A_351, %dma_start3A_352] : memref<2048x8xi32, #tpu.memory_space<vmem>> -> memref<128x8xi32, #tpu.memory_space<vmem>>
      %dma_start3A_354 = arith.constant 1536 : i32
      %dma_start3A_355 = tpu.memref_slice %arg20[%dma_start3A_354] : memref<2048xi32, #tpu.memory_space<vmem>> -> memref<128xi32, #tpu.memory_space<vmem>>
      %dma_start3A_356 = arith.constant 0 : i32
      %dma_start3A_357 = arith.constant 0 : i32
      %dma_start3A_358 = tpu.memref_slice %arg8[%dma_start3A_356, %dma_start3A_357] : memref<2400000x8xi32, #tpu.memory_space<hbm>> -> memref<2400000x8xi32, #tpu.memory_space<hbm>>
      tpu.enqueue_indirect_dma source(%dma_start3A_358 : memref<2400000x8xi32, #tpu.memory_space<hbm>>) target(%dma_start3A_353 : memref<128x8xi32, #tpu.memory_space<vmem>>) offsets(%dma_start3A_355 : memref<128xi32, #tpu.memory_space<vmem>>) semaphore(%arg27 : memref<!tpu.dma_semaphore, #tpu.memory_space<semaphore_mem>>)
      %dma_start3A_359 = arith.constant 1664 : i32
      %dma_start3A_360 = arith.constant 0 : i32
      %dma_start3A_361 = tpu.memref_slice %arg23[%dma_start3A_359, %dma_start3A_360] : memref<2048x8xi32, #tpu.memory_space<vmem>> -> memref<128x8xi32, #tpu.memory_space<vmem>>
      %dma_start3A_362 = arith.constant 1664 : i32
      %dma_start3A_363 = tpu.memref_slice %arg20[%dma_start3A_362] : memref<2048xi32, #tpu.memory_space<vmem>> -> memref<128xi32, #tpu.memory_space<vmem>>
      %dma_start3A_364 = arith.constant 0 : i32
      %dma_start3A_365 = arith.constant 0 : i32
      %dma_start3A_366 = tpu.memref_slice %arg8[%dma_start3A_364, %dma_start3A_365] : memref<2400000x8xi32, #tpu.memory_space<hbm>> -> memref<2400000x8xi32, #tpu.memory_space<hbm>>
      tpu.enqueue_indirect_dma source(%dma_start3A_366 : memref<2400000x8xi32, #tpu.memory_space<hbm>>) target(%dma_start3A_361 : memref<128x8xi32, #tpu.memory_space<vmem>>) offsets(%dma_start3A_363 : memref<128xi32, #tpu.memory_space<vmem>>) semaphore(%arg27 : memref<!tpu.dma_semaphore, #tpu.memory_space<semaphore_mem>>)
      %dma_start3A_367 = arith.constant 1792 : i32
      %dma_start3A_368 = arith.constant 0 : i32
      %dma_start3A_369 = tpu.memref_slice %arg23[%dma_start3A_367, %dma_start3A_368] : memref<2048x8xi32, #tpu.memory_space<vmem>> -> memref<128x8xi32, #tpu.memory_space<vmem>>
      %dma_start3A_370 = arith.constant 1792 : i32
      %dma_start3A_371 = tpu.memref_slice %arg20[%dma_start3A_370] : memref<2048xi32, #tpu.memory_space<vmem>> -> memref<128xi32, #tpu.memory_space<vmem>>
      %dma_start3A_372 = arith.constant 0 : i32
      %dma_start3A_373 = arith.constant 0 : i32
      %dma_start3A_374 = tpu.memref_slice %arg8[%dma_start3A_372, %dma_start3A_373] : memref<2400000x8xi32, #tpu.memory_space<hbm>> -> memref<2400000x8xi32, #tpu.memory_space<hbm>>
      tpu.enqueue_indirect_dma source(%dma_start3A_374 : memref<2400000x8xi32, #tpu.memory_space<hbm>>) target(%dma_start3A_369 : memref<128x8xi32, #tpu.memory_space<vmem>>) offsets(%dma_start3A_371 : memref<128xi32, #tpu.memory_space<vmem>>) semaphore(%arg27 : memref<!tpu.dma_semaphore, #tpu.memory_space<semaphore_mem>>)
      %dma_start3A_375 = arith.constant 1920 : i32
      %dma_start3A_376 = arith.constant 0 : i32
      %dma_start3A_377 = tpu.memref_slice %arg23[%dma_start3A_375, %dma_start3A_376] : memref<2048x8xi32, #tpu.memory_space<vmem>> -> memref<128x8xi32, #tpu.memory_space<vmem>>
      %dma_start3A_378 = arith.constant 1920 : i32
      %dma_start3A_379 = tpu.memref_slice %arg20[%dma_start3A_378] : memref<2048xi32, #tpu.memory_space<vmem>> -> memref<128xi32, #tpu.memory_space<vmem>>
      %dma_start3A_380 = arith.constant 0 : i32
      %dma_start3A_381 = arith.constant 0 : i32
      %dma_start3A_382 = tpu.memref_slice %arg8[%dma_start3A_380, %dma_start3A_381] : memref<2400000x8xi32, #tpu.memory_space<hbm>> -> memref<2400000x8xi32, #tpu.memory_space<hbm>>
      tpu.enqueue_indirect_dma source(%dma_start3A_382 : memref<2400000x8xi32, #tpu.memory_space<hbm>>) target(%dma_start3A_377 : memref<128x8xi32, #tpu.memory_space<vmem>>) offsets(%dma_start3A_379 : memref<128xi32, #tpu.memory_space<vmem>>) semaphore(%arg27 : memref<!tpu.dma_semaphore, #tpu.memory_space<semaphore_mem>>)
      %add3A_383 = arith.constant 2 : i32
      %add3A_384 = arith.addi %add3A_243, %add3A_383 : i32
      %lt3A = arith.constant 32 : i32
      %lt3A_385 = arith.cmpi slt, %add3A_384, %lt3A : i32
      %convert_element_type3A = arith.extui %lt3A_385 : i1 to i32
      %cond3A = arith.constant 0 : i32
      %cond3A_386 = arith.cmpi ne, %convert_element_type3A, %cond3A : i32
      scf.if %cond3A_386 {
        %add3A_504 = arith.constant 2 : i32
        %add3A_505 = arith.addi %add3A_243, %add3A_504 : i32
        %mul3A_506 = arith.constant 4 : i32
        %mul3A_507 = arith.muli %add3A, %mul3A_506 : i32
        %jit3A_508 = arith.constant 8 : i32
        %div3A_509 = arith.divsi %add3A_505, %jit3A_508 : i32
        %sign3A_510 = arith.constant 0 : i32
        %sign3A_511 = arith.cmpi sgt, %add3A_505, %sign3A_510 : i32
        %sign3A_512 = arith.extui %sign3A_511 : i1 to i32
        %sign3A_513 = arith.constant 0 : i32
        %sign3A_514 = arith.cmpi slt, %add3A_505, %sign3A_513 : i32
        %sign3A_515 = arith.extui %sign3A_514 : i1 to i32
        %sign3A_516 = arith.subi %sign3A_512, %sign3A_515 : i32
        %sign3A_517 = arith.constant 0 : i32
        %sign3A_518 = arith.cmpi sgt, %jit3A_508, %sign3A_517 : i32
        %sign3A_519 = arith.extui %sign3A_518 : i1 to i32
        %sign3A_520 = arith.constant 0 : i32
        %sign3A_521 = arith.cmpi slt, %jit3A_508, %sign3A_520 : i32
        %sign3A_522 = arith.extui %sign3A_521 : i1 to i32
        %sign3A_523 = arith.subi %sign3A_519, %sign3A_522 : i32
        %ne3A_524 = arith.cmpi ne, %sign3A_516, %sign3A_523 : i32
        %rem3A_525 = arith.remsi %add3A_505, %jit3A_508 : i32
        %ne3A_526 = arith.constant 0 : i32
        %ne3A_527 = arith.cmpi ne, %rem3A_525, %ne3A_526 : i32
        %and3A_528 = arith.andi %ne3A_524, %ne3A_527 : i1
        %sub3A_529 = arith.constant 1 : i32
        %sub3A_530 = arith.subi %div3A_509, %sub3A_529 : i32
        %select_n3A_531 = arith.select %and3A_528, %sub3A_530, %div3A_509 : i32
        %add3A_532 = arith.addi %mul3A_507, %select_n3A_531 : i32
        %rem3A_533 = arith.constant 8 : i32
        %rem3A_534 = arith.remsi %add3A_505, %rem3A_533 : i32
        %mul3A_535 = arith.constant 16384 : i32
        %mul3A_536 = arith.muli %add3A_532, %mul3A_535 : i32
        %mul3A_537 = arith.constant 2048 : i32
        %mul3A_538 = arith.muli %rem3A_534, %mul3A_537 : i32
        %add3A_539 = arith.addi %mul3A_536, %mul3A_538 : i32
        %mul3A_540 = arith.constant 2 : i32
        %mul3A_541 = arith.muli %mul3A_540, %add3A_539 : i32
        %dma_start3A_542 = tpu.memref_slice %arg6[%mul3A_541] : memref<4194304xf32, #tpu.memory_space<hbm>> -> memref<4096xf32, #tpu.memory_space<hbm>>
        %dma_start3A_543 = tpu.memref_slice %arg6[%mul3A_541] : memref<4194304xf32, #tpu.memory_space<hbm>> -> memref<4096xf32, #tpu.memory_space<hbm>>
        tpu.enqueue_dma source(%dma_start3A_543 : memref<4096xf32, #tpu.memory_space<hbm>>) target(%arg9 : memref<4096xf32, #tpu.memory_space<vmem>>) target_semaphore(%arg16 : memref<!tpu.dma_semaphore, #tpu.memory_space<semaphore_mem>>)
      } else {
      }
      %dma_wait3A_387 = arith.constant 0 : i32
      %dma_wait3A_388 = arith.constant 0 : i32
      %dma_wait3A_389 = tpu.memref_slice %arg8[%dma_wait3A_387, %dma_wait3A_388] : memref<2400000x8xi32, #tpu.memory_space<hbm>> -> memref<2048x8xi32, #tpu.memory_space<hbm>>
      %dma_wait3A_390 = arith.constant 0 : i32
      %dma_wait3A_391 = arith.constant 0 : i32
      %dma_wait3A_392 = tpu.memref_slice %arg8[%dma_wait3A_390, %dma_wait3A_391] : memref<2400000x8xi32, #tpu.memory_space<hbm>> -> memref<2048x8xi32, #tpu.memory_space<hbm>>
      tpu.wait_dma2 semaphore(%arg17 : memref<!tpu.dma_semaphore, #tpu.memory_space<semaphore_mem>>) src(%dma_wait3A_392 : memref<2048x8xi32, #tpu.memory_space<hbm>>) dst(%arg13 : memref<2048x8xi32, #tpu.memory_space<vmem>>)
      %ge3A = arith.constant 2 : i32
      %ge3A_393 = arith.cmpi sge, %add3A_243, %ge3A : i32
      %convert_element_type3A_394 = arith.extui %ge3A_393 : i1 to i32
      %cond3A_395 = arith.constant 0 : i32
      %cond3A_396 = arith.cmpi ne, %convert_element_type3A_394, %cond3A_395 : i32
      scf.if %cond3A_396 {
        %mul3A_504 = arith.constant 4 : i32
        %mul3A_505 = arith.muli %add3A, %mul3A_504 : i32
        %add3A_506 = arith.constant 0 : i32
        %add3A_507 = arith.addi %mul3A_505, %add3A_506 : i32
        %rem3A_508 = arith.constant 0 : i32
        %rem3A_509 = arith.constant 8 : i32
        %rem3A_510 = arith.remsi %rem3A_508, %rem3A_509 : i32
        %mul3A_511 = arith.constant 2 : i32
        %mul3A_512 = arith.muli %add3A_507, %mul3A_511 : i32
        %mul3A_513 = arith.constant 16384 : i32
        %mul3A_514 = arith.muli %mul3A_512, %mul3A_513 : i32
        %mul3A_515 = arith.constant 2048 : i32
        %mul3A_516 = arith.muli %rem3A_510, %mul3A_515 : i32
        %add3A_517 = arith.addi %mul3A_514, %mul3A_516 : i32
        %dma_wait3A_518 = tpu.memref_slice %arg7[%add3A_517] : memref<4194304xf32, #tpu.memory_space<hbm>> -> memref<2048xf32, #tpu.memory_space<hbm>>
        %dma_wait3A_519 = tpu.memref_slice %arg7[%add3A_517] : memref<4194304xf32, #tpu.memory_space<hbm>> -> memref<2048xf32, #tpu.memory_space<hbm>>
        tpu.wait_dma2 semaphore(%arg18 : memref<!tpu.dma_semaphore, #tpu.memory_space<semaphore_mem>>) src(%arg14 : memref<2048xf32, #tpu.memory_space<vmem>>) dst(%dma_wait3A_519 : memref<2048xf32, #tpu.memory_space<hbm>>)
        %add3A_520 = arith.constant 16384 : i32
        %add3A_521 = arith.addi %add3A_517, %add3A_520 : i32
        %dma_wait3A_522 = tpu.memref_slice %arg7[%add3A_521] : memref<4194304xf32, #tpu.memory_space<hbm>> -> memref<2048xf32, #tpu.memory_space<hbm>>
        %dma_wait3A_523 = tpu.memref_slice %arg7[%add3A_521] : memref<4194304xf32, #tpu.memory_space<hbm>> -> memref<2048xf32, #tpu.memory_space<hbm>>
        tpu.wait_dma2 semaphore(%arg18 : memref<!tpu.dma_semaphore, #tpu.memory_space<semaphore_mem>>) src(%arg15 : memref<2048xf32, #tpu.memory_space<vmem>>) dst(%dma_wait3A_523 : memref<2048xf32, #tpu.memory_space<hbm>>)
      } else {
      }
      %scan3A_397 = arith.constant 0 : i32
      %scan3A_398 = arith.constant 64 : i32
      %scan3A_399 = arith.addi %scan3A_397, %scan3A_398 : i32
      %scan3A_400 = arith.constant 1 : i32
      scf.for %scan3A_504 = %scan3A_397 to %scan3A_399 step %scan3A_400  : i32 {
        %mul3A_505 = arith.constant 32 : i32
        %mul3A_506 = arith.muli %scan3A_504, %mul3A_505 : i32
        %add3A_507 = arith.constant 0 : i32
        %add3A_508 = arith.addi %add3A_507, %mul3A_506 : i32
        %add3A_509 = arith.constant 0 : i32
        %add3A_510 = arith.addi %add3A_508, %add3A_509 : i32
        %add3A_511 = arith.constant 0 : i32
        %add3A_512 = arith.addi %add3A_508, %add3A_511 : i32
        %add3A_513 = vector.broadcast %add3A_512 : i32 to vector<16xi32>
        %add3A_514 = arith.addi %add3A_513, %iota3A : vector<16xi32>
        %get3A = arith.index_cast %add3A_510 : i32 to index
        %get3A_515 = tpu.vector_load %arg11[%get3A] {strides = array<i32>} : memref<2048xf32, #tpu.memory_space<vmem>>, vector<16xf32>,
        %get3A_516 = arith.index_cast %add3A_510 : i32 to index
        %get3A_517 = tpu.vector_load %arg12[%get3A_516] {strides = array<i32>} : memref<2048xf32, #tpu.memory_space<vmem>>, vector<16xf32>,
        %gather3A = tpu.vector_load_idx %arg13[%add3A_514, %broadcast_in_dim3A_5] : memref<2048x8xi32, #tpu.memory_space<vmem>>[vector<16xi32>, vector<16xi32>], vector<16xi32>,
        %gather3A_518 = tpu.vector_load_idx %arg13[%add3A_514, %broadcast_in_dim3A_7] : memref<2048x8xi32, #tpu.memory_space<vmem>>[vector<16xi32>, vector<16xi32>], vector<16xi32>,
        %gather3A_519 = tpu.vector_load_idx %arg13[%add3A_514, %broadcast_in_dim3A_9] : memref<2048x8xi32, #tpu.memory_space<vmem>>[vector<16xi32>, vector<16xi32>], vector<16xi32>,
        %gather3A_520 = tpu.vector_load_idx %arg13[%add3A_514, %broadcast_in_dim3A_11] : memref<2048x8xi32, #tpu.memory_space<vmem>>[vector<16xi32>, vector<16xi32>], vector<16xi32>,
        %shift_left3A = arith.constant 16 : i32
        %shift_left3A_521 = vector.broadcast %shift_left3A : i32 to vector<16xi32>
        %shift_left3A_522 = arith.shli %gather3A, %shift_left3A_521 : vector<16xi32>
        %bitcast3A = vector.bitcast %shift_left3A_522 : vector<16xi32> to vector<16xf32>
        %and3A_523 = arith.andi %gather3A, %broadcast_in_dim3A_3 : vector<16xi32>
        %bitcast3A_524 = vector.bitcast %and3A_523 : vector<16xi32> to vector<16xf32>
        %shift_left3A_525 = arith.constant 16 : i32
        %shift_left3A_526 = vector.broadcast %shift_left3A_525 : i32 to vector<16xi32>
        %shift_left3A_527 = arith.shli %gather3A_519, %shift_left3A_526 : vector<16xi32>
        %bitcast3A_528 = vector.bitcast %shift_left3A_527 : vector<16xi32> to vector<16xf32>
        %and3A_529 = arith.andi %gather3A_519, %broadcast_in_dim3A_3 : vector<16xi32>
        %bitcast3A_530 = vector.bitcast %and3A_529 : vector<16xi32> to vector<16xf32>
        %shift_left3A_531 = arith.constant 16 : i32
        %shift_left3A_532 = vector.broadcast %shift_left3A_531 : i32 to vector<16xi32>
        %shift_left3A_533 = arith.shli %gather3A_518, %shift_left3A_532 : vector<16xi32>
        %bitcast3A_534 = vector.bitcast %shift_left3A_533 : vector<16xi32> to vector<16xf32>
        %and3A_535 = arith.andi %gather3A_518, %broadcast_in_dim3A_3 : vector<16xi32>
        %bitcast3A_536 = vector.bitcast %and3A_535 : vector<16xi32> to vector<16xf32>
        %shift_left3A_537 = arith.constant 16 : i32
        %shift_left3A_538 = vector.broadcast %shift_left3A_537 : i32 to vector<16xi32>
        %shift_left3A_539 = arith.shli %gather3A_520, %shift_left3A_538 : vector<16xi32>
        %bitcast3A_540 = vector.bitcast %shift_left3A_539 : vector<16xi32> to vector<16xf32>
        %and3A_541 = arith.andi %gather3A_520, %broadcast_in_dim3A_3 : vector<16xi32>
        %bitcast3A_542 = vector.bitcast %and3A_541 : vector<16xi32> to vector<16xf32>
        %sub3A_543 = arith.subf %bitcast3A_524, %bitcast3A : vector<16xf32>
        %mul3A_544 = arith.mulf %get3A_517, %sub3A_543 : vector<16xf32>
        %add3A_545 = arith.addf %bitcast3A, %mul3A_544 : vector<16xf32>
        %sub3A_546 = arith.subf %bitcast3A_530, %bitcast3A_528 : vector<16xf32>
        %mul3A_547 = arith.mulf %get3A_517, %sub3A_546 : vector<16xf32>
        %add3A_548 = arith.addf %bitcast3A_528, %mul3A_547 : vector<16xf32>
        %sub3A_549 = arith.subf %bitcast3A_536, %bitcast3A_534 : vector<16xf32>
        %mul3A_550 = arith.mulf %get3A_517, %sub3A_549 : vector<16xf32>
        %add3A_551 = arith.addf %bitcast3A_534, %mul3A_550 : vector<16xf32>
        %sub3A_552 = arith.subf %bitcast3A_542, %bitcast3A_540 : vector<16xf32>
        %mul3A_553 = arith.mulf %get3A_517, %sub3A_552 : vector<16xf32>
        %add3A_554 = arith.addf %bitcast3A_540, %mul3A_553 : vector<16xf32>
        %sub3A_555 = arith.subf %add3A_548, %add3A_545 : vector<16xf32>
        %mul3A_556 = arith.mulf %get3A_515, %sub3A_555 : vector<16xf32>
        %add3A_557 = arith.addf %add3A_545, %mul3A_556 : vector<16xf32>
        %swap3A = arith.index_cast %add3A_510 : i32 to index
        %swap3A_558 = tpu.vector_load %arg14[%swap3A] {strides = array<i32>} : memref<2048xf32, #tpu.memory_space<vmem>>, vector<16xf32>,
        tpu.vector_store %arg14[%swap3A], %add3A_557 {strides = array<i32>} : memref<2048xf32, #tpu.memory_space<vmem>>, vector<16xf32>,
        %sub3A_559 = arith.subf %add3A_554, %add3A_551 : vector<16xf32>
        %mul3A_560 = arith.mulf %get3A_515, %sub3A_559 : vector<16xf32>
        %add3A_561 = arith.addf %add3A_551, %mul3A_560 : vector<16xf32>
        %swap3A_562 = arith.index_cast %add3A_510 : i32 to index
        %swap3A_563 = tpu.vector_load %arg15[%swap3A_562] {strides = array<i32>} : memref<2048xf32, #tpu.memory_space<vmem>>, vector<16xf32>,
        tpu.vector_store %arg15[%swap3A_562], %add3A_561 {strides = array<i32>} : memref<2048xf32, #tpu.memory_space<vmem>>, vector<16xf32>,
        %add3A_564 = arith.constant 16 : i32
        %add3A_565 = arith.addi %add3A_508, %add3A_564 : i32
        %add3A_566 = arith.constant 16 : i32
        %add3A_567 = arith.addi %add3A_508, %add3A_566 : i32
        %add3A_568 = vector.broadcast %add3A_567 : i32 to vector<16xi32>
        %add3A_569 = arith.addi %add3A_568, %iota3A : vector<16xi32>
        %get3A_570 = arith.index_cast %add3A_565 : i32 to index
        %get3A_571 = tpu.vector_load %arg11[%get3A_570] {strides = array<i32>} : memref<2048xf32, #tpu.memory_space<vmem>>, vector<16xf32>,
        %get3A_572 = arith.index_cast %add3A_565 : i32 to index
        %get3A_573 = tpu.vector_load %arg12[%get3A_572] {strides = array<i32>} : memref<2048xf32, #tpu.memory_space<vmem>>, vector<16xf32>,
        %gather3A_574 = tpu.vector_load_idx %arg13[%add3A_569, %broadcast_in_dim3A_5] : memref<2048x8xi32, #tpu.memory_space<vmem>>[vector<16xi32>, vector<16xi32>], vector<16xi32>,
        %gather3A_575 = tpu.vector_load_idx %arg13[%add3A_569, %broadcast_in_dim3A_7] : memref<2048x8xi32, #tpu.memory_space<vmem>>[vector<16xi32>, vector<16xi32>], vector<16xi32>,
        %gather3A_576 = tpu.vector_load_idx %arg13[%add3A_569, %broadcast_in_dim3A_9] : memref<2048x8xi32, #tpu.memory_space<vmem>>[vector<16xi32>, vector<16xi32>], vector<16xi32>,
        %gather3A_577 = tpu.vector_load_idx %arg13[%add3A_569, %broadcast_in_dim3A_11] : memref<2048x8xi32, #tpu.memory_space<vmem>>[vector<16xi32>, vector<16xi32>], vector<16xi32>,
        %shift_left3A_578 = arith.constant 16 : i32
        %shift_left3A_579 = vector.broadcast %shift_left3A_578 : i32 to vector<16xi32>
        %shift_left3A_580 = arith.shli %gather3A_574, %shift_left3A_579 : vector<16xi32>
        %bitcast3A_581 = vector.bitcast %shift_left3A_580 : vector<16xi32> to vector<16xf32>
        %and3A_582 = arith.andi %gather3A_574, %broadcast_in_dim3A_3 : vector<16xi32>
        %bitcast3A_583 = vector.bitcast %and3A_582 : vector<16xi32> to vector<16xf32>
        %shift_left3A_584 = arith.constant 16 : i32
        %shift_left3A_585 = vector.broadcast %shift_left3A_584 : i32 to vector<16xi32>
        %shift_left3A_586 = arith.shli %gather3A_576, %shift_left3A_585 : vector<16xi32>
        %bitcast3A_587 = vector.bitcast %shift_left3A_586 : vector<16xi32> to vector<16xf32>
        %and3A_588 = arith.andi %gather3A_576, %broadcast_in_dim3A_3 : vector<16xi32>
        %bitcast3A_589 = vector.bitcast %and3A_588 : vector<16xi32> to vector<16xf32>
        %shift_left3A_590 = arith.constant 16 : i32
        %shift_left3A_591 = vector.broadcast %shift_left3A_590 : i32 to vector<16xi32>
        %shift_left3A_592 = arith.shli %gather3A_575, %shift_left3A_591 : vector<16xi32>
        %bitcast3A_593 = vector.bitcast %shift_left3A_592 : vector<16xi32> to vector<16xf32>
        %and3A_594 = arith.andi %gather3A_575, %broadcast_in_dim3A_3 : vector<16xi32>
        %bitcast3A_595 = vector.bitcast %and3A_594 : vector<16xi32> to vector<16xf32>
        %shift_left3A_596 = arith.constant 16 : i32
        %shift_left3A_597 = vector.broadcast %shift_left3A_596 : i32 to vector<16xi32>
        %shift_left3A_598 = arith.shli %gather3A_577, %shift_left3A_597 : vector<16xi32>
        %bitcast3A_599 = vector.bitcast %shift_left3A_598 : vector<16xi32> to vector<16xf32>
        %and3A_600 = arith.andi %gather3A_577, %broadcast_in_dim3A_3 : vector<16xi32>
        %bitcast3A_601 = vector.bitcast %and3A_600 : vector<16xi32> to vector<16xf32>
        %sub3A_602 = arith.subf %bitcast3A_583, %bitcast3A_581 : vector<16xf32>
        %mul3A_603 = arith.mulf %get3A_573, %sub3A_602 : vector<16xf32>
        %add3A_604 = arith.addf %bitcast3A_581, %mul3A_603 : vector<16xf32>
        %sub3A_605 = arith.subf %bitcast3A_589, %bitcast3A_587 : vector<16xf32>
        %mul3A_606 = arith.mulf %get3A_573, %sub3A_605 : vector<16xf32>
        %add3A_607 = arith.addf %bitcast3A_587, %mul3A_606 : vector<16xf32>
        %sub3A_608 = arith.subf %bitcast3A_595, %bitcast3A_593 : vector<16xf32>
        %mul3A_609 = arith.mulf %get3A_573, %sub3A_608 : vector<16xf32>
        %add3A_610 = arith.addf %bitcast3A_593, %mul3A_609 : vector<16xf32>
        %sub3A_611 = arith.subf %bitcast3A_601, %bitcast3A_599 : vector<16xf32>
        %mul3A_612 = arith.mulf %get3A_573, %sub3A_611 : vector<16xf32>
        %add3A_613 = arith.addf %bitcast3A_599, %mul3A_612 : vector<16xf32>
        %sub3A_614 = arith.subf %add3A_607, %add3A_604 : vector<16xf32>
        %mul3A_615 = arith.mulf %get3A_571, %sub3A_614 : vector<16xf32>
        %add3A_616 = arith.addf %add3A_604, %mul3A_615 : vector<16xf32>
        %swap3A_617 = arith.index_cast %add3A_565 : i32 to index
        %swap3A_618 = tpu.vector_load %arg14[%swap3A_617] {strides = array<i32>} : memref<2048xf32, #tpu.memory_space<vmem>>, vector<16xf32>,
        tpu.vector_store %arg14[%swap3A_617], %add3A_616 {strides = array<i32>} : memref<2048xf32, #tpu.memory_space<vmem>>, vector<16xf32>,
        %sub3A_619 = arith.subf %add3A_613, %add3A_610 : vector<16xf32>
        %mul3A_620 = arith.mulf %get3A_571, %sub3A_619 : vector<16xf32>
        %add3A_621 = arith.addf %add3A_610, %mul3A_620 : vector<16xf32>
        %swap3A_622 = arith.index_cast %add3A_565 : i32 to index
        %swap3A_623 = tpu.vector_load %arg15[%swap3A_622] {strides = array<i32>} : memref<2048xf32, #tpu.memory_space<vmem>>, vector<16xf32>,
        tpu.vector_store %arg15[%swap3A_622], %add3A_621 {strides = array<i32>} : memref<2048xf32, #tpu.memory_space<vmem>>, vector<16xf32>,
      }
      %scan3A_401 = arith.constant 64 : i32
      %mul3A_402 = arith.constant 4 : i32
      %mul3A_403 = arith.muli %add3A, %mul3A_402 : i32
      %jit3A = arith.constant 8 : i32
      %div3A = arith.divsi %add3A_243, %jit3A : i32
      %sign3A = arith.constant 0 : i32
      %sign3A_404 = arith.cmpi sgt, %add3A_243, %sign3A : i32
      %sign3A_405 = arith.extui %sign3A_404 : i1 to i32
      %sign3A_406 = arith.constant 0 : i32
      %sign3A_407 = arith.cmpi slt, %add3A_243, %sign3A_406 : i32
      %sign3A_408 = arith.extui %sign3A_407 : i1 to i32
      %sign3A_409 = arith.subi %sign3A_405, %sign3A_408 : i32
      %sign3A_410 = arith.constant 0 : i32
      %sign3A_411 = arith.cmpi sgt, %jit3A, %sign3A_410 : i32
      %sign3A_412 = arith.extui %sign3A_411 : i1 to i32
      %sign3A_413 = arith.constant 0 : i32
      %sign3A_414 = arith.cmpi slt, %jit3A, %sign3A_413 : i32
      %sign3A_415 = arith.extui %sign3A_414 : i1 to i32
      %sign3A_416 = arith.subi %sign3A_412, %sign3A_415 : i32
      %ne3A = arith.cmpi ne, %sign3A_409, %sign3A_416 : i32
      %rem3A_417 = arith.remsi %add3A_243, %jit3A : i32
      %ne3A_418 = arith.constant 0 : i32
      %ne3A_419 = arith.cmpi ne, %rem3A_417, %ne3A_418 : i32
      %and3A = arith.andi %ne3A, %ne3A_419 : i1
      %sub3A = arith.constant 1 : i32
      %sub3A_420 = arith.subi %div3A, %sub3A : i32
      %select_n3A = arith.select %and3A, %sub3A_420, %div3A : i32
      %add3A_421 = arith.addi %mul3A_403, %select_n3A : i32
      %rem3A_422 = arith.constant 8 : i32
      %rem3A_423 = arith.remsi %add3A_243, %rem3A_422 : i32
      %mul3A_424 = arith.constant 2 : i32
      %mul3A_425 = arith.muli %add3A_421, %mul3A_424 : i32
      %mul3A_426 = arith.constant 16384 : i32
      %mul3A_427 = arith.muli %mul3A_425, %mul3A_426 : i32
      %mul3A_428 = arith.constant 2048 : i32
      %mul3A_429 = arith.muli %rem3A_423, %mul3A_428 : i32
      %add3A_430 = arith.addi %mul3A_427, %mul3A_429 : i32
      %dma_start3A_431 = tpu.memref_slice %arg7[%add3A_430] : memref<4194304xf32, #tpu.memory_space<hbm>> -> memref<2048xf32, #tpu.memory_space<hbm>>
      %dma_start3A_432 = tpu.memref_slice %arg7[%add3A_430] : memref<4194304xf32, #tpu.memory_space<hbm>> -> memref<2048xf32, #tpu.memory_space<hbm>>
      tpu.enqueue_dma source(%arg14 : memref<2048xf32, #tpu.memory_space<vmem>>) target(%dma_start3A_432 : memref<2048xf32, #tpu.memory_space<hbm>>) target_semaphore(%arg18 : memref<!tpu.dma_semaphore, #tpu.memory_space<semaphore_mem>>)
      %add3A_433 = arith.constant 16384 : i32
      %add3A_434 = arith.addi %add3A_430, %add3A_433 : i32
      %dma_start3A_435 = tpu.memref_slice %arg7[%add3A_434] : memref<4194304xf32, #tpu.memory_space<hbm>> -> memref<2048xf32, #tpu.memory_space<hbm>>
      %dma_start3A_436 = tpu.memref_slice %arg7[%add3A_434] : memref<4194304xf32, #tpu.memory_space<hbm>> -> memref<2048xf32, #tpu.memory_space<hbm>>
      tpu.enqueue_dma source(%arg15 : memref<2048xf32, #tpu.memory_space<vmem>>) target(%dma_start3A_436 : memref<2048xf32, #tpu.memory_space<hbm>>) target_semaphore(%arg18 : memref<!tpu.dma_semaphore, #tpu.memory_space<semaphore_mem>>)
      %add3A_437 = arith.constant 2 : i32
      %add3A_438 = arith.addi %add3A_243, %add3A_437 : i32
      %lt3A_439 = arith.constant 32 : i32
      %lt3A_440 = arith.cmpi slt, %add3A_438, %lt3A_439 : i32
      %convert_element_type3A_441 = arith.extui %lt3A_440 : i1 to i32
      %cond3A_442 = arith.constant 0 : i32
      %cond3A_443 = arith.cmpi ne, %convert_element_type3A_441, %cond3A_442 : i32
      scf.if %cond3A_443 {
        %add3A_504 = arith.constant 2 : i32
        %add3A_505 = arith.addi %add3A_243, %add3A_504 : i32
        %dma_wait3A_506 = arith.constant 0 : i32
        %dma_wait3A_507 = tpu.memref_slice %arg6[%dma_wait3A_506] : memref<4194304xf32, #tpu.memory_space<hbm>> -> memref<4096xf32, #tpu.memory_space<hbm>>
        %dma_wait3A_508 = arith.constant 0 : i32
        %dma_wait3A_509 = tpu.memref_slice %arg6[%dma_wait3A_508] : memref<4194304xf32, #tpu.memory_space<hbm>> -> memref<4096xf32, #tpu.memory_space<hbm>>
        tpu.wait_dma2 semaphore(%arg16 : memref<!tpu.dma_semaphore, #tpu.memory_space<semaphore_mem>>) src(%dma_wait3A_509 : memref<4096xf32, #tpu.memory_space<hbm>>) dst(%arg9 : memref<4096xf32, #tpu.memory_space<vmem>>)
        %scan3A_510 = arith.constant 0 : i32
        %scan3A_511 = arith.constant 16 : i32
        %scan3A_512 = arith.addi %scan3A_510, %scan3A_511 : i32
        %scan3A_513 = arith.constant 1 : i32
        scf.for %scan3A_683 = %scan3A_510 to %scan3A_512 step %scan3A_513  : i32 {
          %mul3A_684 = arith.constant 1 : i32
          %mul3A_685 = arith.muli %scan3A_683, %mul3A_684 : i32
          %add3A_686 = arith.constant 0 : i32
          %add3A_687 = arith.addi %add3A_686, %mul3A_685 : i32
          %scan3A_688 = arith.constant 0 : i32
          %scan3A_689 = arith.constant 2 : i32
          %scan3A_690 = arith.addi %scan3A_688, %scan3A_689 : i32
          %scan3A_691 = arith.constant 1 : i32
          scf.for %scan3A_693 = %scan3A_688 to %scan3A_690 step %scan3A_691  : i32 {
            %mul3A_694 = arith.constant 64 : i32
            %mul3A_695 = arith.muli %scan3A_693, %mul3A_694 : i32
            %add3A_696 = arith.constant 0 : i32
            %add3A_697 = arith.addi %add3A_696, %mul3A_695 : i32
            %mul3A_698 = arith.constant 256 : i32
            %mul3A_699 = arith.muli %add3A_687, %mul3A_698 : i32
            %add3A_700 = arith.addi %mul3A_699, %add3A_697 : i32
            %add3A_701 = arith.constant 0 : i32
            %add3A_702 = arith.addi %add3A_700, %add3A_701 : i32
            %mul3A_703 = arith.constant 128 : i32
            %mul3A_704 = arith.muli %add3A_687, %mul3A_703 : i32
            %add3A_705 = arith.addi %mul3A_704, %add3A_697 : i32
            %add3A_706 = arith.constant 0 : i32
            %add3A_707 = arith.addi %add3A_705, %add3A_706 : i32
            %get3A = arith.index_cast %add3A_702 : i32 to index
            %get3A_708 = tpu.vector_load %arg9[%get3A] {strides = array<i32>} : memref<4096xf32, #tpu.memory_space<vmem>>, vector<16xf32>,
            %add3A_709 = arith.constant 128 : i32
            %add3A_710 = arith.addi %add3A_702, %add3A_709 : i32
            %get3A_711 = arith.index_cast %add3A_710 : i32 to index
            %get3A_712 = tpu.vector_load %arg9[%get3A_711] {strides = array<i32>} : memref<4096xf32, #tpu.memory_space<vmem>>, vector<16xf32>,
            %mul3A_713 = arith.constant 5.995000e+02 : f32
            %mul3A_714 = vector.broadcast %mul3A_713 : f32 to vector<16xf32>
            %mul3A_715 = arith.mulf %get3A_708, %mul3A_714 : vector<16xf32>
            %add3A_716 = arith.constant 5.995000e+02 : f32
            %add3A_717 = vector.broadcast %add3A_716 : f32 to vector<16xf32>
            %add3A_718 = arith.addf %mul3A_715, %add3A_717 : vector<16xf32>
            %min3A = arith.constant 1.199000e+03 : f32
            %min3A_719 = vector.broadcast %min3A : f32 to vector<16xf32>
            %min3A_720 = arith.minimumf %add3A_718, %min3A_719 : vector<16xf32>
            %mul3A_721 = arith.constant 4.995000e+02 : f32
            %mul3A_722 = vector.broadcast %mul3A_721 : f32 to vector<16xf32>
            %mul3A_723 = arith.mulf %get3A_712, %mul3A_722 : vector<16xf32>
            %add3A_724 = arith.constant 4.995000e+02 : f32
            %add3A_725 = vector.broadcast %add3A_724 : f32 to vector<16xf32>
            %add3A_726 = arith.addf %mul3A_723, %add3A_725 : vector<16xf32>
            %min3A_727 = arith.constant 9.990000e+02 : f32
            %min3A_728 = vector.broadcast %min3A_727 : f32 to vector<16xf32>
            %min3A_729 = arith.minimumf %add3A_726, %min3A_728 : vector<16xf32>
            %convert_element_type3A_730 = arith.fptosi %min3A_720 : vector<16xf32> to vector<16xi32>
            %convert_element_type3A_731 = arith.fptosi %min3A_729 : vector<16xf32> to vector<16xi32>
            %mul3A_732 = arith.constant 1000 : i32
            %mul3A_733 = vector.broadcast %mul3A_732 : i32 to vector<16xi32>
            %mul3A_734 = arith.muli %convert_element_type3A_730, %mul3A_733 : vector<16xi32>
            %add3A_735 = arith.addi %mul3A_734, %convert_element_type3A_731 : vector<16xi32>
            %add3A_736 = vector.broadcast %mul3A_2 : i32 to vector<16xi32>
            %add3A_737 = arith.addi %add3A_735, %add3A_736 : vector<16xi32>
            %swap3A = arith.index_cast %add3A_707 : i32 to index
            %swap3A_738 = tpu.vector_load %arg10[%swap3A] {strides = array<i32>} : memref<2048xi32, #tpu.memory_space<vmem>>, vector<16xi32>,
            tpu.vector_store %arg10[%swap3A], %add3A_737 {strides = array<i32>} : memref<2048xi32, #tpu.memory_space<vmem>>, vector<16xi32>,
            %convert_element_type3A_739 = arith.sitofp %convert_element_type3A_730 : vector<16xi32> to vector<16xf32>
            %sub3A_740 = arith.subf %min3A_720, %convert_element_type3A_739 : vector<16xf32>
            %swap3A_741 = arith.index_cast %add3A_707 : i32 to index
            %swap3A_742 = tpu.vector_load %arg11[%swap3A_741] {strides = array<i32>} : memref<2048xf32, #tpu.memory_space<vmem>>, vector<16xf32>,
            tpu.vector_store %arg11[%swap3A_741], %sub3A_740 {strides = array<i32>} : memref<2048xf32, #tpu.memory_space<vmem>>, vector<16xf32>,
            %convert_element_type3A_743 = arith.sitofp %convert_element_type3A_731 : vector<16xi32> to vector<16xf32>
            %sub3A_744 = arith.subf %min3A_729, %convert_element_type3A_743 : vector<16xf32>
            %swap3A_745 = arith.index_cast %add3A_707 : i32 to index
            %swap3A_746 = tpu.vector_load %arg12[%swap3A_745] {strides = array<i32>} : memref<2048xf32, #tpu.memory_space<vmem>>, vector<16xf32>,
            tpu.vector_store %arg12[%swap3A_745], %sub3A_744 {strides = array<i32>} : memref<2048xf32, #tpu.memory_space<vmem>>, vector<16xf32>,
            %mul3A_747 = arith.constant 256 : i32
            %mul3A_748 = arith.muli %add3A_687, %mul3A_747 : i32
            %add3A_749 = arith.addi %mul3A_748, %add3A_697 : i32
            %add3A_750 = arith.constant 16 : i32
            %add3A_751 = arith.addi %add3A_749, %add3A_750 : i32
            %mul3A_752 = arith.constant 128 : i32
            %mul3A_753 = arith.muli %add3A_687, %mul3A_752 : i32
            %add3A_754 = arith.addi %mul3A_753, %add3A_697 : i32
            %add3A_755 = arith.constant 16 : i32
            %add3A_756 = arith.addi %add3A_754, %add3A_755 : i32
            %get3A_757 = arith.index_cast %add3A_751 : i32 to index
            %get3A_758 = tpu.vector_load %arg9[%get3A_757] {strides = array<i32>} : memref<4096xf32, #tpu.memory_space<vmem>>, vector<16xf32>,
            %add3A_759 = arith.constant 128 : i32
            %add3A_760 = arith.addi %add3A_751, %add3A_759 : i32
            %get3A_761 = arith.index_cast %add3A_760 : i32 to index
            %get3A_762 = tpu.vector_load %arg9[%get3A_761] {strides = array<i32>} : memref<4096xf32, #tpu.memory_space<vmem>>, vector<16xf32>,
            %mul3A_763 = arith.constant 5.995000e+02 : f32
            %mul3A_764 = vector.broadcast %mul3A_763 : f32 to vector<16xf32>
            %mul3A_765 = arith.mulf %get3A_758, %mul3A_764 : vector<16xf32>
            %add3A_766 = arith.constant 5.995000e+02 : f32
            %add3A_767 = vector.broadcast %add3A_766 : f32 to vector<16xf32>
            %add3A_768 = arith.addf %mul3A_765, %add3A_767 : vector<16xf32>
            %min3A_769 = arith.constant 1.199000e+03 : f32
            %min3A_770 = vector.broadcast %min3A_769 : f32 to vector<16xf32>
            %min3A_771 = arith.minimumf %add3A_768, %min3A_770 : vector<16xf32>
            %mul3A_772 = arith.constant 4.995000e+02 : f32
            %mul3A_773 = vector.broadcast %mul3A_772 : f32 to vector<16xf32>
            %mul3A_774 = arith.mulf %get3A_762, %mul3A_773 : vector<16xf32>
            %add3A_775 = arith.constant 4.995000e+02 : f32
            %add3A_776 = vector.broadcast %add3A_775 : f32 to vector<16xf32>
            %add3A_777 = arith.addf %mul3A_774, %add3A_776 : vector<16xf32>
            %min3A_778 = arith.constant 9.990000e+02 : f32
            %min3A_779 = vector.broadcast %min3A_778 : f32 to vector<16xf32>
            %min3A_780 = arith.minimumf %add3A_777, %min3A_779 : vector<16xf32>
            %convert_element_type3A_781 = arith.fptosi %min3A_771 : vector<16xf32> to vector<16xi32>
            %convert_element_type3A_782 = arith.fptosi %min3A_780 : vector<16xf32> to vector<16xi32>
            %mul3A_783 = arith.constant 1000 : i32
            %mul3A_784 = vector.broadcast %mul3A_783 : i32 to vector<16xi32>
            %mul3A_785 = arith.muli %convert_element_type3A_781, %mul3A_784 : vector<16xi32>
            %add3A_786 = arith.addi %mul3A_785, %convert_element_type3A_782 : vector<16xi32>
            %add3A_787 = vector.broadcast %mul3A_2 : i32 to vector<16xi32>
            %add3A_788 = arith.addi %add3A_786, %add3A_787 : vector<16xi32>
            %swap3A_789 = arith.index_cast %add3A_756 : i32 to index
            %swap3A_790 = tpu.vector_load %arg10[%swap3A_789] {strides = array<i32>} : memref<2048xi32, #tpu.memory_space<vmem>>, vector<16xi32>,
            tpu.vector_store %arg10[%swap3A_789], %add3A_788 {strides = array<i32>} : memref<2048xi32, #tpu.memory_space<vmem>>, vector<16xi32>,
            %convert_element_type3A_791 = arith.sitofp %convert_element_type3A_781 : vector<16xi32> to vector<16xf32>
            %sub3A_792 = arith.subf %min3A_771, %convert_element_type3A_791 : vector<16xf32>
            %swap3A_793 = arith.index_cast %add3A_756 : i32 to index
            %swap3A_794 = tpu.vector_load %arg11[%swap3A_793] {strides = array<i32>} : memref<2048xf32, #tpu.memory_space<vmem>>, vector<16xf32>,
            tpu.vector_store %arg11[%swap3A_793], %sub3A_792 {strides = array<i32>} : memref<2048xf32, #tpu.memory_space<vmem>>, vector<16xf32>,
            %convert_element_type3A_795 = arith.sitofp %convert_element_type3A_782 : vector<16xi32> to vector<16xf32>
            %sub3A_796 = arith.subf %min3A_780, %convert_element_type3A_795 : vector<16xf32>
            %swap3A_797 = arith.index_cast %add3A_756 : i32 to index
            %swap3A_798 = tpu.vector_load %arg12[%swap3A_797] {strides = array<i32>} : memref<2048xf32, #tpu.memory_space<vmem>>, vector<16xf32>,
            tpu.vector_store %arg12[%swap3A_797], %sub3A_796 {strides = array<i32>} : memref<2048xf32, #tpu.memory_space<vmem>>, vector<16xf32>,
            %mul3A_799 = arith.constant 256 : i32
            %mul3A_800 = arith.muli %add3A_687, %mul3A_799 : i32
            %add3A_801 = arith.addi %mul3A_800, %add3A_697 : i32
            %add3A_802 = arith.constant 32 : i32
            %add3A_803 = arith.addi %add3A_801, %add3A_802 : i32
            %mul3A_804 = arith.constant 128 : i32
            %mul3A_805 = arith.muli %add3A_687, %mul3A_804 : i32
            %add3A_806 = arith.addi %mul3A_805, %add3A_697 : i32
            %add3A_807 = arith.constant 32 : i32
            %add3A_808 = arith.addi %add3A_806, %add3A_807 : i32
            %get3A_809 = arith.index_cast %add3A_803 : i32 to index
            %get3A_810 = tpu.vector_load %arg9[%get3A_809] {strides = array<i32>} : memref<4096xf32, #tpu.memory_space<vmem>>, vector<16xf32>,
            %add3A_811 = arith.constant 128 : i32
            %add3A_812 = arith.addi %add3A_803, %add3A_811 : i32
            %get3A_813 = arith.index_cast %add3A_812 : i32 to index
            %get3A_814 = tpu.vector_load %arg9[%get3A_813] {strides = array<i32>} : memref<4096xf32, #tpu.memory_space<vmem>>, vector<16xf32>,
            %mul3A_815 = arith.constant 5.995000e+02 : f32
            %mul3A_816 = vector.broadcast %mul3A_815 : f32 to vector<16xf32>
            %mul3A_817 = arith.mulf %get3A_810, %mul3A_816 : vector<16xf32>
            %add3A_818 = arith.constant 5.995000e+02 : f32
            %add3A_819 = vector.broadcast %add3A_818 : f32 to vector<16xf32>
            %add3A_820 = arith.addf %mul3A_817, %add3A_819 : vector<16xf32>
            %min3A_821 = arith.constant 1.199000e+03 : f32
            %min3A_822 = vector.broadcast %min3A_821 : f32 to vector<16xf32>
            %min3A_823 = arith.minimumf %add3A_820, %min3A_822 : vector<16xf32>
            %mul3A_824 = arith.constant 4.995000e+02 : f32
            %mul3A_825 = vector.broadcast %mul3A_824 : f32 to vector<16xf32>
            %mul3A_826 = arith.mulf %get3A_814, %mul3A_825 : vector<16xf32>
            %add3A_827 = arith.constant 4.995000e+02 : f32
            %add3A_828 = vector.broadcast %add3A_827 : f32 to vector<16xf32>
            %add3A_829 = arith.addf %mul3A_826, %add3A_828 : vector<16xf32>
            %min3A_830 = arith.constant 9.990000e+02 : f32
            %min3A_831 = vector.broadcast %min3A_830 : f32 to vector<16xf32>
            %min3A_832 = arith.minimumf %add3A_829, %min3A_831 : vector<16xf32>
            %convert_element_type3A_833 = arith.fptosi %min3A_823 : vector<16xf32> to vector<16xi32>
            %convert_element_type3A_834 = arith.fptosi %min3A_832 : vector<16xf32> to vector<16xi32>
            %mul3A_835 = arith.constant 1000 : i32
            %mul3A_836 = vector.broadcast %mul3A_835 : i32 to vector<16xi32>
            %mul3A_837 = arith.muli %convert_element_type3A_833, %mul3A_836 : vector<16xi32>
            %add3A_838 = arith.addi %mul3A_837, %convert_element_type3A_834 : vector<16xi32>
            %add3A_839 = vector.broadcast %mul3A_2 : i32 to vector<16xi32>
            %add3A_840 = arith.addi %add3A_838, %add3A_839 : vector<16xi32>
            %swap3A_841 = arith.index_cast %add3A_808 : i32 to index
            %swap3A_842 = tpu.vector_load %arg10[%swap3A_841] {strides = array<i32>} : memref<2048xi32, #tpu.memory_space<vmem>>, vector<16xi32>,
            tpu.vector_store %arg10[%swap3A_841], %add3A_840 {strides = array<i32>} : memref<2048xi32, #tpu.memory_space<vmem>>, vector<16xi32>,
            %convert_element_type3A_843 = arith.sitofp %convert_element_type3A_833 : vector<16xi32> to vector<16xf32>
            %sub3A_844 = arith.subf %min3A_823, %convert_element_type3A_843 : vector<16xf32>
            %swap3A_845 = arith.index_cast %add3A_808 : i32 to index
            %swap3A_846 = tpu.vector_load %arg11[%swap3A_845] {strides = array<i32>} : memref<2048xf32, #tpu.memory_space<vmem>>, vector<16xf32>,
            tpu.vector_store %arg11[%swap3A_845], %sub3A_844 {strides = array<i32>} : memref<2048xf32, #tpu.memory_space<vmem>>, vector<16xf32>,
            %convert_element_type3A_847 = arith.sitofp %convert_element_type3A_834 : vector<16xi32> to vector<16xf32>
            %sub3A_848 = arith.subf %min3A_832, %convert_element_type3A_847 : vector<16xf32>
            %swap3A_849 = arith.index_cast %add3A_808 : i32 to index
            %swap3A_850 = tpu.vector_load %arg12[%swap3A_849] {strides = array<i32>} : memref<2048xf32, #tpu.memory_space<vmem>>, vector<16xf32>,
            tpu.vector_store %arg12[%swap3A_849], %sub3A_848 {strides = array<i32>} : memref<2048xf32, #tpu.memory_space<vmem>>, vector<16xf32>,
            %mul3A_851 = arith.constant 256 : i32
            %mul3A_852 = arith.muli %add3A_687, %mul3A_851 : i32
            %add3A_853 = arith.addi %mul3A_852, %add3A_697 : i32
            %add3A_854 = arith.constant 48 : i32
            %add3A_855 = arith.addi %add3A_853, %add3A_854 : i32
            %mul3A_856 = arith.constant 128 : i32
            %mul3A_857 = arith.muli %add3A_687, %mul3A_856 : i32
            %add3A_858 = arith.addi %mul3A_857, %add3A_697 : i32
            %add3A_859 = arith.constant 48 : i32
            %add3A_860 = arith.addi %add3A_858, %add3A_859 : i32
            %get3A_861 = arith.index_cast %add3A_855 : i32 to index
            %get3A_862 = tpu.vector_load %arg9[%get3A_861] {strides = array<i32>} : memref<4096xf32, #tpu.memory_space<vmem>>, vector<16xf32>,
            %add3A_863 = arith.constant 128 : i32
            %add3A_864 = arith.addi %add3A_855, %add3A_863 : i32
            %get3A_865 = arith.index_cast %add3A_864 : i32 to index
            %get3A_866 = tpu.vector_load %arg9[%get3A_865] {strides = array<i32>} : memref<4096xf32, #tpu.memory_space<vmem>>, vector<16xf32>,
            %mul3A_867 = arith.constant 5.995000e+02 : f32
            %mul3A_868 = vector.broadcast %mul3A_867 : f32 to vector<16xf32>
            %mul3A_869 = arith.mulf %get3A_862, %mul3A_868 : vector<16xf32>
            %add3A_870 = arith.constant 5.995000e+02 : f32
            %add3A_871 = vector.broadcast %add3A_870 : f32 to vector<16xf32>
            %add3A_872 = arith.addf %mul3A_869, %add3A_871 : vector<16xf32>
            %min3A_873 = arith.constant 1.199000e+03 : f32
            %min3A_874 = vector.broadcast %min3A_873 : f32 to vector<16xf32>
            %min3A_875 = arith.minimumf %add3A_872, %min3A_874 : vector<16xf32>
            %mul3A_876 = arith.constant 4.995000e+02 : f32
            %mul3A_877 = vector.broadcast %mul3A_876 : f32 to vector<16xf32>
            %mul3A_878 = arith.mulf %get3A_866, %mul3A_877 : vector<16xf32>
            %add3A_879 = arith.constant 4.995000e+02 : f32
            %add3A_880 = vector.broadcast %add3A_879 : f32 to vector<16xf32>
            %add3A_881 = arith.addf %mul3A_878, %add3A_880 : vector<16xf32>
            %min3A_882 = arith.constant 9.990000e+02 : f32
            %min3A_883 = vector.broadcast %min3A_882 : f32 to vector<16xf32>
            %min3A_884 = arith.minimumf %add3A_881, %min3A_883 : vector<16xf32>
            %convert_element_type3A_885 = arith.fptosi %min3A_875 : vector<16xf32> to vector<16xi32>
            %convert_element_type3A_886 = arith.fptosi %min3A_884 : vector<16xf32> to vector<16xi32>
            %mul3A_887 = arith.constant 1000 : i32
            %mul3A_888 = vector.broadcast %mul3A_887 : i32 to vector<16xi32>
            %mul3A_889 = arith.muli %convert_element_type3A_885, %mul3A_888 : vector<16xi32>
            %add3A_890 = arith.addi %mul3A_889, %convert_element_type3A_886 : vector<16xi32>
            %add3A_891 = vector.broadcast %mul3A_2 : i32 to vector<16xi32>
            %add3A_892 = arith.addi %add3A_890, %add3A_891 : vector<16xi32>
            %swap3A_893 = arith.index_cast %add3A_860 : i32 to index
            %swap3A_894 = tpu.vector_load %arg10[%swap3A_893] {strides = array<i32>} : memref<2048xi32, #tpu.memory_space<vmem>>, vector<16xi32>,
            tpu.vector_store %arg10[%swap3A_893], %add3A_892 {strides = array<i32>} : memref<2048xi32, #tpu.memory_space<vmem>>, vector<16xi32>,
            %convert_element_type3A_895 = arith.sitofp %convert_element_type3A_885 : vector<16xi32> to vector<16xf32>
            %sub3A_896 = arith.subf %min3A_875, %convert_element_type3A_895 : vector<16xf32>
            %swap3A_897 = arith.index_cast %add3A_860 : i32 to index
            %swap3A_898 = tpu.vector_load %arg11[%swap3A_897] {strides = array<i32>} : memref<2048xf32, #tpu.memory_space<vmem>>, vector<16xf32>,
            tpu.vector_store %arg11[%swap3A_897], %sub3A_896 {strides = array<i32>} : memref<2048xf32, #tpu.memory_space<vmem>>, vector<16xf32>,
            %convert_element_type3A_899 = arith.sitofp %convert_element_type3A_886 : vector<16xi32> to vector<16xf32>
            %sub3A_900 = arith.subf %min3A_884, %convert_element_type3A_899 : vector<16xf32>
            %swap3A_901 = arith.index_cast %add3A_860 : i32 to index
            %swap3A_902 = tpu.vector_load %arg12[%swap3A_901] {strides = array<i32>} : memref<2048xf32, #tpu.memory_space<vmem>>, vector<16xf32>,
            tpu.vector_store %arg12[%swap3A_901], %sub3A_900 {strides = array<i32>} : memref<2048xf32, #tpu.memory_space<vmem>>, vector<16xf32>,
          }
          %scan3A_692 = arith.constant 2 : i32
        }
        %scan3A_514 = arith.constant 16 : i32
        %dma_start3A_515 = arith.constant 0 : i32
        %dma_start3A_516 = arith.constant 0 : i32
        %dma_start3A_517 = tpu.memref_slice %arg13[%dma_start3A_515, %dma_start3A_516] : memref<2048x8xi32, #tpu.memory_space<vmem>> -> memref<128x8xi32, #tpu.memory_space<vmem>>
        %dma_start3A_518 = arith.constant 0 : i32
        %dma_start3A_519 = tpu.memref_slice %arg10[%dma_start3A_518] : memref<2048xi32, #tpu.memory_space<vmem>> -> memref<128xi32, #tpu.memory_space<vmem>>
        %dma_start3A_520 = arith.constant 0 : i32
        %dma_start3A_521 = arith.constant 0 : i32
        %dma_start3A_522 = tpu.memref_slice %arg8[%dma_start3A_520, %dma_start3A_521] : memref<2400000x8xi32, #tpu.memory_space<hbm>> -> memref<2400000x8xi32, #tpu.memory_space<hbm>>
        tpu.enqueue_indirect_dma source(%dma_start3A_522 : memref<2400000x8xi32, #tpu.memory_space<hbm>>) target(%dma_start3A_517 : memref<128x8xi32, #tpu.memory_space<vmem>>) offsets(%dma_start3A_519 : memref<128xi32, #tpu.memory_space<vmem>>) semaphore(%arg17 : memref<!tpu.dma_semaphore, #tpu.memory_space<semaphore_mem>>)
        %dma_start3A_523 = arith.constant 128 : i32
        %dma_start3A_524 = arith.constant 0 : i32
        %dma_start3A_525 = tpu.memref_slice %arg13[%dma_start3A_523, %dma_start3A_524] : memref<2048x8xi32, #tpu.memory_space<vmem>> -> memref<128x8xi32, #tpu.memory_space<vmem>>
        %dma_start3A_526 = arith.constant 128 : i32
        %dma_start3A_527 = tpu.memref_slice %arg10[%dma_start3A_526] : memref<2048xi32, #tpu.memory_space<vmem>> -> memref<128xi32, #tpu.memory_space<vmem>>
        %dma_start3A_528 = arith.constant 0 : i32
        %dma_start3A_529 = arith.constant 0 : i32
        %dma_start3A_530 = tpu.memref_slice %arg8[%dma_start3A_528, %dma_start3A_529] : memref<2400000x8xi32, #tpu.memory_space<hbm>> -> memref<2400000x8xi32, #tpu.memory_space<hbm>>
        tpu.enqueue_indirect_dma source(%dma_start3A_530 : memref<2400000x8xi32, #tpu.memory_space<hbm>>) target(%dma_start3A_525 : memref<128x8xi32, #tpu.memory_space<vmem>>) offsets(%dma_start3A_527 : memref<128xi32, #tpu.memory_space<vmem>>) semaphore(%arg17 : memref<!tpu.dma_semaphore, #tpu.memory_space<semaphore_mem>>)
        %dma_start3A_531 = arith.constant 256 : i32
        %dma_start3A_532 = arith.constant 0 : i32
        %dma_start3A_533 = tpu.memref_slice %arg13[%dma_start3A_531, %dma_start3A_532] : memref<2048x8xi32, #tpu.memory_space<vmem>> -> memref<128x8xi32, #tpu.memory_space<vmem>>
        %dma_start3A_534 = arith.constant 256 : i32
        %dma_start3A_535 = tpu.memref_slice %arg10[%dma_start3A_534] : memref<2048xi32, #tpu.memory_space<vmem>> -> memref<128xi32, #tpu.memory_space<vmem>>
        %dma_start3A_536 = arith.constant 0 : i32
        %dma_start3A_537 = arith.constant 0 : i32
        %dma_start3A_538 = tpu.memref_slice %arg8[%dma_start3A_536, %dma_start3A_537] : memref<2400000x8xi32, #tpu.memory_space<hbm>> -> memref<2400000x8xi32, #tpu.memory_space<hbm>>
        tpu.enqueue_indirect_dma source(%dma_start3A_538 : memref<2400000x8xi32, #tpu.memory_space<hbm>>) target(%dma_start3A_533 : memref<128x8xi32, #tpu.memory_space<vmem>>) offsets(%dma_start3A_535 : memref<128xi32, #tpu.memory_space<vmem>>) semaphore(%arg17 : memref<!tpu.dma_semaphore, #tpu.memory_space<semaphore_mem>>)
        %dma_start3A_539 = arith.constant 384 : i32
        %dma_start3A_540 = arith.constant 0 : i32
        %dma_start3A_541 = tpu.memref_slice %arg13[%dma_start3A_539, %dma_start3A_540] : memref<2048x8xi32, #tpu.memory_space<vmem>> -> memref<128x8xi32, #tpu.memory_space<vmem>>
        %dma_start3A_542 = arith.constant 384 : i32
        %dma_start3A_543 = tpu.memref_slice %arg10[%dma_start3A_542] : memref<2048xi32, #tpu.memory_space<vmem>> -> memref<128xi32, #tpu.memory_space<vmem>>
        %dma_start3A_544 = arith.constant 0 : i32
        %dma_start3A_545 = arith.constant 0 : i32
        %dma_start3A_546 = tpu.memref_slice %arg8[%dma_start3A_544, %dma_start3A_545] : memref<2400000x8xi32, #tpu.memory_space<hbm>> -> memref<2400000x8xi32, #tpu.memory_space<hbm>>
        tpu.enqueue_indirect_dma source(%dma_start3A_546 : memref<2400000x8xi32, #tpu.memory_space<hbm>>) target(%dma_start3A_541 : memref<128x8xi32, #tpu.memory_space<vmem>>) offsets(%dma_start3A_543 : memref<128xi32, #tpu.memory_space<vmem>>) semaphore(%arg17 : memref<!tpu.dma_semaphore, #tpu.memory_space<semaphore_mem>>)
        %dma_start3A_547 = arith.constant 512 : i32
        %dma_start3A_548 = arith.constant 0 : i32
        %dma_start3A_549 = tpu.memref_slice %arg13[%dma_start3A_547, %dma_start3A_548] : memref<2048x8xi32, #tpu.memory_space<vmem>> -> memref<128x8xi32, #tpu.memory_space<vmem>>
        %dma_start3A_550 = arith.constant 512 : i32
        %dma_start3A_551 = tpu.memref_slice %arg10[%dma_start3A_550] : memref<2048xi32, #tpu.memory_space<vmem>> -> memref<128xi32, #tpu.memory_space<vmem>>
        %dma_start3A_552 = arith.constant 0 : i32
        %dma_start3A_553 = arith.constant 0 : i32
        %dma_start3A_554 = tpu.memref_slice %arg8[%dma_start3A_552, %dma_start3A_553] : memref<2400000x8xi32, #tpu.memory_space<hbm>> -> memref<2400000x8xi32, #tpu.memory_space<hbm>>
        tpu.enqueue_indirect_dma source(%dma_start3A_554 : memref<2400000x8xi32, #tpu.memory_space<hbm>>) target(%dma_start3A_549 : memref<128x8xi32, #tpu.memory_space<vmem>>) offsets(%dma_start3A_551 : memref<128xi32, #tpu.memory_space<vmem>>) semaphore(%arg17 : memref<!tpu.dma_semaphore, #tpu.memory_space<semaphore_mem>>)
        %dma_start3A_555 = arith.constant 640 : i32
        %dma_start3A_556 = arith.constant 0 : i32
        %dma_start3A_557 = tpu.memref_slice %arg13[%dma_start3A_555, %dma_start3A_556] : memref<2048x8xi32, #tpu.memory_space<vmem>> -> memref<128x8xi32, #tpu.memory_space<vmem>>
        %dma_start3A_558 = arith.constant 640 : i32
        %dma_start3A_559 = tpu.memref_slice %arg10[%dma_start3A_558] : memref<2048xi32, #tpu.memory_space<vmem>> -> memref<128xi32, #tpu.memory_space<vmem>>
        %dma_start3A_560 = arith.constant 0 : i32
        %dma_start3A_561 = arith.constant 0 : i32
        %dma_start3A_562 = tpu.memref_slice %arg8[%dma_start3A_560, %dma_start3A_561] : memref<2400000x8xi32, #tpu.memory_space<hbm>> -> memref<2400000x8xi32, #tpu.memory_space<hbm>>
        tpu.enqueue_indirect_dma source(%dma_start3A_562 : memref<2400000x8xi32, #tpu.memory_space<hbm>>) target(%dma_start3A_557 : memref<128x8xi32, #tpu.memory_space<vmem>>) offsets(%dma_start3A_559 : memref<128xi32, #tpu.memory_space<vmem>>) semaphore(%arg17 : memref<!tpu.dma_semaphore, #tpu.memory_space<semaphore_mem>>)
        %dma_start3A_563 = arith.constant 768 : i32
        %dma_start3A_564 = arith.constant 0 : i32
        %dma_start3A_565 = tpu.memref_slice %arg13[%dma_start3A_563, %dma_start3A_564] : memref<2048x8xi32, #tpu.memory_space<vmem>> -> memref<128x8xi32, #tpu.memory_space<vmem>>
        %dma_start3A_566 = arith.constant 768 : i32
        %dma_start3A_567 = tpu.memref_slice %arg10[%dma_start3A_566] : memref<2048xi32, #tpu.memory_space<vmem>> -> memref<128xi32, #tpu.memory_space<vmem>>
        %dma_start3A_568 = arith.constant 0 : i32
        %dma_start3A_569 = arith.constant 0 : i32
        %dma_start3A_570 = tpu.memref_slice %arg8[%dma_start3A_568, %dma_start3A_569] : memref<2400000x8xi32, #tpu.memory_space<hbm>> -> memref<2400000x8xi32, #tpu.memory_space<hbm>>
        tpu.enqueue_indirect_dma source(%dma_start3A_570 : memref<2400000x8xi32, #tpu.memory_space<hbm>>) target(%dma_start3A_565 : memref<128x8xi32, #tpu.memory_space<vmem>>) offsets(%dma_start3A_567 : memref<128xi32, #tpu.memory_space<vmem>>) semaphore(%arg17 : memref<!tpu.dma_semaphore, #tpu.memory_space<semaphore_mem>>)
        %dma_start3A_571 = arith.constant 896 : i32
        %dma_start3A_572 = arith.constant 0 : i32
        %dma_start3A_573 = tpu.memref_slice %arg13[%dma_start3A_571, %dma_start3A_572] : memref<2048x8xi32, #tpu.memory_space<vmem>> -> memref<128x8xi32, #tpu.memory_space<vmem>>
        %dma_start3A_574 = arith.constant 896 : i32
        %dma_start3A_575 = tpu.memref_slice %arg10[%dma_start3A_574] : memref<2048xi32, #tpu.memory_space<vmem>> -> memref<128xi32, #tpu.memory_space<vmem>>
        %dma_start3A_576 = arith.constant 0 : i32
        %dma_start3A_577 = arith.constant 0 : i32
        %dma_start3A_578 = tpu.memref_slice %arg8[%dma_start3A_576, %dma_start3A_577] : memref<2400000x8xi32, #tpu.memory_space<hbm>> -> memref<2400000x8xi32, #tpu.memory_space<hbm>>
        tpu.enqueue_indirect_dma source(%dma_start3A_578 : memref<2400000x8xi32, #tpu.memory_space<hbm>>) target(%dma_start3A_573 : memref<128x8xi32, #tpu.memory_space<vmem>>) offsets(%dma_start3A_575 : memref<128xi32, #tpu.memory_space<vmem>>) semaphore(%arg17 : memref<!tpu.dma_semaphore, #tpu.memory_space<semaphore_mem>>)
        %dma_start3A_579 = arith.constant 1024 : i32
        %dma_start3A_580 = arith.constant 0 : i32
        %dma_start3A_581 = tpu.memref_slice %arg13[%dma_start3A_579, %dma_start3A_580] : memref<2048x8xi32, #tpu.memory_space<vmem>> -> memref<128x8xi32, #tpu.memory_space<vmem>>
        %dma_start3A_582 = arith.constant 1024 : i32
        %dma_start3A_583 = tpu.memref_slice %arg10[%dma_start3A_582] : memref<2048xi32, #tpu.memory_space<vmem>> -> memref<128xi32, #tpu.memory_space<vmem>>
        %dma_start3A_584 = arith.constant 0 : i32
        %dma_start3A_585 = arith.constant 0 : i32
        %dma_start3A_586 = tpu.memref_slice %arg8[%dma_start3A_584, %dma_start3A_585] : memref<2400000x8xi32, #tpu.memory_space<hbm>> -> memref<2400000x8xi32, #tpu.memory_space<hbm>>
        tpu.enqueue_indirect_dma source(%dma_start3A_586 : memref<2400000x8xi32, #tpu.memory_space<hbm>>) target(%dma_start3A_581 : memref<128x8xi32, #tpu.memory_space<vmem>>) offsets(%dma_start3A_583 : memref<128xi32, #tpu.memory_space<vmem>>) semaphore(%arg17 : memref<!tpu.dma_semaphore, #tpu.memory_space<semaphore_mem>>)
        %dma_start3A_587 = arith.constant 1152 : i32
        %dma_start3A_588 = arith.constant 0 : i32
        %dma_start3A_589 = tpu.memref_slice %arg13[%dma_start3A_587, %dma_start3A_588] : memref<2048x8xi32, #tpu.memory_space<vmem>> -> memref<128x8xi32, #tpu.memory_space<vmem>>
        %dma_start3A_590 = arith.constant 1152 : i32
        %dma_start3A_591 = tpu.memref_slice %arg10[%dma_start3A_590] : memref<2048xi32, #tpu.memory_space<vmem>> -> memref<128xi32, #tpu.memory_space<vmem>>
        %dma_start3A_592 = arith.constant 0 : i32
        %dma_start3A_593 = arith.constant 0 : i32
        %dma_start3A_594 = tpu.memref_slice %arg8[%dma_start3A_592, %dma_start3A_593] : memref<2400000x8xi32, #tpu.memory_space<hbm>> -> memref<2400000x8xi32, #tpu.memory_space<hbm>>
        tpu.enqueue_indirect_dma source(%dma_start3A_594 : memref<2400000x8xi32, #tpu.memory_space<hbm>>) target(%dma_start3A_589 : memref<128x8xi32, #tpu.memory_space<vmem>>) offsets(%dma_start3A_591 : memref<128xi32, #tpu.memory_space<vmem>>) semaphore(%arg17 : memref<!tpu.dma_semaphore, #tpu.memory_space<semaphore_mem>>)
        %dma_start3A_595 = arith.constant 1280 : i32
        %dma_start3A_596 = arith.constant 0 : i32
        %dma_start3A_597 = tpu.memref_slice %arg13[%dma_start3A_595, %dma_start3A_596] : memref<2048x8xi32, #tpu.memory_space<vmem>> -> memref<128x8xi32, #tpu.memory_space<vmem>>
        %dma_start3A_598 = arith.constant 1280 : i32
        %dma_start3A_599 = tpu.memref_slice %arg10[%dma_start3A_598] : memref<2048xi32, #tpu.memory_space<vmem>> -> memref<128xi32, #tpu.memory_space<vmem>>
        %dma_start3A_600 = arith.constant 0 : i32
        %dma_start3A_601 = arith.constant 0 : i32
        %dma_start3A_602 = tpu.memref_slice %arg8[%dma_start3A_600, %dma_start3A_601] : memref<2400000x8xi32, #tpu.memory_space<hbm>> -> memref<2400000x8xi32, #tpu.memory_space<hbm>>
        tpu.enqueue_indirect_dma source(%dma_start3A_602 : memref<2400000x8xi32, #tpu.memory_space<hbm>>) target(%dma_start3A_597 : memref<128x8xi32, #tpu.memory_space<vmem>>) offsets(%dma_start3A_599 : memref<128xi32, #tpu.memory_space<vmem>>) semaphore(%arg17 : memref<!tpu.dma_semaphore, #tpu.memory_space<semaphore_mem>>)
        %dma_start3A_603 = arith.constant 1408 : i32
        %dma_start3A_604 = arith.constant 0 : i32
        %dma_start3A_605 = tpu.memref_slice %arg13[%dma_start3A_603, %dma_start3A_604] : memref<2048x8xi32, #tpu.memory_space<vmem>> -> memref<128x8xi32, #tpu.memory_space<vmem>>
        %dma_start3A_606 = arith.constant 1408 : i32
        %dma_start3A_607 = tpu.memref_slice %arg10[%dma_start3A_606] : memref<2048xi32, #tpu.memory_space<vmem>> -> memref<128xi32, #tpu.memory_space<vmem>>
        %dma_start3A_608 = arith.constant 0 : i32
        %dma_start3A_609 = arith.constant 0 : i32
        %dma_start3A_610 = tpu.memref_slice %arg8[%dma_start3A_608, %dma_start3A_609] : memref<2400000x8xi32, #tpu.memory_space<hbm>> -> memref<2400000x8xi32, #tpu.memory_space<hbm>>
        tpu.enqueue_indirect_dma source(%dma_start3A_610 : memref<2400000x8xi32, #tpu.memory_space<hbm>>) target(%dma_start3A_605 : memref<128x8xi32, #tpu.memory_space<vmem>>) offsets(%dma_start3A_607 : memref<128xi32, #tpu.memory_space<vmem>>) semaphore(%arg17 : memref<!tpu.dma_semaphore, #tpu.memory_space<semaphore_mem>>)
        %dma_start3A_611 = arith.constant 1536 : i32
        %dma_start3A_612 = arith.constant 0 : i32
        %dma_start3A_613 = tpu.memref_slice %arg13[%dma_start3A_611, %dma_start3A_612] : memref<2048x8xi32, #tpu.memory_space<vmem>> -> memref<128x8xi32, #tpu.memory_space<vmem>>
        %dma_start3A_614 = arith.constant 1536 : i32
        %dma_start3A_615 = tpu.memref_slice %arg10[%dma_start3A_614] : memref<2048xi32, #tpu.memory_space<vmem>> -> memref<128xi32, #tpu.memory_space<vmem>>
        %dma_start3A_616 = arith.constant 0 : i32
        %dma_start3A_617 = arith.constant 0 : i32
        %dma_start3A_618 = tpu.memref_slice %arg8[%dma_start3A_616, %dma_start3A_617] : memref<2400000x8xi32, #tpu.memory_space<hbm>> -> memref<2400000x8xi32, #tpu.memory_space<hbm>>
        tpu.enqueue_indirect_dma source(%dma_start3A_618 : memref<2400000x8xi32, #tpu.memory_space<hbm>>) target(%dma_start3A_613 : memref<128x8xi32, #tpu.memory_space<vmem>>) offsets(%dma_start3A_615 : memref<128xi32, #tpu.memory_space<vmem>>) semaphore(%arg17 : memref<!tpu.dma_semaphore, #tpu.memory_space<semaphore_mem>>)
        %dma_start3A_619 = arith.constant 1664 : i32
        %dma_start3A_620 = arith.constant 0 : i32
        %dma_start3A_621 = tpu.memref_slice %arg13[%dma_start3A_619, %dma_start3A_620] : memref<2048x8xi32, #tpu.memory_space<vmem>> -> memref<128x8xi32, #tpu.memory_space<vmem>>
        %dma_start3A_622 = arith.constant 1664 : i32
        %dma_start3A_623 = tpu.memref_slice %arg10[%dma_start3A_622] : memref<2048xi32, #tpu.memory_space<vmem>> -> memref<128xi32, #tpu.memory_space<vmem>>
        %dma_start3A_624 = arith.constant 0 : i32
        %dma_start3A_625 = arith.constant 0 : i32
        %dma_start3A_626 = tpu.memref_slice %arg8[%dma_start3A_624, %dma_start3A_625] : memref<2400000x8xi32, #tpu.memory_space<hbm>> -> memref<2400000x8xi32, #tpu.memory_space<hbm>>
        tpu.enqueue_indirect_dma source(%dma_start3A_626 : memref<2400000x8xi32, #tpu.memory_space<hbm>>) target(%dma_start3A_621 : memref<128x8xi32, #tpu.memory_space<vmem>>) offsets(%dma_start3A_623 : memref<128xi32, #tpu.memory_space<vmem>>) semaphore(%arg17 : memref<!tpu.dma_semaphore, #tpu.memory_space<semaphore_mem>>)
        %dma_start3A_627 = arith.constant 1792 : i32
        %dma_start3A_628 = arith.constant 0 : i32
        %dma_start3A_629 = tpu.memref_slice %arg13[%dma_start3A_627, %dma_start3A_628] : memref<2048x8xi32, #tpu.memory_space<vmem>> -> memref<128x8xi32, #tpu.memory_space<vmem>>
        %dma_start3A_630 = arith.constant 1792 : i32
        %dma_start3A_631 = tpu.memref_slice %arg10[%dma_start3A_630] : memref<2048xi32, #tpu.memory_space<vmem>> -> memref<128xi32, #tpu.memory_space<vmem>>
        %dma_start3A_632 = arith.constant 0 : i32
        %dma_start3A_633 = arith.constant 0 : i32
        %dma_start3A_634 = tpu.memref_slice %arg8[%dma_start3A_632, %dma_start3A_633] : memref<2400000x8xi32, #tpu.memory_space<hbm>> -> memref<2400000x8xi32, #tpu.memory_space<hbm>>
        tpu.enqueue_indirect_dma source(%dma_start3A_634 : memref<2400000x8xi32, #tpu.memory_space<hbm>>) target(%dma_start3A_629 : memref<128x8xi32, #tpu.memory_space<vmem>>) offsets(%dma_start3A_631 : memref<128xi32, #tpu.memory_space<vmem>>) semaphore(%arg17 : memref<!tpu.dma_semaphore, #tpu.memory_space<semaphore_mem>>)
        %dma_start3A_635 = arith.constant 1920 : i32
        %dma_start3A_636 = arith.constant 0 : i32
        %dma_start3A_637 = tpu.memref_slice %arg13[%dma_start3A_635, %dma_start3A_636] : memref<2048x8xi32, #tpu.memory_space<vmem>> -> memref<128x8xi32, #tpu.memory_space<vmem>>
        %dma_start3A_638 = arith.constant 1920 : i32
        %dma_start3A_639 = tpu.memref_slice %arg10[%dma_start3A_638] : memref<2048xi32, #tpu.memory_space<vmem>> -> memref<128xi32, #tpu.memory_space<vmem>>
        %dma_start3A_640 = arith.constant 0 : i32
        %dma_start3A_641 = arith.constant 0 : i32
        %dma_start3A_642 = tpu.memref_slice %arg8[%dma_start3A_640, %dma_start3A_641] : memref<2400000x8xi32, #tpu.memory_space<hbm>> -> memref<2400000x8xi32, #tpu.memory_space<hbm>>
        tpu.enqueue_indirect_dma source(%dma_start3A_642 : memref<2400000x8xi32, #tpu.memory_space<hbm>>) target(%dma_start3A_637 : memref<128x8xi32, #tpu.memory_space<vmem>>) offsets(%dma_start3A_639 : memref<128xi32, #tpu.memory_space<vmem>>) semaphore(%arg17 : memref<!tpu.dma_semaphore, #tpu.memory_space<semaphore_mem>>)
        %add3A_643 = arith.constant 3 : i32
        %add3A_644 = arith.addi %add3A_243, %add3A_643 : i32
        %mul3A_645 = arith.constant 4 : i32
        %mul3A_646 = arith.muli %add3A, %mul3A_645 : i32
        %jit3A_647 = arith.constant 8 : i32
        %div3A_648 = arith.divsi %add3A_644, %jit3A_647 : i32
        %sign3A_649 = arith.constant 0 : i32
        %sign3A_650 = arith.cmpi sgt, %add3A_644, %sign3A_649 : i32
        %sign3A_651 = arith.extui %sign3A_650 : i1 to i32
        %sign3A_652 = arith.constant 0 : i32
        %sign3A_653 = arith.cmpi slt, %add3A_644, %sign3A_652 : i32
        %sign3A_654 = arith.extui %sign3A_653 : i1 to i32
        %sign3A_655 = arith.subi %sign3A_651, %sign3A_654 : i32
        %sign3A_656 = arith.constant 0 : i32
        %sign3A_657 = arith.cmpi sgt, %jit3A_647, %sign3A_656 : i32
        %sign3A_658 = arith.extui %sign3A_657 : i1 to i32
        %sign3A_659 = arith.constant 0 : i32
        %sign3A_660 = arith.cmpi slt, %jit3A_647, %sign3A_659 : i32
        %sign3A_661 = arith.extui %sign3A_660 : i1 to i32
        %sign3A_662 = arith.subi %sign3A_658, %sign3A_661 : i32
        %ne3A_663 = arith.cmpi ne, %sign3A_655, %sign3A_662 : i32
        %rem3A_664 = arith.remsi %add3A_644, %jit3A_647 : i32
        %ne3A_665 = arith.constant 0 : i32
        %ne3A_666 = arith.cmpi ne, %rem3A_664, %ne3A_665 : i32
        %and3A_667 = arith.andi %ne3A_663, %ne3A_666 : i1
        %sub3A_668 = arith.constant 1 : i32
        %sub3A_669 = arith.subi %div3A_648, %sub3A_668 : i32
        %select_n3A_670 = arith.select %and3A_667, %sub3A_669, %div3A_648 : i32
        %add3A_671 = arith.addi %mul3A_646, %select_n3A_670 : i32
        %rem3A_672 = arith.constant 8 : i32
        %rem3A_673 = arith.remsi %add3A_644, %rem3A_672 : i32
        %mul3A_674 = arith.constant 16384 : i32
        %mul3A_675 = arith.muli %add3A_671, %mul3A_674 : i32
        %mul3A_676 = arith.constant 2048 : i32
        %mul3A_677 = arith.muli %rem3A_673, %mul3A_676 : i32
        %add3A_678 = arith.addi %mul3A_675, %mul3A_677 : i32
        %mul3A_679 = arith.constant 2 : i32
        %mul3A_680 = arith.muli %mul3A_679, %add3A_678 : i32
        %dma_start3A_681 = tpu.memref_slice %arg6[%mul3A_680] : memref<4194304xf32, #tpu.memory_space<hbm>> -> memref<4096xf32, #tpu.memory_space<hbm>>
        %dma_start3A_682 = tpu.memref_slice %arg6[%mul3A_680] : memref<4194304xf32, #tpu.memory_space<hbm>> -> memref<4096xf32, #tpu.memory_space<hbm>>
        tpu.enqueue_dma source(%dma_start3A_682 : memref<4096xf32, #tpu.memory_space<hbm>>) target(%arg19 : memref<4096xf32, #tpu.memory_space<vmem>>) target_semaphore(%arg26 : memref<!tpu.dma_semaphore, #tpu.memory_space<semaphore_mem>>)
      } else {
      }
      %add3A_444 = arith.constant 1 : i32
      %add3A_445 = arith.addi %add3A_243, %add3A_444 : i32
      %dma_wait3A_446 = arith.constant 0 : i32
      %dma_wait3A_447 = arith.constant 0 : i32
      %dma_wait3A_448 = tpu.memref_slice %arg8[%dma_wait3A_446, %dma_wait3A_447] : memref<2400000x8xi32, #tpu.memory_space<hbm>> -> memref<2048x8xi32, #tpu.memory_space<hbm>>
      %dma_wait3A_449 = arith.constant 0 : i32
      %dma_wait3A_450 = arith.constant 0 : i32
      %dma_wait3A_451 = tpu.memref_slice %arg8[%dma_wait3A_449, %dma_wait3A_450] : memref<2400000x8xi32, #tpu.memory_space<hbm>> -> memref<2048x8xi32, #tpu.memory_space<hbm>>
      tpu.wait_dma2 semaphore(%arg27 : memref<!tpu.dma_semaphore, #tpu.memory_space<semaphore_mem>>) src(%dma_wait3A_451 : memref<2048x8xi32, #tpu.memory_space<hbm>>) dst(%arg23 : memref<2048x8xi32, #tpu.memory_space<vmem>>)
      %ge3A_452 = arith.constant 2 : i32
      %ge3A_453 = arith.cmpi sge, %add3A_445, %ge3A_452 : i32
      %convert_element_type3A_454 = arith.extui %ge3A_453 : i1 to i32
      %cond3A_455 = arith.constant 0 : i32
      %cond3A_456 = arith.cmpi ne, %convert_element_type3A_454, %cond3A_455 : i32
      scf.if %cond3A_456 {
        %mul3A_504 = arith.constant 4 : i32
        %mul3A_505 = arith.muli %add3A, %mul3A_504 : i32
        %add3A_506 = arith.constant 0 : i32
        %add3A_507 = arith.addi %mul3A_505, %add3A_506 : i32
        %rem3A_508 = arith.constant 0 : i32
        %rem3A_509 = arith.constant 8 : i32
        %rem3A_510 = arith.remsi %rem3A_508, %rem3A_509 : i32
        %mul3A_511 = arith.constant 2 : i32
        %mul3A_512 = arith.muli %add3A_507, %mul3A_511 : i32
        %mul3A_513 = arith.constant 16384 : i32
        %mul3A_514 = arith.muli %mul3A_512, %mul3A_513 : i32
        %mul3A_515 = arith.constant 2048 : i32
        %mul3A_516 = arith.muli %rem3A_510, %mul3A_515 : i32
        %add3A_517 = arith.addi %mul3A_514, %mul3A_516 : i32
        %dma_wait3A_518 = tpu.memref_slice %arg7[%add3A_517] : memref<4194304xf32, #tpu.memory_space<hbm>> -> memref<2048xf32, #tpu.memory_space<hbm>>
        %dma_wait3A_519 = tpu.memref_slice %arg7[%add3A_517] : memref<4194304xf32, #tpu.memory_space<hbm>> -> memref<2048xf32, #tpu.memory_space<hbm>>
        tpu.wait_dma2 semaphore(%arg28 : memref<!tpu.dma_semaphore, #tpu.memory_space<semaphore_mem>>) src(%arg24 : memref<2048xf32, #tpu.memory_space<vmem>>) dst(%dma_wait3A_519 : memref<2048xf32, #tpu.memory_space<hbm>>)
        %add3A_520 = arith.constant 16384 : i32
        %add3A_521 = arith.addi %add3A_517, %add3A_520 : i32
        %dma_wait3A_522 = tpu.memref_slice %arg7[%add3A_521] : memref<4194304xf32, #tpu.memory_space<hbm>> -> memref<2048xf32, #tpu.memory_space<hbm>>
        %dma_wait3A_523 = tpu.memref_slice %arg7[%add3A_521] : memref<4194304xf32, #tpu.memory_space<hbm>> -> memref<2048xf32, #tpu.memory_space<hbm>>
        tpu.wait_dma2 semaphore(%arg28 : memref<!tpu.dma_semaphore, #tpu.memory_space<semaphore_mem>>) src(%arg25 : memref<2048xf32, #tpu.memory_space<vmem>>) dst(%dma_wait3A_523 : memref<2048xf32, #tpu.memory_space<hbm>>)
      } else {
      }
      %scan3A_457 = arith.constant 0 : i32
      %scan3A_458 = arith.constant 64 : i32
      %scan3A_459 = arith.addi %scan3A_457, %scan3A_458 : i32
      %scan3A_460 = arith.constant 1 : i32
      scf.for %scan3A_504 = %scan3A_457 to %scan3A_459 step %scan3A_460  : i32 {
        %mul3A_505 = arith.constant 32 : i32
        %mul3A_506 = arith.muli %scan3A_504, %mul3A_505 : i32
        %add3A_507 = arith.constant 0 : i32
        %add3A_508 = arith.addi %add3A_507, %mul3A_506 : i32
        %add3A_509 = arith.constant 0 : i32
        %add3A_510 = arith.addi %add3A_508, %add3A_509 : i32
        %add3A_511 = arith.constant 0 : i32
        %add3A_512 = arith.addi %add3A_508, %add3A_511 : i32
        %add3A_513 = vector.broadcast %add3A_512 : i32 to vector<16xi32>
        %add3A_514 = arith.addi %add3A_513, %iota3A : vector<16xi32>
        %get3A = arith.index_cast %add3A_510 : i32 to index
        %get3A_515 = tpu.vector_load %arg21[%get3A] {strides = array<i32>} : memref<2048xf32, #tpu.memory_space<vmem>>, vector<16xf32>,
        %get3A_516 = arith.index_cast %add3A_510 : i32 to index
        %get3A_517 = tpu.vector_load %arg22[%get3A_516] {strides = array<i32>} : memref<2048xf32, #tpu.memory_space<vmem>>, vector<16xf32>,
        %gather3A = tpu.vector_load_idx %arg23[%add3A_514, %broadcast_in_dim3A_5] : memref<2048x8xi32, #tpu.memory_space<vmem>>[vector<16xi32>, vector<16xi32>], vector<16xi32>,
        %gather3A_518 = tpu.vector_load_idx %arg23[%add3A_514, %broadcast_in_dim3A_7] : memref<2048x8xi32, #tpu.memory_space<vmem>>[vector<16xi32>, vector<16xi32>], vector<16xi32>,
        %gather3A_519 = tpu.vector_load_idx %arg23[%add3A_514, %broadcast_in_dim3A_9] : memref<2048x8xi32, #tpu.memory_space<vmem>>[vector<16xi32>, vector<16xi32>], vector<16xi32>,
        %gather3A_520 = tpu.vector_load_idx %arg23[%add3A_514, %broadcast_in_dim3A_11] : memref<2048x8xi32, #tpu.memory_space<vmem>>[vector<16xi32>, vector<16xi32>], vector<16xi32>,
        %shift_left3A = arith.constant 16 : i32
        %shift_left3A_521 = vector.broadcast %shift_left3A : i32 to vector<16xi32>
        %shift_left3A_522 = arith.shli %gather3A, %shift_left3A_521 : vector<16xi32>
        %bitcast3A = vector.bitcast %shift_left3A_522 : vector<16xi32> to vector<16xf32>
        %and3A_523 = arith.andi %gather3A, %broadcast_in_dim3A_3 : vector<16xi32>
        %bitcast3A_524 = vector.bitcast %and3A_523 : vector<16xi32> to vector<16xf32>
        %shift_left3A_525 = arith.constant 16 : i32
        %shift_left3A_526 = vector.broadcast %shift_left3A_525 : i32 to vector<16xi32>
        %shift_left3A_527 = arith.shli %gather3A_519, %shift_left3A_526 : vector<16xi32>
        %bitcast3A_528 = vector.bitcast %shift_left3A_527 : vector<16xi32> to vector<16xf32>
        %and3A_529 = arith.andi %gather3A_519, %broadcast_in_dim3A_3 : vector<16xi32>
        %bitcast3A_530 = vector.bitcast %and3A_529 : vector<16xi32> to vector<16xf32>
        %shift_left3A_531 = arith.constant 16 : i32
        %shift_left3A_532 = vector.broadcast %shift_left3A_531 : i32 to vector<16xi32>
        %shift_left3A_533 = arith.shli %gather3A_518, %shift_left3A_532 : vector<16xi32>
        %bitcast3A_534 = vector.bitcast %shift_left3A_533 : vector<16xi32> to vector<16xf32>
        %and3A_535 = arith.andi %gather3A_518, %broadcast_in_dim3A_3 : vector<16xi32>
        %bitcast3A_536 = vector.bitcast %and3A_535 : vector<16xi32> to vector<16xf32>
        %shift_left3A_537 = arith.constant 16 : i32
        %shift_left3A_538 = vector.broadcast %shift_left3A_537 : i32 to vector<16xi32>
        %shift_left3A_539 = arith.shli %gather3A_520, %shift_left3A_538 : vector<16xi32>
        %bitcast3A_540 = vector.bitcast %shift_left3A_539 : vector<16xi32> to vector<16xf32>
        %and3A_541 = arith.andi %gather3A_520, %broadcast_in_dim3A_3 : vector<16xi32>
        %bitcast3A_542 = vector.bitcast %and3A_541 : vector<16xi32> to vector<16xf32>
        %sub3A_543 = arith.subf %bitcast3A_524, %bitcast3A : vector<16xf32>
        %mul3A_544 = arith.mulf %get3A_517, %sub3A_543 : vector<16xf32>
        %add3A_545 = arith.addf %bitcast3A, %mul3A_544 : vector<16xf32>
        %sub3A_546 = arith.subf %bitcast3A_530, %bitcast3A_528 : vector<16xf32>
        %mul3A_547 = arith.mulf %get3A_517, %sub3A_546 : vector<16xf32>
        %add3A_548 = arith.addf %bitcast3A_528, %mul3A_547 : vector<16xf32>
        %sub3A_549 = arith.subf %bitcast3A_536, %bitcast3A_534 : vector<16xf32>
        %mul3A_550 = arith.mulf %get3A_517, %sub3A_549 : vector<16xf32>
        %add3A_551 = arith.addf %bitcast3A_534, %mul3A_550 : vector<16xf32>
        %sub3A_552 = arith.subf %bitcast3A_542, %bitcast3A_540 : vector<16xf32>
        %mul3A_553 = arith.mulf %get3A_517, %sub3A_552 : vector<16xf32>
        %add3A_554 = arith.addf %bitcast3A_540, %mul3A_553 : vector<16xf32>
        %sub3A_555 = arith.subf %add3A_548, %add3A_545 : vector<16xf32>
        %mul3A_556 = arith.mulf %get3A_515, %sub3A_555 : vector<16xf32>
        %add3A_557 = arith.addf %add3A_545, %mul3A_556 : vector<16xf32>
        %swap3A = arith.index_cast %add3A_510 : i32 to index
        %swap3A_558 = tpu.vector_load %arg24[%swap3A] {strides = array<i32>} : memref<2048xf32, #tpu.memory_space<vmem>>, vector<16xf32>,
        tpu.vector_store %arg24[%swap3A], %add3A_557 {strides = array<i32>} : memref<2048xf32, #tpu.memory_space<vmem>>, vector<16xf32>,
        %sub3A_559 = arith.subf %add3A_554, %add3A_551 : vector<16xf32>
        %mul3A_560 = arith.mulf %get3A_515, %sub3A_559 : vector<16xf32>
        %add3A_561 = arith.addf %add3A_551, %mul3A_560 : vector<16xf32>
        %swap3A_562 = arith.index_cast %add3A_510 : i32 to index
        %swap3A_563 = tpu.vector_load %arg25[%swap3A_562] {strides = array<i32>} : memref<2048xf32, #tpu.memory_space<vmem>>, vector<16xf32>,
        tpu.vector_store %arg25[%swap3A_562], %add3A_561 {strides = array<i32>} : memref<2048xf32, #tpu.memory_space<vmem>>, vector<16xf32>,
        %add3A_564 = arith.constant 16 : i32
        %add3A_565 = arith.addi %add3A_508, %add3A_564 : i32
        %add3A_566 = arith.constant 16 : i32
        %add3A_567 = arith.addi %add3A_508, %add3A_566 : i32
        %add3A_568 = vector.broadcast %add3A_567 : i32 to vector<16xi32>
        %add3A_569 = arith.addi %add3A_568, %iota3A : vector<16xi32>
        %get3A_570 = arith.index_cast %add3A_565 : i32 to index
        %get3A_571 = tpu.vector_load %arg21[%get3A_570] {strides = array<i32>} : memref<2048xf32, #tpu.memory_space<vmem>>, vector<16xf32>,
        %get3A_572 = arith.index_cast %add3A_565 : i32 to index
        %get3A_573 = tpu.vector_load %arg22[%get3A_572] {strides = array<i32>} : memref<2048xf32, #tpu.memory_space<vmem>>, vector<16xf32>,
        %gather3A_574 = tpu.vector_load_idx %arg23[%add3A_569, %broadcast_in_dim3A_5] : memref<2048x8xi32, #tpu.memory_space<vmem>>[vector<16xi32>, vector<16xi32>], vector<16xi32>,
        %gather3A_575 = tpu.vector_load_idx %arg23[%add3A_569, %broadcast_in_dim3A_7] : memref<2048x8xi32, #tpu.memory_space<vmem>>[vector<16xi32>, vector<16xi32>], vector<16xi32>,
        %gather3A_576 = tpu.vector_load_idx %arg23[%add3A_569, %broadcast_in_dim3A_9] : memref<2048x8xi32, #tpu.memory_space<vmem>>[vector<16xi32>, vector<16xi32>], vector<16xi32>,
        %gather3A_577 = tpu.vector_load_idx %arg23[%add3A_569, %broadcast_in_dim3A_11] : memref<2048x8xi32, #tpu.memory_space<vmem>>[vector<16xi32>, vector<16xi32>], vector<16xi32>,
        %shift_left3A_578 = arith.constant 16 : i32
        %shift_left3A_579 = vector.broadcast %shift_left3A_578 : i32 to vector<16xi32>
        %shift_left3A_580 = arith.shli %gather3A_574, %shift_left3A_579 : vector<16xi32>
        %bitcast3A_581 = vector.bitcast %shift_left3A_580 : vector<16xi32> to vector<16xf32>
        %and3A_582 = arith.andi %gather3A_574, %broadcast_in_dim3A_3 : vector<16xi32>
        %bitcast3A_583 = vector.bitcast %and3A_582 : vector<16xi32> to vector<16xf32>
        %shift_left3A_584 = arith.constant 16 : i32
        %shift_left3A_585 = vector.broadcast %shift_left3A_584 : i32 to vector<16xi32>
        %shift_left3A_586 = arith.shli %gather3A_576, %shift_left3A_585 : vector<16xi32>
        %bitcast3A_587 = vector.bitcast %shift_left3A_586 : vector<16xi32> to vector<16xf32>
        %and3A_588 = arith.andi %gather3A_576, %broadcast_in_dim3A_3 : vector<16xi32>
        %bitcast3A_589 = vector.bitcast %and3A_588 : vector<16xi32> to vector<16xf32>
        %shift_left3A_590 = arith.constant 16 : i32
        %shift_left3A_591 = vector.broadcast %shift_left3A_590 : i32 to vector<16xi32>
        %shift_left3A_592 = arith.shli %gather3A_575, %shift_left3A_591 : vector<16xi32>
        %bitcast3A_593 = vector.bitcast %shift_left3A_592 : vector<16xi32> to vector<16xf32>
        %and3A_594 = arith.andi %gather3A_575, %broadcast_in_dim3A_3 : vector<16xi32>
        %bitcast3A_595 = vector.bitcast %and3A_594 : vector<16xi32> to vector<16xf32>
        %shift_left3A_596 = arith.constant 16 : i32
        %shift_left3A_597 = vector.broadcast %shift_left3A_596 : i32 to vector<16xi32>
        %shift_left3A_598 = arith.shli %gather3A_577, %shift_left3A_597 : vector<16xi32>
        %bitcast3A_599 = vector.bitcast %shift_left3A_598 : vector<16xi32> to vector<16xf32>
        %and3A_600 = arith.andi %gather3A_577, %broadcast_in_dim3A_3 : vector<16xi32>
        %bitcast3A_601 = vector.bitcast %and3A_600 : vector<16xi32> to vector<16xf32>
        %sub3A_602 = arith.subf %bitcast3A_583, %bitcast3A_581 : vector<16xf32>
        %mul3A_603 = arith.mulf %get3A_573, %sub3A_602 : vector<16xf32>
        %add3A_604 = arith.addf %bitcast3A_581, %mul3A_603 : vector<16xf32>
        %sub3A_605 = arith.subf %bitcast3A_589, %bitcast3A_587 : vector<16xf32>
        %mul3A_606 = arith.mulf %get3A_573, %sub3A_605 : vector<16xf32>
        %add3A_607 = arith.addf %bitcast3A_587, %mul3A_606 : vector<16xf32>
        %sub3A_608 = arith.subf %bitcast3A_595, %bitcast3A_593 : vector<16xf32>
        %mul3A_609 = arith.mulf %get3A_573, %sub3A_608 : vector<16xf32>
        %add3A_610 = arith.addf %bitcast3A_593, %mul3A_609 : vector<16xf32>
        %sub3A_611 = arith.subf %bitcast3A_601, %bitcast3A_599 : vector<16xf32>
        %mul3A_612 = arith.mulf %get3A_573, %sub3A_611 : vector<16xf32>
        %add3A_613 = arith.addf %bitcast3A_599, %mul3A_612 : vector<16xf32>
        %sub3A_614 = arith.subf %add3A_607, %add3A_604 : vector<16xf32>
        %mul3A_615 = arith.mulf %get3A_571, %sub3A_614 : vector<16xf32>
        %add3A_616 = arith.addf %add3A_604, %mul3A_615 : vector<16xf32>
        %swap3A_617 = arith.index_cast %add3A_565 : i32 to index
        %swap3A_618 = tpu.vector_load %arg24[%swap3A_617] {strides = array<i32>} : memref<2048xf32, #tpu.memory_space<vmem>>, vector<16xf32>,
        tpu.vector_store %arg24[%swap3A_617], %add3A_616 {strides = array<i32>} : memref<2048xf32, #tpu.memory_space<vmem>>, vector<16xf32>,
        %sub3A_619 = arith.subf %add3A_613, %add3A_610 : vector<16xf32>
        %mul3A_620 = arith.mulf %get3A_571, %sub3A_619 : vector<16xf32>
        %add3A_621 = arith.addf %add3A_610, %mul3A_620 : vector<16xf32>
        %swap3A_622 = arith.index_cast %add3A_565 : i32 to index
        %swap3A_623 = tpu.vector_load %arg25[%swap3A_622] {strides = array<i32>} : memref<2048xf32, #tpu.memory_space<vmem>>, vector<16xf32>,
        tpu.vector_store %arg25[%swap3A_622], %add3A_621 {strides = array<i32>} : memref<2048xf32, #tpu.memory_space<vmem>>, vector<16xf32>,
      }
      %scan3A_461 = arith.constant 64 : i32
      %mul3A_462 = arith.constant 4 : i32
      %mul3A_463 = arith.muli %add3A, %mul3A_462 : i32
      %jit3A_464 = arith.constant 8 : i32
      %div3A_465 = arith.divsi %add3A_445, %jit3A_464 : i32
      %sign3A_466 = arith.constant 0 : i32
      %sign3A_467 = arith.cmpi sgt, %add3A_445, %sign3A_466 : i32
      %sign3A_468 = arith.extui %sign3A_467 : i1 to i32
      %sign3A_469 = arith.constant 0 : i32
      %sign3A_470 = arith.cmpi slt, %add3A_445, %sign3A_469 : i32
      %sign3A_471 = arith.extui %sign3A_470 : i1 to i32
      %sign3A_472 = arith.subi %sign3A_468, %sign3A_471 : i32
      %sign3A_473 = arith.constant 0 : i32
      %sign3A_474 = arith.cmpi sgt, %jit3A_464, %sign3A_473 : i32
      %sign3A_475 = arith.extui %sign3A_474 : i1 to i32
      %sign3A_476 = arith.constant 0 : i32
      %sign3A_477 = arith.cmpi slt, %jit3A_464, %sign3A_476 : i32
      %sign3A_478 = arith.extui %sign3A_477 : i1 to i32
      %sign3A_479 = arith.subi %sign3A_475, %sign3A_478 : i32
      %ne3A_480 = arith.cmpi ne, %sign3A_472, %sign3A_479 : i32
      %rem3A_481 = arith.remsi %add3A_445, %jit3A_464 : i32
      %ne3A_482 = arith.constant 0 : i32
      %ne3A_483 = arith.cmpi ne, %rem3A_481, %ne3A_482 : i32
      %and3A_484 = arith.andi %ne3A_480, %ne3A_483 : i1
      %sub3A_485 = arith.constant 1 : i32
      %sub3A_486 = arith.subi %div3A_465, %sub3A_485 : i32
      %select_n3A_487 = arith.select %and3A_484, %sub3A_486, %div3A_465 : i32
      %add3A_488 = arith.addi %mul3A_463, %select_n3A_487 : i32
      %rem3A_489 = arith.constant 8 : i32
      %rem3A_490 = arith.remsi %add3A_445, %rem3A_489 : i32
      %mul3A_491 = arith.constant 2 : i32
      %mul3A_492 = arith.muli %add3A_488, %mul3A_491 : i32
      %mul3A_493 = arith.constant 16384 : i32
      %mul3A_494 = arith.muli %mul3A_492, %mul3A_493 : i32
      %mul3A_495 = arith.constant 2048 : i32
      %mul3A_496 = arith.muli %rem3A_490, %mul3A_495 : i32
      %add3A_497 = arith.addi %mul3A_494, %mul3A_496 : i32
      %dma_start3A_498 = tpu.memref_slice %arg7[%add3A_497] : memref<4194304xf32, #tpu.memory_space<hbm>> -> memref<2048xf32, #tpu.memory_space<hbm>>
      %dma_start3A_499 = tpu.memref_slice %arg7[%add3A_497] : memref<4194304xf32, #tpu.memory_space<hbm>> -> memref<2048xf32, #tpu.memory_space<hbm>>
      tpu.enqueue_dma source(%arg24 : memref<2048xf32, #tpu.memory_space<vmem>>) target(%dma_start3A_499 : memref<2048xf32, #tpu.memory_space<hbm>>) target_semaphore(%arg28 : memref<!tpu.dma_semaphore, #tpu.memory_space<semaphore_mem>>)
      %add3A_500 = arith.constant 16384 : i32
      %add3A_501 = arith.addi %add3A_497, %add3A_500 : i32
      %dma_start3A_502 = tpu.memref_slice %arg7[%add3A_501] : memref<4194304xf32, #tpu.memory_space<hbm>> -> memref<2048xf32, #tpu.memory_space<hbm>>
      %dma_start3A_503 = tpu.memref_slice %arg7[%add3A_501] : memref<4194304xf32, #tpu.memory_space<hbm>> -> memref<2048xf32, #tpu.memory_space<hbm>>
      tpu.enqueue_dma source(%arg25 : memref<2048xf32, #tpu.memory_space<vmem>>) target(%dma_start3A_503 : memref<2048xf32, #tpu.memory_space<hbm>>) target_semaphore(%arg28 : memref<!tpu.dma_semaphore, #tpu.memory_space<semaphore_mem>>)
    }
    %scan3A_198 = arith.constant 16 : i32
    %mul3A_199 = arith.constant 4 : i32
    %mul3A_200 = arith.muli %add3A, %mul3A_199 : i32
    %add3A_201 = arith.constant 0 : i32
    %add3A_202 = arith.addi %mul3A_200, %add3A_201 : i32
    %rem3A_203 = arith.constant 0 : i32
    %rem3A_204 = arith.constant 8 : i32
    %rem3A_205 = arith.remsi %rem3A_203, %rem3A_204 : i32
    %mul3A_206 = arith.constant 2 : i32
    %mul3A_207 = arith.muli %add3A_202, %mul3A_206 : i32
    %mul3A_208 = arith.constant 16384 : i32
    %mul3A_209 = arith.muli %mul3A_207, %mul3A_208 : i32
    %mul3A_210 = arith.constant 2048 : i32
    %mul3A_211 = arith.muli %rem3A_205, %mul3A_210 : i32
    %add3A_212 = arith.addi %mul3A_209, %mul3A_211 : i32
    %dma_wait3A_213 = tpu.memref_slice %arg7[%add3A_212] : memref<4194304xf32, #tpu.memory_space<hbm>> -> memref<2048xf32, #tpu.memory_space<hbm>>
    %dma_wait3A_214 = tpu.memref_slice %arg7[%add3A_212] : memref<4194304xf32, #tpu.memory_space<hbm>> -> memref<2048xf32, #tpu.memory_space<hbm>>
    tpu.wait_dma2 semaphore(%arg18 : memref<!tpu.dma_semaphore, #tpu.memory_space<semaphore_mem>>) src(%arg14 : memref<2048xf32, #tpu.memory_space<vmem>>) dst(%dma_wait3A_214 : memref<2048xf32, #tpu.memory_space<hbm>>)
    %add3A_215 = arith.constant 16384 : i32
    %add3A_216 = arith.addi %add3A_212, %add3A_215 : i32
    %dma_wait3A_217 = tpu.memref_slice %arg7[%add3A_216] : memref<4194304xf32, #tpu.memory_space<hbm>> -> memref<2048xf32, #tpu.memory_space<hbm>>
    %dma_wait3A_218 = tpu.memref_slice %arg7[%add3A_216] : memref<4194304xf32, #tpu.memory_space<hbm>> -> memref<2048xf32, #tpu.memory_space<hbm>>
    tpu.wait_dma2 semaphore(%arg18 : memref<!tpu.dma_semaphore, #tpu.memory_space<semaphore_mem>>) src(%arg15 : memref<2048xf32, #tpu.memory_space<vmem>>) dst(%dma_wait3A_218 : memref<2048xf32, #tpu.memory_space<hbm>>)
    %mul3A_219 = arith.constant 4 : i32
    %mul3A_220 = arith.muli %add3A, %mul3A_219 : i32
    %add3A_221 = arith.constant 0 : i32
    %add3A_222 = arith.addi %mul3A_220, %add3A_221 : i32
    %rem3A_223 = arith.constant 0 : i32
    %rem3A_224 = arith.constant 8 : i32
    %rem3A_225 = arith.remsi %rem3A_223, %rem3A_224 : i32
    %mul3A_226 = arith.constant 2 : i32
    %mul3A_227 = arith.muli %add3A_222, %mul3A_226 : i32
    %mul3A_228 = arith.constant 16384 : i32
    %mul3A_229 = arith.muli %mul3A_227, %mul3A_228 : i32
    %mul3A_230 = arith.constant 2048 : i32
    %mul3A_231 = arith.muli %rem3A_225, %mul3A_230 : i32
    %add3A_232 = arith.addi %mul3A_229, %mul3A_231 : i32
    %dma_wait3A_233 = tpu.memref_slice %arg7[%add3A_232] : memref<4194304xf32, #tpu.memory_space<hbm>> -> memref<2048xf32, #tpu.memory_space<hbm>>
    %dma_wait3A_234 = tpu.memref_slice %arg7[%add3A_232] : memref<4194304xf32, #tpu.memory_space<hbm>> -> memref<2048xf32, #tpu.memory_space<hbm>>
    tpu.wait_dma2 semaphore(%arg28 : memref<!tpu.dma_semaphore, #tpu.memory_space<semaphore_mem>>) src(%arg24 : memref<2048xf32, #tpu.memory_space<vmem>>) dst(%dma_wait3A_234 : memref<2048xf32, #tpu.memory_space<hbm>>)
    %add3A_235 = arith.constant 16384 : i32
    %add3A_236 = arith.addi %add3A_232, %add3A_235 : i32
    %dma_wait3A_237 = tpu.memref_slice %arg7[%add3A_236] : memref<4194304xf32, #tpu.memory_space<hbm>> -> memref<2048xf32, #tpu.memory_space<hbm>>
    %dma_wait3A_238 = tpu.memref_slice %arg7[%add3A_236] : memref<4194304xf32, #tpu.memory_space<hbm>> -> memref<2048xf32, #tpu.memory_space<hbm>>
    tpu.wait_dma2 semaphore(%arg28 : memref<!tpu.dma_semaphore, #tpu.memory_space<semaphore_mem>>) src(%arg25 : memref<2048xf32, #tpu.memory_space<vmem>>) dst(%dma_wait3A_238 : memref<2048xf32, #tpu.memory_space<hbm>>)
    return
  }
}

</mosaic_0001>

<sc_bundles>
// kernel: kernel.3.cloned.1.call-start
scs
__scs_entry_jumppad:
0x0: {  	(pc) =	sbr.rel $0x88, $3  }
0x1: {  	(tag) =	ssettag $0x0;
	lr =	simm.s32 $0x1  }
0x2: {  	[smem:$0x3F9F] =	sst lr;
	_ =	strace $0xD0000000  }
0x3: {  	_ = 	snop  }
0x4: {  	_ = 	snop  }
0x5: {  	_ = 	snop  }
0x6: {  	_ = 	snop  }
0x7: {  	_ = 	snop  }
__scs_overlays_trampoline_lowered:
0x8: {  	[smem:$0x3FAE] =	sst s0  }
0x9: {  	[smem:$0x3FAF] =	sst s1  }
0xa: {  	[smem:$0x3FB0] =	sst s2  }
0xb: {  	[smem:$0x3FB1] =	sst s3  }
0xc: {  	[smem:$0x3FB2] =	sst s4  }
0xd: {  	[smem:$0x3FB3] =	sst s5  }
0xe: {  	[smem:$0x3FB4] =	sst s6  }
0xf: {  	[smem:$0x3FB5] =	sst s7  }
0x10: {  	[smem:$0x3FB6] =	sst s8  }
0x11: {  	[smem:$0x3FB7] =	sst s9;
	s0 =	simm.s32 @!p0 $0x0  }
0x12: {  	s1 =	sld [smem:$0x3F9D];
	s0 =	simm.s32 @p0 $0x1  }
0x13: {  	[smem:$0x3FB8] =	sst s0;
	s0 =	simm.s32 @!p1 $0x0  }
0x14: {  	s2 =	sld [smem:$0x3F9C];
	s0 =	simm.s32 @p1 $0x1  }
0x15: {  	[smem:$0x3FB9] =	sst s0;
	s0 =	simm.s32 @!p2 $0x0  }
0x16: {  	s3 =	sld [smem:$0x3FDB];
	s0 =	simm.s32 @p2 $0x1  }
0x17: {  	s4 =	simm.s32 $0x1BF5;
	[smem:$0x3FBB] =	sst s0  }
0x18: {  	s0 =	sld [smem:$0x3F9E];
	_ =	swait.ge [sflag:s4], $0x0  }
0x19: {  	s7 =	sld [smem:$0x3F9F]  }
0x1a: {  	s8 =	sadd.s32 $0xFFFFE003, lr  }
0x1b: {  	s9 =	sadd.s32 $0xFFFFFEF7, lr;
	s5 =	simm.s32 $0xFFFFFFFF;
	p2 =	slt.u32 s8, $0xFFFFF086  }
0x1c: {  	p1 =	slt.u32 s9, $0xF7A;
	s5 =	simm.s32 @!p2 $0x0  }
0x1d: {  	s5 =	simm.s32 @p1 $0x1;
	p0 =	seq.s32 s7, s2  }
0x1e: {  	s7 =	smul.u32 @!p0 $0xF7A, s2;
	p2 =	seq.s32 @!p0 s5, $0x0  }
0x1f: {  	s9 =	smul.u32 $0xF7A, s1;
	s8 =	simm.s32 @!p0 $0x1BF5;
	p2 =	por !p2, p0  }
0x20: {  	[sflag:s8] =	ssyncset.s32 @!p0 $0xFFFFF086;
	s6 =	sadd.s32 @!p0 s3, s7;
	s7 =	simm.s32 @!p0 $0x108  }
0x21: {  	s3 =	sadd.s32 s3, s9;
	s6 =	sadd.s32 @!p0 $0x88, s6;
	s7 =	simm.s32 @p2 $0x1082  }
0x22: {  	[simem:s7], [sflag:s8] =	dma.local @!p0 [hbm:s6], $0xF7A  }
0x23: {  	s9 =	sor.u32 $0xD0000000, s2;
	s6 =	simm.s32 $0x108;
	_ =	swait.ge @!p0 [sflag:s8], $0x0  }
0x24: {  	s3 =	sadd.s32 $0x88, s3;
	s6 =	simm.s32 @!p1 $0x1082;
	[sflag:s4] =	ssyncset.s32 $0xFFFFF086  }
0x25: {  	[simem:s6], [sflag:s4] =	dma.local [hbm:s3], $0xF7A  }
0x26: {  	[smem:$0x3F9F] =	sst s1;
	(tag) =	ssettag s2;
	_ =	strace s9  }
0x27: {  	s1 =	sld [smem:$0x3FAF]  }
0x28: {  	s2 =	sld [smem:$0x3FB0]  }
0x29: {  	s4 =	sld [smem:$0x3FB2]  }
0x2a: {  	p0 =	seq.s32 s5, $0x0;
	s5 =	sld [smem:$0x3FB3]  }
0x2b: {  	s6 =	sld [smem:$0x3FB4]  }
0x2c: {  	s7 =	sld [smem:$0x3FB5]  }
0x2d: {  	s3 =	simm.s32 $0x108;
	s8 =	sld [smem:$0x3FB6]  }
0x2e: {  	s3 =	simm.s32 @!p0 $0x1082;
	s9 =	sld [smem:$0x3FB7]  }
0x2f: {  	lr =	sadd.s32 s0, s3;
	s0 =	sld [smem:$0x3FAE]  }
0x30: {  	s3 =	sld [smem:$0x3FB1]  }
0x31: {  	[smem:$0x3FBA] =	sst s10  }
0x32: {  	s10 =	sld [smem:$0x3FB8];
	_ =	sdelay $0x3  }
0x33: {  	p0 =	seq.s32 s10, $0x1;
	s10 =	sld [smem:$0x3FBA];
	_ =	sdelay $0x3  }
0x34: {  	[smem:$0x3FBA] =	sst s10  }
0x35: {  	s10 =	sld [smem:$0x3FB9];
	_ =	sdelay $0x3  }
0x36: {  	p1 =	seq.s32 s10, $0x1;
	s10 =	sld [smem:$0x3FBA];
	_ =	sdelay $0x3  }
0x37: {  	[smem:$0x3FBA] =	sst s10  }
0x38: {  	s10 =	sld [smem:$0x3FBB]  }
0x39: {  	_ = 	snop;
	(pc) =	sbr.ind lr, $3  }
0x3a: {  	_ = 	snop  }
0x3b: {  	_ = 	snop  }
0x3c: {  	p2 =	seq.s32 s10, $0x1;
	s10 =	sld [smem:$0x3FBA]  }
0x3d: {  	_ =	shalt  }
0x3e: {  	_ =	shalt  }
0x3f: {  	_ =	shalt  }
0x40: {  	_ =	shalt  }
0x41: {  	_ =	shalt  }
0x42: {  	_ =	shalt  }
0x43: {  	_ =	shalt  }
0x44: {  	_ =	shalt  }
0x45: {  	_ =	shalt  }
0x46: {  	_ =	shalt  }
0x47: {  	_ =	shalt  }
0x48: {  	_ =	shalt  }
0x49: {  	_ =	shalt  }
0x4a: {  	_ =	shalt  }
0x4b: {  	_ =	shalt  }
0x4c: {  	_ =	shalt  }
0x4d: {  	_ =	shalt  }
0x4e: {  	_ =	shalt  }
0x4f: {  	_ =	shalt  }
0x50: {  	_ =	shalt  }
0x51: {  	_ =	shalt  }
0x52: {  	_ =	shalt  }
0x53: {  	_ =	shalt  }
0x54: {  	_ =	shalt  }
0x55: {  	_ =	shalt  }
0x56: {  	_ =	shalt  }
0x57: {  	_ =	shalt  }
0x58: {  	_ =	shalt  }
0x59: {  	_ =	shalt  }
0x5a: {  	_ =	shalt  }
0x5b: {  	_ =	shalt  }
0x5c: {  	_ =	shalt  }
0x5d: {  	_ =	shalt  }
0x5e: {  	_ =	shalt  }
0x5f: {  	_ =	shalt  }
0x60: {  	_ =	shalt  }
0x61: {  	_ =	shalt  }
0x62: {  	_ =	shalt  }
0x63: {  	_ =	shalt  }
0x64: {  	_ =	shalt  }
0x65: {  	_ =	shalt  }
0x66: {  	_ =	shalt  }
0x67: {  	_ =	shalt  }
0x68: {  	_ =	shalt  }
0x69: {  	_ =	shalt  }
0x6a: {  	_ =	shalt  }
0x6b: {  	_ =	shalt  }
0x6c: {  	_ =	shalt  }
0x6d: {  	_ =	shalt  }
0x6e: {  	_ =	shalt  }
0x6f: {  	_ =	shalt  }
0x70: {  	_ =	shalt  }
0x71: {  	_ =	shalt  }
0x72: {  	_ =	shalt  }
0x73: {  	_ =	shalt  }
0x74: {  	_ =	shalt  }
0x75: {  	_ =	shalt  }
0x76: {  	_ =	shalt  }
0x77: {  	_ =	shalt  }
0x78: {  	_ =	shalt  }
0x79: {  	_ =	shalt  }
0x7a: {  	_ =	shalt  }
0x7b: {  	_ =	shalt  }
0x7c: {  	_ =	shalt  }
0x7d: {  	_ =	shalt  }
0x7e: {  	_ =	shalt  }
0x7f: {  	_ =	shalt  }
0x80: {  	_ =	shalt  }
0x81: {  	_ =	shalt  }
0x82: {  	_ =	shalt  }
0x83: {  	_ =	shalt  }
0x84: {  	_ =	shalt  }
0x85: {  	_ =	shalt  }
0x86: {  	_ =	shalt  }
0x87: {  	_ =	shalt  }
.Lfunc_end0:
.L_simem_size_0:
called_computation_lowered:
.L_overlay_start_0:
0x88: {  	s2 =	sld [smem:$0x3FD9]  }
0x89: {  	s3 =	sld [smem:$0x3FFE];
	_ =	sdelay $0x1  }
0x8a: {  	s1 =	srdreg.scid  }
0x8b: {  	s0 =	sand.u32 $0x1, s1  }
0x8c: {  	s17 =	sshll.u32 s0, $0xA;
	s2 =	sadd.s32 s3, s2  }
0x8d: {  	s2 =	sadd.s32 s2, s17  }
0x8e: {  	[smem:$0x3FC6] =	sst s2  }
0x8f: {  	_ = 	snop  }
0x90: {  	s2 =	sld [smem:$0x3FC9]  }
0x91: {  	s18 =	sld [smem:$0x3FD0];
	(tm) =	ssettm $0x1  }
0x92: {  	s4 =	sld [smem:$0x3FFB];
	_ =	sdelay $0x3  }
0x93: {  	_ =	strace s4  }
0x94: {  	s4 =	sld [smem:$0x3FFC];
	_ =	sdelay $0x3  }
0x95: {  	_ =	strace s4  }
0x96: {  	s4 =	sld [smem:$0x3FFD];
	_ =	sdelay $0x3  }
0x97: {  	_ =	strace s4  }
0x98: {  	_ =	strace $0x8FFFFFFF  }
0x99: {  	s19 =	sld [smem:$0x3FDB];
	_ =	sdelay $0x1  }
0x9a: {  	s5 =	simm.s32 $_scs_section_size  }
0x9b: {  	s6 =	simm.s32 $_size__tile_overlayer_lowered;
	s7 =	simm.s32 $_tile_overlayer_lowered  }
0x9c: {  	s22 =	simm.s32 $0x1BFF;
	s21 =	sshll.u32 s7, $0x1;
	s4 =	sadd.s32 s5, s19  }
0x9d: {  	s8 =	simm.s32 $0x0;
	s20 =	sshll.u32 s6, $0x1;
	s6 =	sadd.s32 s21, s4  }
0x9e: {  	[timem:s8], [sflag:s22] =	dma.local [hbm:s6], s20  }
0x9f: {  	_ =	swait.ge [sflag:s22], s20  }
0xa0: {  	s5 =	ssub.s32 $0x0, s20;
	[sflag:s22] =	ssyncset.done $0x0  }
0xa1: {  	[sflag:s22] =	ssyncadd.s32 s5;
	_ =	sdelay $0x1  }
0xa2: {  	s23 =	simm.s32 $0x1B8B  }
0xa3: {  	_ =	swait.ge [sflag:s23], $0x1  }
0xa4: {  	[sflag:s23] =	ssyncset.done $0x0  }
0xa5: {  	s25 =	simm.s32 $0x1B8E;
	s24 =	sld [smem:$0x3FFE];
	[sflag:s23] =	ssyncadd.s32 $0xFFFFFFFF  }
0xa6: {  	s26 =	simm.s32 $execute0_lowered;
	[smem:$0x3FD2] =	sst s25  }
0xa7: {  	s6 =	sshll.u32 s26, $0x1;
	_ =	strace $0x80000046;
	[dreg:$0x1] =	wrdreg $0xFFFFFFFF  }
0xa8: {  	s28 =	simm.s32 $_size_execute0_lowered;
	s4 =	sadd.s32 s4, s6;
	[dreg:$0x0] =	wrdreg $0x0  }
0xa9: {  	s6 =	sshll.u32 s28, $0x1;
	[dreg:$0x2] =	wrdreg s4  }
0xaa: {  	[dreg:$0x3] =	wrdreg s6  }
0xab: {  	[dreg:$0x4] =	wrdreg $0xC0  }
0xac: {  	_ =	task [dreg:s8], $0x5FFFF  }
0xad: {  	[dreg:$0x1] =	wrdreg $0xFFFFFFFF  }
0xae: {  	[dreg:$0x0] =	wrdreg $0x60  }
0xaf: {  	[dreg:$0x2] =	wrdreg s24  }
0xb0: {  	[dreg:$0x3] =	wrdreg s2  }
0xb1: {  	[dreg:$0x4] =	wrdreg s18  }
0xb2: {  	[dreg:$0x5] =	wrdreg $0x9  }
0xb3: {  	_ =	task.clear_ibuf [dreg:s8], $0x6FFFF;
	_ =	strace $0x90000046  }
0xb4: {  	s29 =	simm.s32 $0x9;
	_ =	strace $0x80000048  }
0xb5: {  	_ =	swait.ge [sflag:s29], $0x1  }
0xb6: {  	[sflag:s29] =	ssyncadd.s32 $0xFFFFFFFF  }
0xb7: {  	_ =	strace $0x90000048  }
0xb8: {  	_ =	sfence  }
0xb9: {  	s30 =	sld [smem:$0x0];
	_ =	sdelay $0x2  }
0xba: {  	s31 =	sshll.u32 s1, $0xD;
	s1 =	sshrl.u32 s1, $0x2  }
0xbb: {  	s3 =	sand.u32 $0x4000, s31;
	s1 =	sadd.s32 s1, s30  }
0xbc: {  	s0 =	sor.u32 s3, s0;
	s1 =	sshll.u32 s1, $0x11  }
0xbd: {  	s0 =	sor.u32 s1, s0  }
0xbe: {  	s0 =	sadd.s32 $0x8F2B, s0  }
0xbf: {  	[sflag:s0] =	ssyncadd.remote.s32 $0x1  }
0xc0: {  	_ =	sfence.sel $0xFFFF  }
0xc1: {  	[dreg:$0x0] =	wrdreg $0xFFFFFFFF;
	(pc) =	sbr.abs _section_cstart, $3  }
0xc2: {  	[dreg:$0x1] =	wrdreg $0xFFFFFFFF  }
0xc3: {  	_ =	task.clear_ibuf [dreg:s8], $0x2FFFF;
	_ =	strace $0x9FFFFFFF  }
0xc4: {  	(tm) =	ssettm $0x7FFFFFFF  }
0xc5: {  	_ =	shalt  }
tec
execute0_lowered:
.L_overlay_start_1:
0x0: {  	(tag) =	ssettag $0x1  }
0x1: {  	s0 =	rddreg [dreg:$0x0]  }
0x2: {  	s5 =	rddreg [dreg:$0x1]  }
0x3: {  	s6 =	rddreg [dreg:$0x2];
	s3 =	simm.s32 $0x0;
	s1 =	srdreg.scid  }
0x4: {  	s7 =	stileid.u32;
	s17 =	simm.s32 $0x7;
	s18 =	simm.s32 $0x10F40  }
0x5: {  	s19 =	simm.s32 $0x14DC0;
	s22 =	simm.s32 $0x80;
	s24 =	simm.s32 $0x2800  }
0x6: {  	s20 =	simm.s32 $0xA000;
	[smem:$0x7FF] =	sst s3;
	s13 =	sadd.s32 $0xE00, s0  }
0x7: {  	s14 =	sadd.s32 $0x25800, s0;
	s1 =	sand.u32 $0x1, s1;
	s2 =	sshll.u32 s7, $0x1  }
0x8: {  	s16 =	sadd.s32 $0x4A200, s0;
	_ =	strace $0x80000047;
	[dreg:$0x4] =	wrdreg s13  }
0x9: {  	s8 =	sadd.s32 $0x6EC00, s0;
	s2 =	sor.u32 s1, s2;
	[dreg:$0x5] =	wrdreg s14  }
0xa: {  	s21 =	smul.u32 $0x124F80, s1;
	[dreg:$0x6] =	wrdreg s16;
	s31 =	sshll.u32 s2, $0x2  }
0xb: {  	s10 =	sadd.s32 $0x93600, s0;
	s29 =	sshll.u32 s2, $0xE;
	[dreg:$0xb] =	wrdreg s31  }
0xc: {  	s4 =	ssub.s32 $0x2, s1;
	s1 =	sadd.s32 s5, s29;
	[dreg:$0x7] =	wrdreg s21  }
0xd: {  	s30 =	sshrl.u32 s4, $0x1;
	s25 =	sadd.s32 s10, s21;
	[dreg:$0x8] =	wrdreg s1  }
0xe: {  	s0 =	ssub.s32 s4, s30;
	s1 =	sadd.s32 $0x200, s1;
	[dreg:$0x9] =	wrdreg s25  }
0xf: {  	v1 =	vlaneseq.u32;
	s23 =	simm.s32 $0x6;
	s0 =	smax.u32 s0, $0x1;
	[dreg:$0xa] =	wrdreg s1  }
0x10: {  	s15 =	sadd.s32 $0x800, s6;
	v1 =	vmul.u32 $0x8, v1;
	v0 =	vmov s21;
	[dreg:$0xc] =	wrdreg s0;
	s1 =	simm.s32 $0x0  }
.LBB2_1:
0x11: {  	[dreg:$0xd] =	wrdreg s1;
	s2 =	simm.s32 $0x0  }
.LBB2_2:
0x12: {  	s0 =	sshll.u32 s2, $0x5  }
0x13: {  	p0 =	seq.s32 s2, $0x0;
	s0 =	sor.u32 s7, s0  }
0x14: {  	s4 =	simm.s32 @!p0 $0x8;
	s1 =	smul.u32 $0x7D0, s0  }
0x15: {  	_ =	swait.ge @!p0 [sflag:s4], $0x3E80  }
0x16: {  	s6 =	simm.s32 $0x0;
	[sflag:s4] =	ssyncset.done @!p0 $0x0;
	s28 =	sshrl.u32 s1, $0x3  }
0x17: {  	s11 =	simm.s32 $0xF000;
	[sflag:s4] =	ssyncadd.s32 @!p0 $0xFFFFC180;
	s5 =	sadd.s32 s13, s28  }
0x18: {  	[tilespmem:s11], [sflag:$0x7] =	stream.linear.gather [hbm4b:s5+s6], $0x7D0, $0x38;
	[tilespmem:$0x18C40] =	vst v63  }
0x19: {  	s9 =	simm.s32 $0xF7D0;
	s29 =	sadd.s32 s14, s28  }
0x1a: {  	[tilespmem:s9], [sflag:$0x7] =	stream.linear.gather [hbm4b:s29+s6], $0x7D0, $0x38;
	[tilespmem:$0x18C40] =	vst v63  }
0x1b: {  	s12 =	sadd.s32 s16, s28;
	s5 =	simm.s32 $0xFFA0  }
0x1c: {  	[tilespmem:s5], [sflag:$0x7] =	stream.linear.gather [hbm4b:s12+s6], $0x7D0, $0x38;
	[tilespmem:$0x18C40] =	vst v63  }
0x1d: {  	s4 =	simm.s32 $0x10770;
	s30 =	sadd.s32 s8, s28  }
0x1e: {  	[tilespmem:s4], [sflag:$0x7] =	stream.linear.gather [hbm4b:s30+s6], $0x7D0, $0x38;
	[tilespmem:$0x18C40] =	vst v63  }
0x1f: {  	_ =	swait.ge [sflag:s17], $0x7D0  }
0x20: {  	[sflag:s17] =	ssyncset.done $0x0  }
0x21: {  	[sflag:s17] =	ssyncadd.s32 $0xFFFFF830  }
0x22: {  	_ =	swait.ge [sflag:s17], $0x7D0  }
0x23: {  	[sflag:s17] =	ssyncset.done $0x0  }
0x24: {  	[sflag:s17] =	ssyncadd.s32 $0xFFFFF830  }
0x25: {  	_ =	swait.ge [sflag:s17], $0x7D0  }
0x26: {  	[sflag:s17] =	ssyncset.done $0x0  }
0x27: {  	[sflag:s17] =	ssyncadd.s32 $0xFFFFF830  }
0x28: {  	_ =	swait.ge [sflag:s17], $0x7D0  }
0x29: {  	v2 =	vmov s6;
	[sflag:s17] =	ssyncset.done $0x0  }
0x2a: {  	v2 =	vshll.u32 v2, $0x3;
	[sflag:s17] =	ssyncadd.s32 $0xFFFFF830  }
0x2b: {  	v4 =	vor.u32 v1, v2;
	v3 =	vld [tilespmem:s11+$0x0];
	_ =	sdelay $0x4  }
0x2c: {  	[tilespmem:v4+s18+$0x0] =	vst.idx.msk $0xffff, v3  }
0x2d: {  	v3 =	vor.u32 $0x1, v4;
	v2 =	vld [tilespmem:s9+$0x0];
	_ =	sdelay $0x4  }
0x2e: {  	[tilespmem:v3+s18+$0x0] =	vst.idx.msk $0xffff, v2  }
0x2f: {  	v3 =	vor.u32 $0x2, v4;
	v2 =	vld [tilespmem:s5+$0x0];
	_ =	sdelay $0x4  }
0x30: {  	[tilespmem:v3+s18+$0x0] =	vst.idx.msk $0xffff, v2  }
0x31: {  	v3 =	vor.u32 $0x3, v4;
	v2 =	vld [tilespmem:s4+$0x0];
	_ =	sdelay $0x2  }
0x32: {  	s31 =	simm.s32 $0x10  }
0x33: {  	s12 =	simm.s32 $0x20;
	v4 =	vmov s31  }
.LBB2_3:
0x34: {  	p1 =	sne.s32 s12, $0x7C0;
	v4 =	vshll.u32 v4, $0x3;
	[tilespmem:v3+s18+$0x0] =	vst.idx.msk $0xffff, v2;
	s11 =	sadd.s32 $0x10, s11  }
0x35: {  	v2 =	vld [tilespmem:s11+$0x0];
	v3 =	vor.u32 v1, v4;
	_ =	sdelay $0x4  }
0x36: {  	s9 =	sadd.s32 $0x10, s9;
	[tilespmem:v3+s18+$0x0] =	vst.idx.msk $0xffff, v2  }
0x37: {  	v4 =	vor.u32 $0x1, v3;
	v2 =	vld [tilespmem:s9+$0x0];
	_ =	sdelay $0x4  }
0x38: {  	s5 =	sadd.s32 $0x10, s5;
	[tilespmem:v4+s18+$0x0] =	vst.idx.msk $0xffff, v2  }
0x39: {  	v4 =	vor.u32 $0x2, v3;
	v2 =	vld [tilespmem:s5+$0x0];
	_ =	sdelay $0x4  }
0x3a: {  	s4 =	sadd.s32 $0x10, s4;
	[tilespmem:v4+s18+$0x0] =	vst.idx.msk $0xffff, v2  }
.Ltmp0:
0x3b: {  	v3 =	vor.u32 $0x3, v3;
	v2 =	vld [tilespmem:s4+$0x0];
	(pc) =	sbr.rel @p1 .LBB2_3-.Ltmp0, $2  }
0x3c: {  	_ =	sdelay $0x2  }
0x3d: {  	v4 =	vmov s12;
	s12 =	sadd.s32 $0x10, s12  }
0x3e: {  	_ =	sdelay $0x3  }
0x3f: {  	v4 =	vshll.u32 v4, $0x3;
	[tilespmem:v3+s18+$0x0] =	vst.idx.msk $0xffff, v2;
	s6 =	sadd.s32 $0x10, s11  }
0x40: {  	v2 =	vld [tilespmem:s6+$0x0];
	v3 =	vor.u32 v1, v4;
	_ =	sdelay $0x4  }
0x41: {  	s31 =	sadd.s32 $0x10, s9;
	[tilespmem:v3+s18+$0x0] =	vst.idx.msk $0xffff, v2  }
0x42: {  	v4 =	vor.u32 $0x1, v3;
	v2 =	vld [tilespmem:s31+$0x0];
	_ =	sdelay $0x4  }
0x43: {  	s5 =	sadd.s32 $0x10, s5;
	[tilespmem:v4+s18+$0x0] =	vst.idx.msk $0xffff, v2  }
0x44: {  	v4 =	vor.u32 $0x2, v3;
	v2 =	vld [tilespmem:s5+$0x0];
	_ =	sdelay $0x4  }
0x45: {  	s4 =	sadd.s32 $0x10, s4;
	[tilespmem:v4+s18+$0x0] =	vst.idx.msk $0xffff, v2  }
0x46: {  	v3 =	vor.u32 $0x3, v3;
	v2 =	vld [tilespmem:s4+$0x0];
	_ =	sdelay $0x3  }
0x47: {  	s0 =	sor.u32 $0x10, s0  }
0x48: {  	s1 =	sadd.s32 s1, s25;
	s0 =	smin.u32 s0, $0x257;
	[tilespmem:v3+s18+$0x0] =	vst.idx.msk $0xffff, v2  }
0x49: {  	[hbm4b:s1+s3] =	stream.linear.scatter [tilespmem:s18], [sflag:$0x8], $0x3E80, $0x38;
	[tilespmem:$0x18C40] =	vst v63  }
0x4a: {  	s0 =	smul.u32 $0x7D0, s0;
	s1 =	simm.s32 @!p0 $0x8  }
0x4b: {  	_ =	swait.ge @!p0 [sflag:s1], $0x3E80  }
0x4c: {  	s26 =	simm.s32 $0x0;
	s6 =	sshrl.u32 s0, $0x3;
	[sflag:s1] =	ssyncset.done @!p0 $0x0  }
0x4d: {  	s9 =	simm.s32 $0xF000;
	s12 =	sadd.s32 s13, s6;
	[sflag:s1] =	ssyncadd.s32 @!p0 $0xFFFFC180  }
0x4e: {  	[tilespmem:s9], [sflag:$0x7] =	stream.linear.gather [hbm4b:s12+s26], $0x7D0, $0x38;
	[tilespmem:$0x18C40] =	vst v63  }
0x4f: {  	s28 =	sadd.s32 s14, s6;
	s5 =	simm.s32 $0xF7D0  }
0x50: {  	[tilespmem:s5], [sflag:$0x7] =	stream.linear.gather [hbm4b:s28+s26], $0x7D0, $0x38;
	[tilespmem:$0x18C40] =	vst v63  }
0x51: {  	s29 =	sadd.s32 s16, s6;
	s4 =	simm.s32 $0xFFA0  }
0x52: {  	[tilespmem:s4], [sflag:$0x7] =	stream.linear.gather [hbm4b:s29+s26], $0x7D0, $0x38;
	[tilespmem:$0x18C40] =	vst v63  }
0x53: {  	s30 =	sadd.s32 s8, s6;
	s1 =	simm.s32 $0x10770  }
0x54: {  	[tilespmem:s1], [sflag:$0x7] =	stream.linear.gather [hbm4b:s30+s26], $0x7D0, $0x38;
	[tilespmem:$0x18C40] =	vst v63  }
0x55: {  	_ =	swait.ge [sflag:s17], $0x7D0  }
0x56: {  	[sflag:s17] =	ssyncset.done $0x0  }
0x57: {  	[sflag:s17] =	ssyncadd.s32 $0xFFFFF830  }
0x58: {  	_ =	swait.ge [sflag:s17], $0x7D0  }
0x59: {  	[sflag:s17] =	ssyncset.done $0x0  }
0x5a: {  	[sflag:s17] =	ssyncadd.s32 $0xFFFFF830  }
0x5b: {  	_ =	swait.ge [sflag:s17], $0x7D0  }
0x5c: {  	[sflag:s17] =	ssyncset.done $0x0  }
0x5d: {  	[sflag:s17] =	ssyncadd.s32 $0xFFFFF830  }
0x5e: {  	_ =	swait.ge [sflag:s17], $0x7D0  }
0x5f: {  	v2 =	vmov s26;
	[sflag:s17] =	ssyncset.done $0x0  }
0x60: {  	v2 =	vshll.u32 v2, $0x3;
	[sflag:s17] =	ssyncadd.s32 $0xFFFFF830  }
0x61: {  	v4 =	vor.u32 v1, v2;
	v3 =	vld [tilespmem:s9+$0x0];
	_ =	sdelay $0x4  }
0x62: {  	[tilespmem:v4+s19+$0x0] =	vst.idx.msk $0xffff, v3  }
0x63: {  	v3 =	vor.u32 $0x1, v4;
	v2 =	vld [tilespmem:s5+$0x0];
	_ =	sdelay $0x4  }
0x64: {  	[tilespmem:v3+s19+$0x0] =	vst.idx.msk $0xffff, v2  }
0x65: {  	v3 =	vor.u32 $0x2, v4;
	v2 =	vld [tilespmem:s4+$0x0];
	_ =	sdelay $0x4  }
0x66: {  	[tilespmem:v3+s19+$0x0] =	vst.idx.msk $0xffff, v2  }
0x67: {  	v3 =	vor.u32 $0x3, v4;
	v2 =	vld [tilespmem:s1+$0x0];
	_ =	sdelay $0x2  }
0x68: {  	s31 =	simm.s32 $0x10  }
0x69: {  	s11 =	simm.s32 $0x20;
	v4 =	vmov s31  }
.LBB2_5:
0x6a: {  	p0 =	sne.s32 s11, $0x7C0;
	v4 =	vshll.u32 v4, $0x3;
	[tilespmem:v3+s19+$0x0] =	vst.idx.msk $0xffff, v2;
	s9 =	sadd.s32 $0x10, s9  }
0x6b: {  	v2 =	vld [tilespmem:s9+$0x0];
	v3 =	vor.u32 v1, v4;
	_ =	sdelay $0x4  }
0x6c: {  	s5 =	sadd.s32 $0x10, s5;
	[tilespmem:v3+s19+$0x0] =	vst.idx.msk $0xffff, v2  }
0x6d: {  	v4 =	vor.u32 $0x1, v3;
	v2 =	vld [tilespmem:s5+$0x0];
	_ =	sdelay $0x4  }
0x6e: {  	s4 =	sadd.s32 $0x10, s4;
	[tilespmem:v4+s19+$0x0] =	vst.idx.msk $0xffff, v2  }
0x6f: {  	v4 =	vor.u32 $0x2, v3;
	v2 =	vld [tilespmem:s4+$0x0];
	_ =	sdelay $0x4  }
0x70: {  	s1 =	sadd.s32 $0x10, s1;
	[tilespmem:v4+s19+$0x0] =	vst.idx.msk $0xffff, v2  }
.Ltmp1:
0x71: {  	v3 =	vor.u32 $0x3, v3;
	v2 =	vld [tilespmem:s1+$0x0];
	(pc) =	sbr.rel @p0 .LBB2_5-.Ltmp1, $2  }
0x72: {  	_ =	sdelay $0x2  }
0x73: {  	v4 =	vmov s11;
	s11 =	sadd.s32 $0x10, s11  }
0x74: {  	_ =	sdelay $0x3  }
0x75: {  	v4 =	vshll.u32 v4, $0x3;
	[tilespmem:v3+s19+$0x0] =	vst.idx.msk $0xffff, v2;
	s6 =	sadd.s32 $0x10, s9  }
0x76: {  	v2 =	vld [tilespmem:s6+$0x0];
	v3 =	vor.u32 v1, v4;
	_ =	sdelay $0x4  }
0x77: {  	s5 =	sadd.s32 $0x10, s5;
	[tilespmem:v3+s19+$0x0] =	vst.idx.msk $0xffff, v2  }
0x78: {  	v4 =	vor.u32 $0x1, v3;
	v2 =	vld [tilespmem:s5+$0x0];
	_ =	sdelay $0x4  }
0x79: {  	s4 =	sadd.s32 $0x10, s4;
	[tilespmem:v4+s19+$0x0] =	vst.idx.msk $0xffff, v2  }
0x7a: {  	v63 =	vor.u32 $0x2, v3;
	v2 =	vld [tilespmem:s4+$0x0];
	_ =	sdelay $0x4  }
0x7b: {  	s1 =	sadd.s32 $0x10, s1;
	[tilespmem:v63+s19+$0x0] =	vst.idx.msk $0xffff, v2  }
0x7c: {  	s2 =	sadd.s32 $0x1, s2;
	v3 =	vor.u32 $0x3, v3;
	v2 =	vld [tilespmem:s1+$0x0]  }
0x7d: {  	p0 =	sne.s32 s2, $0x13  }
.Ltmp2:
0x7e: {  	_ = 	snop;
	(pc) =	sbr.rel @p0 .LBB2_2-.Ltmp2, $4  }
0x7f: {  	s0 =	sadd.s32 s21, s0  }
0x80: {  	s0 =	sand.u32 $0x3FFFF0, s0  }
0x81: {  	s0 =	sadd.s32 s10, s0;
	[tilespmem:v3+s19+$0x0] =	vst.idx.msk $0xffff, v2  }
0x82: {  	[hbm4b:s0+s3] =	stream.linear.scatter [tilespmem:s19], [sflag:$0x8], $0x3E80, $0x38;
	[tilespmem:$0x18C40] =	vst v63  }
0x83: {  	s0 =	simm.s32 $0x8  }
0x84: {  	_ =	swait.ge [sflag:s0], $0x3E80  }
0x85: {  	[sflag:s0] =	ssyncset.done $0x0  }
0x86: {  	[sflag:s0] =	ssyncadd.s32 $0xFFFFC180  }
0x87: {  	_ =	swait.ge [sflag:s0], $0x3E80  }
0x88: {  	[sflag:s0] =	ssyncset.done $0x0  }
0x89: {  	[sflag:s0] =	ssyncadd.s32 $0xFFFFC180  }
0x8a: {  	[bflag:$0x0] =	sbarrier.arrive $0xFFFF  }
0x8b: {  	s31 =	simm.s32 $0x1;
	s0 =	simm.s32 $0x0;
	s1 =	rddreg [dreg:$0x8]  }
0x8c: {  	[tilespmem:s0], [sflag:$0x1] =	stream.linear.gather [hbm4b:s1+s0], $0x1000, $0x38;
	[tilespmem:$0x18C40] =	vst v63  }
0x8d: {  	_ =	swait.ge [sflag:s31], $0x1000  }
0x8e: {  	[sflag:s31] =	ssyncset.done $0x0  }
0x8f: {  	[sflag:s31] =	ssyncadd.s32 $0xFFFFF000  }
.LBB2_8:
0x90: {  	s1 =	sshll.u32 s0, $0x8  }
0x91: {  	s2 =	sand.u32 $0x3FFFFF00, s1  }
0x92: {  	v2 =	vmov s2;
	_ =	sdelay $0x3  }
0x93: {  	p0 =	por $0x1, $0x1;
	s1 =	sshll.u32 s0, $0x7;
	s2 =	simm.s32 $0x0  }
.LBB2_9:
0x94: {  	v3 =	vld.idx.msk [tilespmem:v2+s2+$0x0 ss:$0x1], $0xffff  }
0x95: {  	v4 =	vld.idx.msk [tilespmem:v2+s2+$0x80 ss:$0x1], $0xffff;
	_ =	sdelay $0x3  }
0x96: {  	v3 =	vmul.f32 $5.995000000e+02, v3  }
0x97: {  	v4 =	vmul.f32 $4.995000000e+02, v4  }
0x98: {  	v3 =	vadd.f32 $5.995000000e+02, v3  }
0x99: {  	v4 =	vadd.f32 $4.995000000e+02, v4  }
0x9a: {  	v3 =	vmin.f32 v3, $1.199000000e+03  }
0x9b: {  	v4 =	vmin.f32 v4, $9.990000000e+02;
	v5 =	vtrunc.f32 v3  }
0x9c: {  	v6 =	vtrunc.f32 v4;
	v5 =	vcvt.f32.s32 v5  }
0x9d: {  	v6 =	vcvt.f32.s32 v6  }
0x9e: {  	v7 =	vmul.u32 $0x3E8, v5;
	v5 =	vcvt.s32.f32 v5  }
0x9f: {  	v8 =	vadd.s32 v6, v0;
	v6 =	vcvt.s32.f32 v6  }
0xa0: {  	s4 =	sor.u32 s1, s2;
	v7 =	vadd.s32 v7, v8;
	v3 =	vsub.f32 v3, v5  }
0xa1: {  	v4 =	vsub.f32 v4, v6;
	[tilespmem:s4+$0x1000] =	vst v7  }
0xa2: {  	[tilespmem:s4+$0x1800] =	vst v3  }
0xa3: {  	[tilespmem:s4+$0x2000] =	vst v4  }
0xa4: {  	v3 =	vld.idx.msk [tilespmem:v2+s2+$0x10 ss:$0x1], $0xffff  }
0xa5: {  	v4 =	vld.idx.msk [tilespmem:v2+s2+$0x90 ss:$0x1], $0xffff;
	_ =	sdelay $0x3  }
0xa6: {  	v3 =	vmul.f32 $5.995000000e+02, v3  }
0xa7: {  	v4 =	vmul.f32 $4.995000000e+02, v4  }
0xa8: {  	v3 =	vadd.f32 $5.995000000e+02, v3  }
0xa9: {  	v4 =	vadd.f32 $4.995000000e+02, v4  }
0xaa: {  	v3 =	vmin.f32 v3, $1.199000000e+03  }
0xab: {  	v4 =	vmin.f32 v4, $9.990000000e+02;
	v52 =	vtrunc.f32 v3  }
0xac: {  	v53 =	vtrunc.f32 v4;
	v5 =	vcvt.f32.s32 v52  }
0xad: {  	v6 =	vcvt.f32.s32 v53  }
0xae: {  	v54 =	vmul.u32 $0x3E8, v5;
	v5 =	vcvt.s32.f32 v5  }
0xaf: {  	v55 =	vadd.s32 v6, v0;
	v6 =	vcvt.s32.f32 v6  }
0xb0: {  	v7 =	vadd.s32 v54, v55;
	v3 =	vsub.f32 v3, v5  }
0xb1: {  	v4 =	vsub.f32 v4, v6;
	[tilespmem:s4+$0x1010] =	vst v7  }
0xb2: {  	[tilespmem:s4+$0x1810] =	vst v3  }
0xb3: {  	[tilespmem:s4+$0x2010] =	vst v4  }
0xb4: {  	v3 =	vld.idx.msk [tilespmem:v2+s2+$0x20 ss:$0x1], $0xffff  }
0xb5: {  	v4 =	vld.idx.msk [tilespmem:v2+s2+$0xA0 ss:$0x1], $0xffff;
	_ =	sdelay $0x3  }
0xb6: {  	v3 =	vmul.f32 $5.995000000e+02, v3  }
0xb7: {  	v4 =	vmul.f32 $4.995000000e+02, v4  }
0xb8: {  	v3 =	vadd.f32 $5.995000000e+02, v3  }
0xb9: {  	v4 =	vadd.f32 $4.995000000e+02, v4  }
0xba: {  	v3 =	vmin.f32 v3, $1.199000000e+03  }
0xbb: {  	v4 =	vmin.f32 v4, $9.990000000e+02;
	v56 =	vtrunc.f32 v3  }
0xbc: {  	v57 =	vtrunc.f32 v4;
	v5 =	vcvt.f32.s32 v56  }
0xbd: {  	v6 =	vcvt.f32.s32 v57  }
0xbe: {  	v58 =	vmul.u32 $0x3E8, v5;
	v5 =	vcvt.s32.f32 v5  }
0xbf: {  	v59 =	vadd.s32 v6, v0;
	v6 =	vcvt.s32.f32 v6  }
0xc0: {  	v7 =	vadd.s32 v58, v59;
	v3 =	vsub.f32 v3, v5  }
0xc1: {  	v4 =	vsub.f32 v4, v6;
	[tilespmem:s4+$0x1020] =	vst v7  }
0xc2: {  	[tilespmem:s4+$0x1820] =	vst v3  }
0xc3: {  	[tilespmem:s4+$0x2020] =	vst v4  }
0xc4: {  	v3 =	vld.idx.msk [tilespmem:v2+s2+$0x30 ss:$0x1], $0xffff  }
0xc5: {  	v4 =	vld.idx.msk [tilespmem:v2+s2+$0xB0 ss:$0x1], $0xffff;
	_ =	sdelay $0x3  }
0xc6: {  	v3 =	vmul.f32 $5.995000000e+02, v3  }
0xc7: {  	v4 =	vmul.f32 $4.995000000e+02, v4  }
0xc8: {  	v3 =	vadd.f32 $5.995000000e+02, v3  }
0xc9: {  	v4 =	vadd.f32 $4.995000000e+02, v4  }
0xca: {  	v3 =	vmin.f32 v3, $1.199000000e+03  }
0xcb: {  	v4 =	vmin.f32 v4, $9.990000000e+02;
	v60 =	vtrunc.f32 v3  }
0xcc: {  	v61 =	vtrunc.f32 v4;
	v5 =	vcvt.f32.s32 v60  }
0xcd: {  	v6 =	vcvt.f32.s32 v61  }
0xce: {  	p1 =	por p0, p0;
	v62 =	vmul.u32 $0x3E8, v5;
	v5 =	vcvt.s32.f32 v5  }
.Ltmp3:
0xcf: {  	v63 =	vadd.s32 v6, v0;
	v6 =	vcvt.s32.f32 v6;
	(pc) =	sbr.rel @p1 .LBB2_9-.Ltmp3, $4  }
0xd0: {  	v7 =	vadd.s32 v62, v63;
	v3 =	vsub.f32 v3, v5  }
0xd1: {  	v4 =	vsub.f32 v4, v6;
	[tilespmem:s4+$0x1030] =	vst v7  }
0xd2: {  	[tilespmem:s4+$0x1830] =	vst v3  }
0xd3: {  	p0 =	por $0x0, $0x0;
	s2 =	simm.s32 $0x40;
	[tilespmem:s4+$0x2030] =	vst v4  }
0xd4: {  	s0 =	sadd.s32 $0x1, s0  }
0xd5: {  	p0 =	sne.s32 s0, $0x10  }
.Ltmp4:
0xd6: {  	_ = 	snop;
	(pc) =	sbr.rel @p0 .LBB2_8-.Ltmp4, $1  }
0xd7: {  	_ =	sdelay $0x3  }
0xd8: {  	s0 =	simm.s32 $0x1000  }
0xd9: {  	[tilespmem:s24], [sflag:$0x2] =	stream.indirect.gather [hbm4b:s10+s22], $0x8, s0, s22, $0xb8;
	[tilespmem:$0x18C40] =	vst v63  }
0xda: {  	s7 =	simm.s32 $0x1080;
	s1 =	simm.s32 $0x2C00  }
0xdb: {  	[tilespmem:s1], [sflag:$0x2] =	stream.indirect.gather [hbm4b:s10+s22], $0x8, s7, s22, $0xb8;
	[tilespmem:$0x18C40] =	vst v63  }
0xdc: {  	s9 =	simm.s32 $0x1100;
	s11 =	simm.s32 $0x3000  }
0xdd: {  	[tilespmem:s11], [sflag:$0x2] =	stream.indirect.gather [hbm4b:s10+s22], $0x8, s9, s22, $0xb8;
	[tilespmem:$0x18C40] =	vst v63  }
0xde: {  	s12 =	simm.s32 $0x1180;
	s13 =	simm.s32 $0x3400  }
0xdf: {  	[tilespmem:s13], [sflag:$0x2] =	stream.indirect.gather [hbm4b:s10+s22], $0x8, s12, s22, $0xb8;
	[tilespmem:$0x18C40] =	vst v63  }
0xe0: {  	s14 =	simm.s32 $0x1200;
	s16 =	simm.s32 $0x3800  }
0xe1: {  	[tilespmem:s16], [sflag:$0x2] =	stream.indirect.gather [hbm4b:s10+s22], $0x8, s14, s22, $0xb8;
	[tilespmem:$0x18C40] =	vst v63  }
0xe2: {  	s21 =	simm.s32 $0x1280;
	s25 =	simm.s32 $0x3C00  }
0xe3: {  	[tilespmem:s25], [sflag:$0x2] =	stream.indirect.gather [hbm4b:s10+s22], $0x8, s21, s22, $0xb8;
	[tilespmem:$0x18C40] =	vst v63  }
0xe4: {  	s26 =	simm.s32 $0x1300;
	s29 =	simm.s32 $0x4000  }
0xe5: {  	[tilespmem:s29], [sflag:$0x2] =	stream.indirect.gather [hbm4b:s10+s22], $0x8, s26, s22, $0xb8;
	[tilespmem:$0x18C40] =	vst v63  }
0xe6: {  	s30 =	simm.s32 $0x1380;
	s31 =	simm.s32 $0x4400  }
0xe7: {  	[tilespmem:s31], [sflag:$0x2] =	stream.indirect.gather [hbm4b:s10+s22], $0x8, s30, s22, $0xb8;
	[tilespmem:$0x18C40] =	vst v63  }
0xe8: {  	s2 =	simm.s32 $0x4800;
	s1 =	simm.s32 $0x1400  }
0xe9: {  	[tilespmem:s2], [sflag:$0x2] =	stream.indirect.gather [hbm4b:s10+s22], $0x8, s1, s22, $0xb8;
	[tilespmem:$0x18C40] =	vst v63  }
0xea: {  	s4 =	simm.s32 $0x1480;
	s5 =	simm.s32 $0x4C00  }
0xeb: {  	[tilespmem:s5], [sflag:$0x2] =	stream.indirect.gather [hbm4b:s10+s22], $0x8, s4, s22, $0xb8;
	[tilespmem:$0x18C40] =	vst v63  }
0xec: {  	s6 =	simm.s32 $0x1500;
	s7 =	simm.s32 $0x5000  }
0xed: {  	[tilespmem:s7], [sflag:$0x2] =	stream.indirect.gather [hbm4b:s10+s22], $0x8, s6, s22, $0xb8;
	[tilespmem:$0x18C40] =	vst v63  }
0xee: {  	s9 =	simm.s32 $0x1580;
	s11 =	simm.s32 $0x5400  }
0xef: {  	[tilespmem:s11], [sflag:$0x2] =	stream.indirect.gather [hbm4b:s10+s22], $0x8, s9, s22, $0xb8;
	[tilespmem:$0x18C40] =	vst v63  }
0xf0: {  	s12 =	simm.s32 $0x1600;
	s13 =	simm.s32 $0x5800  }
0xf1: {  	[tilespmem:s13], [sflag:$0x2] =	stream.indirect.gather [hbm4b:s10+s22], $0x8, s12, s22, $0xb8;
	[tilespmem:$0x18C40] =	vst v63  }
0xf2: {  	s14 =	simm.s32 $0x1680;
	s16 =	simm.s32 $0x5C00  }
0xf3: {  	[tilespmem:s16], [sflag:$0x2] =	stream.indirect.gather [hbm4b:s10+s22], $0x8, s14, s22, $0xb8;
	[tilespmem:$0x18C40] =	vst v63  }
0xf4: {  	s21 =	simm.s32 $0x1700;
	s25 =	simm.s32 $0x6000  }
0xf5: {  	[tilespmem:s25], [sflag:$0x2] =	stream.indirect.gather [hbm4b:s10+s22], $0x8, s21, s22, $0xb8;
	[tilespmem:$0x18C40] =	vst v63  }
0xf6: {  	s26 =	simm.s32 $0x1780;
	s29 =	simm.s32 $0x6400  }
0xf7: {  	[tilespmem:s29], [sflag:$0x2] =	stream.indirect.gather [hbm4b:s10+s22], $0x8, s26, s22, $0xb8;
	[tilespmem:$0x18C40] =	vst v63  }
0xf8: {  	s28 =	simm.s32 $0x0;
	s30 =	rddreg [dreg:$0xa];
	s31 =	simm.s32 $0x7800  }
0xf9: {  	[tilespmem:s31], [sflag:$0x4] =	stream.linear.gather [hbm4b:s30+s28], $0x1000, $0x38;
	[tilespmem:$0x18C40] =	vst v63  }
.LBB2_12:
0xfa: {  	s0 =	simm.s32 $0x4  }
0xfb: {  	_ =	swait.ge [sflag:s0], $0x1000  }
0xfc: {  	[sflag:s0] =	ssyncset.done $0x0  }
0xfd: {  	[sflag:s0] =	ssyncadd.s32 $0xFFFFF000;
	s0 =	simm.s32 $0x0  }
.LBB2_13:
0xfe: {  	s1 =	sshll.u32 s0, $0x8  }
0xff: {  	s1 =	sand.u32 $0x3FFFFF00, s1  }
0x100: {  	s4 =	sadd.s32 $0x7800, s1  }
0x101: {  	v2 =	vmov s4;
	_ =	sdelay $0x3  }
0x102: {  	s2 =	simm.s32 $0x0;
	p0 =	por $0x1, $0x1;
	s1 =	sshll.u32 s0, $0x7  }
.LBB2_14:
0x103: {  	v3 =	vld.idx.msk [tilespmem:v2+s2+$0x0 ss:$0x1], $0xffff  }
0x104: {  	v4 =	vld.idx.msk [tilespmem:v2+s2+$0x80 ss:$0x1], $0xffff;
	_ =	sdelay $0x3  }
0x105: {  	v3 =	vmul.f32 $5.995000000e+02, v3  }
0x106: {  	v4 =	vmul.f32 $4.995000000e+02, v4  }
0x107: {  	v3 =	vadd.f32 $5.995000000e+02, v3  }
0x108: {  	v4 =	vadd.f32 $4.995000000e+02, v4  }
0x109: {  	v3 =	vmin.f32 v3, $1.199000000e+03  }
0x10a: {  	v4 =	vmin.f32 v4, $9.990000000e+02;
	v5 =	vtrunc.f32 v3  }
0x10b: {  	v6 =	vtrunc.f32 v4;
	v5 =	vcvt.f32.s32 v5  }
0x10c: {  	v6 =	vcvt.f32.s32 v6  }
0x10d: {  	v7 =	vmul.u32 $0x3E8, v5;
	v5 =	vcvt.s32.f32 v5  }
0x10e: {  	v8 =	vadd.s32 v6, v0;
	v6 =	vcvt.s32.f32 v6  }
0x10f: {  	s4 =	sor.u32 s1, s2;
	v7 =	vadd.s32 v7, v8;
	v3 =	vsub.f32 v3, v5  }
0x110: {  	v4 =	vsub.f32 v4, v6;
	[tilespmem:s4+$0x8800] =	vst v7  }
0x111: {  	[tilespmem:s4+$0x9000] =	vst v3  }
0x112: {  	[tilespmem:s4+$0x9800] =	vst v4  }
0x113: {  	v3 =	vld.idx.msk [tilespmem:v2+s2+$0x10 ss:$0x1], $0xffff  }
0x114: {  	v4 =	vld.idx.msk [tilespmem:v2+s2+$0x90 ss:$0x1], $0xffff;
	_ =	sdelay $0x3  }
0x115: {  	v3 =	vmul.f32 $5.995000000e+02, v3  }
0x116: {  	v4 =	vmul.f32 $4.995000000e+02, v4  }
0x117: {  	v3 =	vadd.f32 $5.995000000e+02, v3  }
0x118: {  	v4 =	vadd.f32 $4.995000000e+02, v4  }
0x119: {  	v3 =	vmin.f32 v3, $1.199000000e+03  }
0x11a: {  	v4 =	vmin.f32 v4, $9.990000000e+02;
	v52 =	vtrunc.f32 v3  }
0x11b: {  	v53 =	vtrunc.f32 v4;
	v5 =	vcvt.f32.s32 v52  }
0x11c: {  	v6 =	vcvt.f32.s32 v53  }
0x11d: {  	v54 =	vmul.u32 $0x3E8, v5;
	v5 =	vcvt.s32.f32 v5  }
0x11e: {  	v55 =	vadd.s32 v6, v0;
	v6 =	vcvt.s32.f32 v6  }
0x11f: {  	v7 =	vadd.s32 v54, v55;
	v3 =	vsub.f32 v3, v5  }
0x120: {  	v4 =	vsub.f32 v4, v6;
	[tilespmem:s4+$0x8810] =	vst v7  }
0x121: {  	[tilespmem:s4+$0x9010] =	vst v3  }
0x122: {  	[tilespmem:s4+$0x9810] =	vst v4  }
0x123: {  	v3 =	vld.idx.msk [tilespmem:v2+s2+$0x20 ss:$0x1], $0xffff  }
0x124: {  	v4 =	vld.idx.msk [tilespmem:v2+s2+$0xA0 ss:$0x1], $0xffff;
	_ =	sdelay $0x3  }
0x125: {  	v3 =	vmul.f32 $5.995000000e+02, v3  }
0x126: {  	v4 =	vmul.f32 $4.995000000e+02, v4  }
0x127: {  	v3 =	vadd.f32 $5.995000000e+02, v3  }
0x128: {  	v4 =	vadd.f32 $4.995000000e+02, v4  }
0x129: {  	v3 =	vmin.f32 v3, $1.199000000e+03  }
0x12a: {  	v4 =	vmin.f32 v4, $9.990000000e+02;
	v56 =	vtrunc.f32 v3  }
0x12b: {  	v57 =	vtrunc.f32 v4;
	v5 =	vcvt.f32.s32 v56  }
0x12c: {  	v6 =	vcvt.f32.s32 v57  }
0x12d: {  	v58 =	vmul.u32 $0x3E8, v5;
	v5 =	vcvt.s32.f32 v5  }
0x12e: {  	v59 =	vadd.s32 v6, v0;
	v6 =	vcvt.s32.f32 v6  }
0x12f: {  	v7 =	vadd.s32 v58, v59;
	v3 =	vsub.f32 v3, v5  }
0x130: {  	v4 =	vsub.f32 v4, v6;
	[tilespmem:s4+$0x8820] =	vst v7  }
0x131: {  	[tilespmem:s4+$0x9020] =	vst v3  }
0x132: {  	[tilespmem:s4+$0x9820] =	vst v4  }
0x133: {  	v3 =	vld.idx.msk [tilespmem:v2+s2+$0x30 ss:$0x1], $0xffff  }
0x134: {  	v4 =	vld.idx.msk [tilespmem:v2+s2+$0xB0 ss:$0x1], $0xffff;
	_ =	sdelay $0x3  }
0x135: {  	v3 =	vmul.f32 $5.995000000e+02, v3  }
0x136: {  	v4 =	vmul.f32 $4.995000000e+02, v4  }
0x137: {  	v3 =	vadd.f32 $5.995000000e+02, v3  }
0x138: {  	v4 =	vadd.f32 $4.995000000e+02, v4  }
0x139: {  	v3 =	vmin.f32 v3, $1.199000000e+03  }
0x13a: {  	v4 =	vmin.f32 v4, $9.990000000e+02;
	v60 =	vtrunc.f32 v3  }
0x13b: {  	v61 =	vtrunc.f32 v4;
	v5 =	vcvt.f32.s32 v60  }
0x13c: {  	v6 =	vcvt.f32.s32 v61  }
0x13d: {  	p1 =	por p0, p0;
	v62 =	vmul.u32 $0x3E8, v5;
	v5 =	vcvt.s32.f32 v5  }
.Ltmp5:
0x13e: {  	v63 =	vadd.s32 v6, v0;
	v6 =	vcvt.s32.f32 v6;
	(pc) =	sbr.rel @p1 .LBB2_14-.Ltmp5, $4  }
0x13f: {  	v7 =	vadd.s32 v62, v63;
	v3 =	vsub.f32 v3, v5  }
0x140: {  	v4 =	vsub.f32 v4, v6;
	[tilespmem:s4+$0x8830] =	vst v7  }
0x141: {  	[tilespmem:s4+$0x9030] =	vst v3  }
0x142: {  	p0 =	por $0x0, $0x0;
	s2 =	simm.s32 $0x40;
	[tilespmem:s4+$0x9830] =	vst v4  }
0x143: {  	s0 =	sadd.s32 $0x1, s0  }
0x144: {  	p0 =	sne.s32 s0, $0x10  }
.Ltmp6:
0x145: {  	_ = 	snop;
	(pc) =	sbr.rel @p0 .LBB2_13-.Ltmp6, $1  }
0x146: {  	_ =	sdelay $0x3  }
0x147: {  	s0 =	simm.s32 $0x8800  }
0x148: {  	[tilespmem:s20], [sflag:$0x5] =	stream.indirect.gather [hbm4b:s10+s22], $0x8, s0, s22, $0xb8;
	[tilespmem:$0x18C40] =	vst v63  }
0x149: {  	s26 =	simm.s32 $0x8880;
	s1 =	simm.s32 $0xA400  }
0x14a: {  	[tilespmem:s1], [sflag:$0x5] =	stream.indirect.gather [hbm4b:s10+s22], $0x8, s26, s22, $0xb8;
	[tilespmem:$0x18C40] =	vst v63  }
0x14b: {  	s2 =	simm.s32 $0x8900;
	s4 =	simm.s32 $0xA800  }
0x14c: {  	[tilespmem:s4], [sflag:$0x5] =	stream.indirect.gather [hbm4b:s10+s22], $0x8, s2, s22, $0xb8;
	[tilespmem:$0x18C40] =	vst v63  }
0x14d: {  	s5 =	simm.s32 $0x8980;
	s6 =	simm.s32 $0xAC00  }
0x14e: {  	[tilespmem:s6], [sflag:$0x5] =	stream.indirect.gather [hbm4b:s10+s22], $0x8, s5, s22, $0xb8;
	[tilespmem:$0x18C40] =	vst v63  }
0x14f: {  	s7 =	simm.s32 $0x8A00;
	s9 =	simm.s32 $0xB000  }
0x150: {  	[tilespmem:s9], [sflag:$0x5] =	stream.indirect.gather [hbm4b:s10+s22], $0x8, s7, s22, $0xb8;
	[tilespmem:$0x18C40] =	vst v63  }
0x151: {  	s11 =	simm.s32 $0x8A80;
	s12 =	simm.s32 $0xB400  }
0x152: {  	[tilespmem:s12], [sflag:$0x5] =	stream.indirect.gather [hbm4b:s10+s22], $0x8, s11, s22, $0xb8;
	[tilespmem:$0x18C40] =	vst v63  }
0x153: {  	s13 =	simm.s32 $0x8B00;
	s14 =	simm.s32 $0xB800  }
0x154: {  	[tilespmem:s14], [sflag:$0x5] =	stream.indirect.gather [hbm4b:s10+s22], $0x8, s13, s22, $0xb8;
	[tilespmem:$0x18C40] =	vst v63  }
0x155: {  	s16 =	simm.s32 $0x8B80;
	s21 =	simm.s32 $0xBC00  }
0x156: {  	[tilespmem:s21], [sflag:$0x5] =	stream.indirect.gather [hbm4b:s10+s22], $0x8, s16, s22, $0xb8;
	[tilespmem:$0x18C40] =	vst v63  }
0x157: {  	s25 =	simm.s32 $0x8C00;
	s26 =	simm.s32 $0xC000  }
0x158: {  	[tilespmem:s26], [sflag:$0x5] =	stream.indirect.gather [hbm4b:s10+s22], $0x8, s25, s22, $0xb8;
	[tilespmem:$0x18C40] =	vst v63  }
0x159: {  	p0 =	seq.s32 s28, $0xF;
	s1 =	simm.s32 $0x8C80;
	s2 =	simm.s32 $0xC400  }
0x15a: {  	[tilespmem:s2], [sflag:$0x5] =	stream.indirect.gather [hbm4b:s10+s22], $0x8, s1, s22, $0xb8;
	[tilespmem:$0x18C40] =	vst v63  }
0x15b: {  	s0 =	sshll.u32 @!p0 s28, $0xA;
	s4 =	simm.s32 $0x8D00;
	s5 =	simm.s32 $0xC800  }
0x15c: {  	[tilespmem:s5], [sflag:$0x5] =	stream.indirect.gather [hbm4b:s10+s22], $0x8, s4, s22, $0xb8;
	[tilespmem:$0x18C40] =	vst v63  }
0x15d: {  	s0 =	sadd.s32 @!p0 $0x400, s0;
	s6 =	simm.s32 $0x8D80;
	s7 =	simm.s32 $0xCC00  }
0x15e: {  	[tilespmem:s7], [sflag:$0x5] =	stream.indirect.gather [hbm4b:s10+s22], $0x8, s6, s22, $0xb8;
	[tilespmem:$0x18C40] =	vst v63  }
0x15f: {  	s9 =	simm.s32 $0x8E00;
	s11 =	simm.s32 $0xD000;
	s12 =	simm.s32 $0x8E80  }
0x160: {  	[tilespmem:s11], [sflag:$0x5] =	stream.indirect.gather [hbm4b:s10+s22], $0x8, s9, s22, $0xb8;
	[tilespmem:$0x18C40] =	vst v63  }
0x161: {  	s13 =	simm.s32 $0xD400;
	s14 =	simm.s32 $0x8F00;
	s16 =	simm.s32 $0xD800  }
0x162: {  	[tilespmem:s13], [sflag:$0x5] =	stream.indirect.gather [hbm4b:s10+s22], $0x8, s12, s22, $0xb8;
	[tilespmem:$0x18C40] =	vst v63  }
0x163: {  	s21 =	simm.s32 $0x8F80;
	s1 =	sand.u32 @!p0 $0x7000, s0;
	s2 =	rddreg [dreg:$0x8]  }
0x164: {  	[tilespmem:s16], [sflag:$0x5] =	stream.indirect.gather [hbm4b:s10+s22], $0x8, s14, s22, $0xb8;
	[tilespmem:$0x18C40] =	vst v63  }
0x165: {  	s25 =	simm.s32 $0xDC00;
	s0 =	sand.u32 @!p0 $0xC00, s0;
	s1 =	sadd.s32 @!p0 s1, s2  }
0x166: {  	[tilespmem:s25], [sflag:$0x5] =	stream.indirect.gather [hbm4b:s10+s22], $0x8, s21, s22, $0xb8;
	[tilespmem:$0x18C40] =	vst v63  }
0x167: {  	s26 =	simm.s32 $0x2;
	s0 =	sadd.s32 @!p0 s0, s1;
	s1 =	simm.s32 @!p0 $0x0  }
0x168: {  	[tilespmem:s1], [sflag:$0x1] =	stream.linear.gather @!p0 [hbm4b:s0+s1], $0x1000, $0x38;
	[tilespmem:$0x18C40] =	vst v63  }
0x169: {  	s1 =	simm.s32 $0x0;
	_ =	swait.ge [sflag:s26], $0x4000  }
0x16a: {  	p0 =	seq.s32 s28, $0x0;
	v2 =	vmov s1;
	[sflag:s26] =	ssyncset.done $0x0  }
0x16b: {  	s0 =	simm.s32 @!p0 $0x3;
	v2 =	vshll.u32 v2, $0x3;
	[sflag:s26] =	ssyncadd.s32 $0xFFFFC000  }
0x16c: {  	v8 =	vor.u32 v1, v2;
	_ =	swait.ge @!p0 [sflag:s0], $0x800  }
0x16d: {  	v2 =	vor.u32 $0x1, v8;
	[sflag:s0] =	ssyncset.done @!p0 $0x0  }
0x16e: {  	s30 =	sshll.u32 s28, $0x1;
	v5 =	vor.u32 $0x2, v8;
	[sflag:s0] =	ssyncadd.s32 @!p0 $0xFFFFF800  }
0x16f: {  	s31 =	simm.s32 $0x7050;
	s9 =	simm.s32 $0x20;
	_ =	swait.ge @!p0 [sflag:s0], $0x800  }
0x170: {  	s29 =	simm.s32 $0x1850;
	s2 =	simm.s32 $0x6830;
	v3 =	vmov s9;
	[sflag:s0] =	ssyncset.done @!p0 $0x0  }
0x171: {  	s5 =	simm.s32 $0x60;
	v3 =	vshll.u32 v3, $0x3;
	s16 =	simm.s32 $0x40;
	v7 =	vor.u32 $0x3, v8;
	[sflag:s0] =	ssyncadd.s32 @!p0 $0xFFFFF800  }
0x172: {  	s4 =	simm.s32 $0x6830;
	s11 =	simm.s32 $0x6810;
	s13 =	simm.s32 $0x1810;
	v3 =	vor.u32 v1, v3;
	v6 =	vmov s16;
	v9 =	vld.idx.msk [tilespmem:v2+s24+$0x0], $0xffff  }
0x173: {  	s12 =	simm.s32 $0x2030;
	s14 =	simm.s32 $0x7010;
	v4 =	vor.u32 $0x2, v3;
	s25 =	simm.s32 $0x7030;
	v2 =	vshll.u32 v6, $0x3;
	v10 =	vld.idx.msk [tilespmem:v5+s24+$0x0], $0xffff  }
0x174: {  	s21 =	simm.s32 $0x1830;
	s26 =	simm.s32 $0x2030;
	s0 =	simm.s32 $0x2010;
	v5 =	vor.u32 $0x1, v3;
	v6 =	vor.u32 $0x3, v3;
	v11 =	vld.idx.msk [tilespmem:v8+s24+$0x0], $0xffff;
	v2 =	vor.u32 v1, v2  }
.LBB2_17:
0x175: {  	s26 =	sadd.s32 $0x20, s26  }
0x176: {  	v8 =	vor.u32 $0x2, v2;
	s4 =	sadd.s32 $0x20, s4;
	v12 =	vld.idx.msk [tilespmem:v7+s24+$0x0], $0xffff;
	v7 =	vmov v6;
	s7 =	smov.u32 s5;
	s6 =	sadd.s32 $0x20, s5  }
0x177: {  	p1 =	sne.s32 s5, $0x7E0;
	v13 =	vor.u32 $0x1, v2;
	v6 =	vor.u32 $0x3, v2  }
0x178: {  	v14 =	vld [tilespmem:s0+$0xFFFFFFF0]  }
0x179: {  	v15 =	vshll.u32 v9, $0x10;
	v9 =	vand.u32 $0xFFFF0000, v9  }
0x17a: {  	v16 =	vshll.u32 v10, $0x10;
	v10 =	vand.u32 $0xFFFF0000, v10;
	v9 =	vsub.f32 v9, v15  }
0x17b: {  	v17 =	vshll.u32 v11, $0x10;
	v11 =	vand.u32 $0xFFFF0000, v11;
	v10 =	vsub.f32 v10, v16  }
0x17c: {  	v18 =	vshll.u32 v12, $0x10;
	v12 =	vand.u32 $0xFFFF0000, v12;
	v11 =	vsub.f32 v11, v17  }
0x17d: {  	v12 =	vsub.f32 v12, v18;
	v9 =	vmul.f32 v9, v14  }
0x17e: {  	v11 =	vmul.f32 v11, v14;
	v10 =	vmul.f32 v10, v14  }
0x17f: {  	v12 =	vmul.f32 v12, v14;
	v19 =	vld [tilespmem:s13+$0xFFFFFFF0]  }
0x180: {  	v11 =	vadd.f32 v17, v11;
	v10 =	vadd.f32 v16, v10  }
0x181: {  	v9 =	vadd.f32 v15, v9;
	v12 =	vadd.f32 v18, v12  }
0x182: {  	s5 =	sadd.s32 $0x10, s1;
	s1 =	smov.u32 s9;
	s9 =	smov.u32 s16;
	v10 =	vsub.f32 v10, v11  }
0x183: {  	s16 =	smov.u32 s7;
	v14 =	vmov s5;
	v12 =	vsub.f32 v12, v9  }
0x184: {  	v14 =	vshll.u32 v14, $0x3;
	v10 =	vmul.f32 v10, v19  }
0x185: {  	v14 =	vor.u32 v1, v14;
	v12 =	vmul.f32 v12, v19  }
0x186: {  	v10 =	vadd.f32 v10, v11;
	v11 =	vor.u32 $0x2, v14  }
0x187: {  	v9 =	vadd.f32 v12, v9;
	v12 =	vor.u32 $0x1, v14  }
0x188: {  	[tilespmem:s11+$0xFFFFFFF0] =	vst v10;
	v10 =	vor.u32 $0x3, v14  }
0x189: {  	[tilespmem:s14+$0xFFFFFFF0] =	vst v9  }
0x18a: {  	v9 =	vld.idx.msk [tilespmem:v14+s24+$0x0], $0xffff  }
0x18b: {  	v11 =	vld.idx.msk [tilespmem:v11+s24+$0x0], $0xffff  }
0x18c: {  	v12 =	vld.idx.msk [tilespmem:v12+s24+$0x0], $0xffff  }
0x18d: {  	v10 =	vld.idx.msk [tilespmem:v10+s24+$0x0], $0xffff;
	_ =	sdelay $0x1  }
0x18e: {  	v14 =	vld [tilespmem:s0+$0x0];
	s0 =	smov.u32 s12;
	s12 =	smov.u32 s26  }
0x18f: {  	v15 =	vshll.u32 v9, $0x10;
	v9 =	vand.u32 $0xFFFF0000, v9  }
0x190: {  	v16 =	vshll.u32 v11, $0x10;
	v11 =	vand.u32 $0xFFFF0000, v11;
	v9 =	vsub.f32 v9, v15  }
0x191: {  	v17 =	vshll.u32 v12, $0x10;
	v12 =	vand.u32 $0xFFFF0000, v12;
	v11 =	vsub.f32 v11, v16  }
0x192: {  	v18 =	vshll.u32 v10, $0x10;
	v10 =	vand.u32 $0xFFFF0000, v10;
	v12 =	vsub.f32 v12, v17  }
0x193: {  	v10 =	vsub.f32 v10, v18;
	v9 =	vmul.f32 v9, v14;
	v11 =	vmul.f32 v11, v14  }
0x194: {  	v12 =	vmul.f32 v12, v14  }
0x195: {  	v10 =	vmul.f32 v10, v14;
	v19 =	vld [tilespmem:s13+$0x0];
	v11 =	vadd.f32 v16, v11;
	s13 =	smov.u32 s21;
	s21 =	smov.u32 s29  }
0x196: {  	v9 =	vadd.f32 v15, v9  }
0x197: {  	v12 =	vadd.f32 v17, v12;
	v10 =	vadd.f32 v18, v10  }
0x198: {  	v11 =	vsub.f32 v11, v9  }
0x199: {  	v10 =	vsub.f32 v10, v12  }
0x19a: {  	v11 =	vmul.f32 v11, v19  }
0x19b: {  	v10 =	vmul.f32 v10, v19  }
0x19c: {  	v9 =	vadd.f32 v11, v9  }
0x19d: {  	v10 =	vadd.f32 v10, v12  }
.Ltmp7:
0x19e: {  	[tilespmem:s11+$0x0] =	vst v9;
	s11 =	smov.u32 s2;
	s2 =	smov.u32 s4;
	(pc) =	sbr.rel @p1 .LBB2_17-.Ltmp7, $4  }
0x19f: {  	[tilespmem:s14+$0x0] =	vst v10;
	s14 =	smov.u32 s25;
	s25 =	smov.u32 s31  }
0x1a0: {  	v10 =	vmov s16;
	v9 =	vld.idx.msk [tilespmem:v5+s24+$0x0], $0xffff;
	v5 =	vmov v13  }
0x1a1: {  	v12 =	vshll.u32 v10, $0x3;
	v10 =	vld.idx.msk [tilespmem:v4+s24+$0x0], $0xffff;
	v4 =	vmov v8  }
0x1a2: {  	s5 =	smov.u32 s6;
	s29 =	sadd.s32 $0x20, s29;
	s31 =	sadd.s32 $0x20, s31;
	v11 =	vld.idx.msk [tilespmem:v3+s24+$0x0], $0xffff;
	v3 =	vmov v2;
	v2 =	vor.u32 v1, v12  }
0x1a3: {  	_ =	sdelay $0x3  }
0x1a4: {  	v7 =	vld.idx.msk [tilespmem:v7+s24+$0x0], $0xffff;
	_ =	sdelay $0x1  }
0x1a5: {  	v8 =	vld [tilespmem:s0+$0xFFFFFFF0];
	v12 =	vshll.u32 v9, $0x10  }
0x1a6: {  	v20 =	vand.u32 $0xFFFF0000, v9;
	v13 =	vshll.u32 v10, $0x10;
	v21 =	vand.u32 $0xFFFF0000, v10  }
0x1a7: {  	v14 =	vshll.u32 v11, $0x10;
	v22 =	vand.u32 $0xFFFF0000, v11;
	v10 =	vsub.f32 v21, v13  }
0x1a8: {  	v15 =	vshll.u32 v7, $0x10;
	v7 =	vand.u32 $0xFFFF0000, v7;
	v11 =	vsub.f32 v22, v14  }
0x1a9: {  	v9 =	vsub.f32 v20, v12;
	v7 =	vsub.f32 v7, v15  }
0x1aa: {  	v10 =	vmul.f32 v10, v8;
	v11 =	vmul.f32 v11, v8  }
0x1ab: {  	v16 =	vld [tilespmem:s13+$0xFFFFFFF0];
	v9 =	vmul.f32 v9, v8;
	v7 =	vmul.f32 v7, v8  }
0x1ac: {  	v10 =	vadd.f32 v13, v10;
	v23 =	vadd.f32 v14, v11  }
0x1ad: {  	v9 =	vadd.f32 v12, v9;
	v7 =	vadd.f32 v15, v7  }
0x1ae: {  	s1 =	sadd.s32 $0x10, s1;
	v10 =	vsub.f32 v10, v23  }
0x1af: {  	v24 =	vmov s1;
	v7 =	vsub.f32 v7, v9  }
0x1b0: {  	v11 =	vshll.u32 v24, $0x3;
	v10 =	vmul.f32 v10, v16  }
0x1b1: {  	v11 =	vor.u32 v1, v11;
	v7 =	vmul.f32 v7, v16  }
0x1b2: {  	v25 =	vor.u32 $0x2, v11;
	v8 =	vadd.f32 v10, v23  }
0x1b3: {  	v26 =	vor.u32 $0x1, v11;
	v7 =	vadd.f32 v7, v9  }
0x1b4: {  	v27 =	vor.u32 $0x3, v11;
	[tilespmem:s11+$0xFFFFFFF0] =	vst v8  }
0x1b5: {  	[tilespmem:s14+$0xFFFFFFF0] =	vst v7  }
0x1b6: {  	v7 =	vld.idx.msk [tilespmem:v11+s24+$0x0], $0xffff  }
0x1b7: {  	v10 =	vld.idx.msk [tilespmem:v25+s24+$0x0], $0xffff  }
0x1b8: {  	v9 =	vld.idx.msk [tilespmem:v26+s24+$0x0], $0xffff  }
0x1b9: {  	v8 =	vld.idx.msk [tilespmem:v27+s24+$0x0], $0xffff;
	_ =	sdelay $0x2  }
0x1ba: {  	v28 =	vld [tilespmem:s0+$0x0];
	v29 =	vshll.u32 v7, $0x10  }
0x1bb: {  	v7 =	vand.u32 $0xFFFF0000, v7;
	v30 =	vshll.u32 v10, $0x10;
	v10 =	vand.u32 $0xFFFF0000, v10  }
0x1bc: {  	v31 =	vshll.u32 v9, $0x10;
	v9 =	vand.u32 $0xFFFF0000, v9;
	v32 =	vshll.u32 v8, $0x10  }
0x1bd: {  	v8 =	vand.u32 $0xFFFF0000, v8;
	v7 =	vsub.f32 v7, v29;
	v10 =	vsub.f32 v10, v30  }
0x1be: {  	v9 =	vsub.f32 v9, v31;
	v8 =	vsub.f32 v8, v32  }
0x1bf: {  	v7 =	vmul.f32 v7, v28;
	v10 =	vmul.f32 v10, v28  }
0x1c0: {  	v33 =	vld [tilespmem:s13+$0x0];
	v9 =	vmul.f32 v9, v28;
	v8 =	vmul.f32 v8, v28  }
0x1c1: {  	v10 =	vadd.f32 v30, v10;
	v7 =	vadd.f32 v29, v7  }
0x1c2: {  	v9 =	vadd.f32 v31, v9;
	v8 =	vadd.f32 v32, v8  }
0x1c3: {  	v10 =	vsub.f32 v10, v7  }
0x1c4: {  	v8 =	vsub.f32 v8, v9  }
0x1c5: {  	v10 =	vmul.f32 v10, v33  }
0x1c6: {  	v8 =	vmul.f32 v8, v33  }
0x1c7: {  	v7 =	vadd.f32 v10, v7  }
0x1c8: {  	v8 =	vadd.f32 v8, v9  }
0x1c9: {  	[tilespmem:s11+$0x0] =	vst v7  }
0x1ca: {  	[tilespmem:s14+$0x0] =	vst v8  }
0x1cb: {  	v5 =	vld.idx.msk [tilespmem:v5+s24+$0x0], $0xffff  }
0x1cc: {  	v4 =	vld.idx.msk [tilespmem:v4+s24+$0x0], $0xffff  }
0x1cd: {  	v3 =	vld.idx.msk [tilespmem:v3+s24+$0x0], $0xffff  }
0x1ce: {  	v6 =	vld.idx.msk [tilespmem:v6+s24+$0x0], $0xffff;
	_ =	sdelay $0x2  }
0x1cf: {  	v7 =	vld [tilespmem:s12+$0xFFFFFFF0];
	v34 =	vshll.u32 v5, $0x10  }
0x1d0: {  	v5 =	vand.u32 $0xFFFF0000, v5;
	v35 =	vshll.u32 v4, $0x10;
	v4 =	vand.u32 $0xFFFF0000, v4  }
0x1d1: {  	v36 =	vshll.u32 v3, $0x10;
	v3 =	vand.u32 $0xFFFF0000, v3;
	v37 =	vshll.u32 v6, $0x10  }
0x1d2: {  	v6 =	vand.u32 $0xFFFF0000, v6;
	v4 =	vsub.f32 v4, v35;
	v3 =	vsub.f32 v3, v36  }
0x1d3: {  	v5 =	vsub.f32 v5, v34;
	v6 =	vsub.f32 v6, v37  }
0x1d4: {  	v3 =	vmul.f32 v3, v7;
	v4 =	vmul.f32 v4, v7  }
0x1d5: {  	v38 =	vld [tilespmem:s21+$0xFFFFFFF0];
	v5 =	vmul.f32 v5, v7;
	v6 =	vmul.f32 v6, v7  }
0x1d6: {  	v3 =	vadd.f32 v36, v3;
	v4 =	vadd.f32 v35, v4  }
0x1d7: {  	v5 =	vadd.f32 v34, v5;
	v6 =	vadd.f32 v37, v6  }
0x1d8: {  	s7 =	sadd.s32 $0x10, s9;
	v4 =	vsub.f32 v4, v3  }
0x1d9: {  	v39 =	vmov s7;
	v6 =	vsub.f32 v6, v5  }
0x1da: {  	v7 =	vshll.u32 v39, $0x3;
	v4 =	vmul.f32 v4, v38  }
0x1db: {  	v7 =	vor.u32 v1, v7;
	v6 =	vmul.f32 v6, v38  }
0x1dc: {  	v40 =	vor.u32 $0x2, v7;
	v3 =	vadd.f32 v4, v3  }
0x1dd: {  	v41 =	vor.u32 $0x1, v7;
	v5 =	vadd.f32 v6, v5  }
0x1de: {  	[tilespmem:s2+$0xFFFFFFF0] =	vst v3;
	v3 =	vor.u32 $0x3, v7  }
0x1df: {  	[tilespmem:s25+$0xFFFFFFF0] =	vst v5  }
0x1e0: {  	v5 =	vld.idx.msk [tilespmem:v7+s24+$0x0], $0xffff  }
0x1e1: {  	v4 =	vld.idx.msk [tilespmem:v40+s24+$0x0], $0xffff  }
0x1e2: {  	v6 =	vld.idx.msk [tilespmem:v41+s24+$0x0], $0xffff  }
0x1e3: {  	v3 =	vld.idx.msk [tilespmem:v3+s24+$0x0], $0xffff;
	_ =	sdelay $0x1  }
0x1e4: {  	v42 =	vld [tilespmem:s12+$0x0];
	v43 =	vshll.u32 v5, $0x10  }
0x1e5: {  	v5 =	vand.u32 $0xFFFF0000, v5;
	v44 =	vshll.u32 v4, $0x10;
	v4 =	vand.u32 $0xFFFF0000, v4  }
0x1e6: {  	v45 =	vshll.u32 v6, $0x10;
	v6 =	vand.u32 $0xFFFF0000, v6;
	v5 =	vsub.f32 v5, v43  }
0x1e7: {  	v4 =	vsub.f32 v4, v44;
	v46 =	vshll.u32 v3, $0x10;
	v3 =	vand.u32 $0xFFFF0000, v3  }
0x1e8: {  	v6 =	vsub.f32 v6, v45;
	v3 =	vsub.f32 v3, v46  }
0x1e9: {  	v5 =	vmul.f32 v5, v42;
	v4 =	vmul.f32 v4, v42  }
0x1ea: {  	v47 =	vld [tilespmem:s21+$0x0];
	v6 =	vmul.f32 v6, v42;
	v3 =	vmul.f32 v3, v42  }
0x1eb: {  	v4 =	vadd.f32 v44, v4;
	v5 =	vadd.f32 v43, v5  }
0x1ec: {  	v6 =	vadd.f32 v45, v6;
	v3 =	vadd.f32 v46, v3  }
0x1ed: {  	v4 =	vsub.f32 v4, v5  }
0x1ee: {  	v3 =	vsub.f32 v3, v6  }
0x1ef: {  	v4 =	vmul.f32 v4, v47  }
0x1f0: {  	v48 =	vor.u32 $0x1, v2;
	v3 =	vmul.f32 v3, v47  }
0x1f1: {  	v49 =	vor.u32 $0x2, v2;
	v4 =	vadd.f32 v4, v5  }
0x1f2: {  	v3 =	vadd.f32 v3, v6  }
0x1f3: {  	v50 =	vor.u32 $0x3, v2;
	[tilespmem:s2+$0x0] =	vst v4  }
0x1f4: {  	[tilespmem:s25+$0x0] =	vst v3  }
0x1f5: {  	v3 =	vld.idx.msk [tilespmem:v48+s24+$0x0], $0xffff  }
0x1f6: {  	v4 =	vld.idx.msk [tilespmem:v49+s24+$0x0], $0xffff  }
0x1f7: {  	v2 =	vld.idx.msk [tilespmem:v2+s24+$0x0], $0xffff  }
0x1f8: {  	v5 =	vld.idx.msk [tilespmem:v50+s24+$0x0], $0xffff;
	_ =	sdelay $0x1  }
0x1f9: {  	s9 =	sadd.s32 $0x20, s26  }
0x1fa: {  	v51 =	vld [tilespmem:s9+$0xFFFFFFF0];
	v7 =	vshll.u32 v3, $0x10  }
0x1fb: {  	v3 =	vand.u32 $0xFFFF0000, v3;
	v8 =	vshll.u32 v4, $0x10;
	v4 =	vand.u32 $0xFFFF0000, v4  }
0x1fc: {  	v52 =	vshll.u32 v2, $0x10;
	v2 =	vand.u32 $0xFFFF0000, v2;
	v53 =	vshll.u32 v5, $0x10  }
0x1fd: {  	v5 =	vand.u32 $0xFFFF0000, v5;
	v4 =	vsub.f32 v4, v8;
	v2 =	vsub.f32 v2, v52  }
0x1fe: {  	v3 =	vsub.f32 v3, v7;
	v5 =	vsub.f32 v5, v53  }
0x1ff: {  	v2 =	vmul.f32 v2, v51;
	v4 =	vmul.f32 v4, v51  }
0x200: {  	v54 =	vld [tilespmem:s29+$0xFFFFFFF0];
	v3 =	vmul.f32 v3, v51;
	v5 =	vmul.f32 v5, v51  }
0x201: {  	v2 =	vadd.f32 v52, v2;
	v4 =	vadd.f32 v8, v4  }
0x202: {  	v3 =	vadd.f32 v7, v3;
	v5 =	vadd.f32 v53, v5  }
0x203: {  	s11 =	sadd.s32 $0x10, s16;
	v4 =	vsub.f32 v4, v2  }
0x204: {  	v55 =	vmov s11;
	v5 =	vsub.f32 v5, v3  }
0x205: {  	v6 =	vshll.u32 v55, $0x3;
	v4 =	vmul.f32 v4, v54  }
0x206: {  	v6 =	vor.u32 v1, v6;
	v5 =	vmul.f32 v5, v54  }
0x207: {  	v56 =	vor.u32 $0x2, v6;
	v2 =	vadd.f32 v4, v2  }
0x208: {  	s12 =	sadd.s32 $0x20, s4;
	v57 =	vor.u32 $0x1, v6;
	v3 =	vadd.f32 v5, v3  }
0x209: {  	[tilespmem:s12+$0xFFFFFFF0] =	vst v2;
	v2 =	vor.u32 $0x3, v6  }
0x20a: {  	[tilespmem:s31+$0xFFFFFFF0] =	vst v3  }
0x20b: {  	v3 =	vld.idx.msk [tilespmem:v6+s24+$0x0], $0xffff  }
0x20c: {  	v4 =	vld.idx.msk [tilespmem:v56+s24+$0x0], $0xffff  }
0x20d: {  	v5 =	vld.idx.msk [tilespmem:v57+s24+$0x0], $0xffff  }
0x20e: {  	v2 =	vld.idx.msk [tilespmem:v2+s24+$0x0], $0xffff;
	_ =	sdelay $0x1  }
0x20f: {  	v58 =	vld [tilespmem:s9+$0x0];
	v59 =	vshll.u32 v3, $0x10  }
0x210: {  	v3 =	vand.u32 $0xFFFF0000, v3;
	v60 =	vshll.u32 v4, $0x10;
	v4 =	vand.u32 $0xFFFF0000, v4  }
0x211: {  	v61 =	vshll.u32 v5, $0x10;
	v5 =	vand.u32 $0xFFFF0000, v5;
	v3 =	vsub.f32 v3, v59  }
0x212: {  	v4 =	vsub.f32 v4, v60;
	v62 =	vshll.u32 v2, $0x10;
	v2 =	vand.u32 $0xFFFF0000, v2  }
0x213: {  	v5 =	vsub.f32 v5, v61;
	v2 =	vsub.f32 v2, v62  }
0x214: {  	v3 =	vmul.f32 v3, v58;
	v4 =	vmul.f32 v4, v58  }
0x215: {  	v63 =	vld [tilespmem:s29+$0x0];
	v5 =	vmul.f32 v5, v58;
	v2 =	vmul.f32 v2, v58  }
0x216: {  	v4 =	vadd.f32 v60, v4;
	v3 =	vadd.f32 v59, v3  }
0x217: {  	v5 =	vadd.f32 v61, v5;
	v2 =	vadd.f32 v62, v2  }
0x218: {  	v4 =	vsub.f32 v4, v3  }
0x219: {  	v2 =	vsub.f32 v2, v5  }
0x21a: {  	s13 =	sshrl.u32 s28, $0x2;
	s14 =	rddreg [dreg:$0xb];
	v4 =	vmul.f32 v4, v63  }
0x21b: {  	s16 =	sshll.u32 s28, $0xC;
	s0 =	sor.u32 s14, s13;
	v2 =	vmul.f32 v2, v63  }
0x21c: {  	s0 =	sshll.u32 s0, $0xF;
	s2 =	sand.u32 $0x3000, s16;
	v3 =	vadd.f32 v4, v3  }
0x21d: {  	p1 =	sne.s32 s28, $0xF;
	s0 =	sor.u32 s2, s0;
	v2 =	vadd.f32 v2, v5  }
.Ltmp8:
0x21e: {  	s21 =	rddreg [dreg:$0x2];
	s29 =	sshrl.u32 s0, $0x3;
	[tilespmem:s12+$0x0] =	vst v3;
	(pc) =	sbr.rel @p1 .LBB2_20-.Ltmp8, $4  }
0x21f: {  	s25 =	simm.s32 $0x6800;
	s0 =	sadd.s32 s21, s29;
	[tilespmem:s31+$0x0] =	vst v2  }
0x220: {  	[hbm4b:s0+s3] =	stream.linear.scatter [tilespmem:s25], [sflag:$0x3], $0x800, $0x38;
	[tilespmem:$0x18C40] =	vst v63  }
0x221: {  	s26 =	sadd.s32 s29, s15;
	s31 =	simm.s32 $0x7000  }
0x222: {  	[hbm4b:s26+s3] =	stream.linear.scatter [tilespmem:s31], [sflag:$0x3], $0x800, $0x38;
	[tilespmem:$0x18C40] =	vst v63  }
.Ltmp9:
0x223: {  	(pc) =	sbr.rel .LBB2_25-.Ltmp9, $4  }
0x224: {  	s0 =	simm.s32 $0x5  }
0x225: {  	_ =	swait.ge [sflag:s0], $0x4000  }
0x226: {  	[sflag:s0] =	ssyncset.done $0x0  }
0x227: {  	[sflag:s0] =	ssyncadd.s32 $0xFFFFC000  }
.LBB2_20:
0x228: {  	s0 =	simm.s32 $0x1  }
0x229: {  	_ =	swait.ge [sflag:s0], $0x1000  }
0x22a: {  	[sflag:s0] =	ssyncset.done $0x0  }
0x22b: {  	[sflag:s0] =	ssyncadd.s32 $0xFFFFF000;
	s0 =	simm.s32 $0x0  }
.LBB2_21:
0x22c: {  	s1 =	sshll.u32 s0, $0x8  }
0x22d: {  	s2 =	sand.u32 $0x3FFFFF00, s1  }
0x22e: {  	v2 =	vmov s2;
	_ =	sdelay $0x3  }
0x22f: {  	p1 =	por $0x1, $0x1;
	s1 =	sshll.u32 s0, $0x7;
	s2 =	simm.s32 $0x0  }
.LBB2_22:
0x230: {  	v3 =	vld.idx.msk [tilespmem:v2+s2+$0x0 ss:$0x1], $0xffff  }
0x231: {  	v4 =	vld.idx.msk [tilespmem:v2+s2+$0x80 ss:$0x1], $0xffff;
	_ =	sdelay $0x3  }
0x232: {  	v3 =	vmul.f32 $5.995000000e+02, v3  }
0x233: {  	v4 =	vmul.f32 $4.995000000e+02, v4  }
0x234: {  	v3 =	vadd.f32 $5.995000000e+02, v3  }
0x235: {  	v4 =	vadd.f32 $4.995000000e+02, v4  }
0x236: {  	v3 =	vmin.f32 v3, $1.199000000e+03  }
0x237: {  	v4 =	vmin.f32 v4, $9.990000000e+02;
	v5 =	vtrunc.f32 v3  }
0x238: {  	v6 =	vtrunc.f32 v4;
	v5 =	vcvt.f32.s32 v5  }
0x239: {  	v6 =	vcvt.f32.s32 v6  }
0x23a: {  	v7 =	vmul.u32 $0x3E8, v5;
	v5 =	vcvt.s32.f32 v5  }
0x23b: {  	v8 =	vadd.s32 v6, v0;
	v6 =	vcvt.s32.f32 v6  }
0x23c: {  	s4 =	sor.u32 s1, s2;
	v7 =	vadd.s32 v7, v8;
	v3 =	vsub.f32 v3, v5  }
0x23d: {  	v4 =	vsub.f32 v4, v6;
	[tilespmem:s4+$0x1000] =	vst v7  }
0x23e: {  	[tilespmem:s4+$0x1800] =	vst v3  }
0x23f: {  	[tilespmem:s4+$0x2000] =	vst v4  }
0x240: {  	v3 =	vld.idx.msk [tilespmem:v2+s2+$0x10 ss:$0x1], $0xffff  }
0x241: {  	v4 =	vld.idx.msk [tilespmem:v2+s2+$0x90 ss:$0x1], $0xffff;
	_ =	sdelay $0x3  }
0x242: {  	v3 =	vmul.f32 $5.995000000e+02, v3  }
0x243: {  	v4 =	vmul.f32 $4.995000000e+02, v4  }
0x244: {  	v3 =	vadd.f32 $5.995000000e+02, v3  }
0x245: {  	v4 =	vadd.f32 $4.995000000e+02, v4  }
0x246: {  	v3 =	vmin.f32 v3, $1.199000000e+03  }
0x247: {  	v4 =	vmin.f32 v4, $9.990000000e+02;
	v52 =	vtrunc.f32 v3  }
0x248: {  	v53 =	vtrunc.f32 v4;
	v5 =	vcvt.f32.s32 v52  }
0x249: {  	v6 =	vcvt.f32.s32 v53  }
0x24a: {  	v54 =	vmul.u32 $0x3E8, v5;
	v5 =	vcvt.s32.f32 v5  }
0x24b: {  	v55 =	vadd.s32 v6, v0;
	v6 =	vcvt.s32.f32 v6  }
0x24c: {  	v7 =	vadd.s32 v54, v55;
	v3 =	vsub.f32 v3, v5  }
0x24d: {  	v4 =	vsub.f32 v4, v6;
	[tilespmem:s4+$0x1010] =	vst v7  }
0x24e: {  	[tilespmem:s4+$0x1810] =	vst v3  }
0x24f: {  	[tilespmem:s4+$0x2010] =	vst v4  }
0x250: {  	v3 =	vld.idx.msk [tilespmem:v2+s2+$0x20 ss:$0x1], $0xffff  }
0x251: {  	v4 =	vld.idx.msk [tilespmem:v2+s2+$0xA0 ss:$0x1], $0xffff;
	_ =	sdelay $0x3  }
0x252: {  	v3 =	vmul.f32 $5.995000000e+02, v3  }
0x253: {  	v4 =	vmul.f32 $4.995000000e+02, v4  }
0x254: {  	v3 =	vadd.f32 $5.995000000e+02, v3  }
0x255: {  	v4 =	vadd.f32 $4.995000000e+02, v4  }
0x256: {  	v3 =	vmin.f32 v3, $1.199000000e+03  }
0x257: {  	v4 =	vmin.f32 v4, $9.990000000e+02;
	v56 =	vtrunc.f32 v3  }
0x258: {  	v57 =	vtrunc.f32 v4;
	v5 =	vcvt.f32.s32 v56  }
0x259: {  	v6 =	vcvt.f32.s32 v57  }
0x25a: {  	v58 =	vmul.u32 $0x3E8, v5;
	v5 =	vcvt.s32.f32 v5  }
0x25b: {  	v59 =	vadd.s32 v6, v0;
	v6 =	vcvt.s32.f32 v6  }
0x25c: {  	v7 =	vadd.s32 v58, v59;
	v3 =	vsub.f32 v3, v5  }
0x25d: {  	v4 =	vsub.f32 v4, v6;
	[tilespmem:s4+$0x1020] =	vst v7  }
0x25e: {  	[tilespmem:s4+$0x1820] =	vst v3  }
0x25f: {  	[tilespmem:s4+$0x2020] =	vst v4  }
0x260: {  	v3 =	vld.idx.msk [tilespmem:v2+s2+$0x30 ss:$0x1], $0xffff  }
0x261: {  	v4 =	vld.idx.msk [tilespmem:v2+s2+$0xB0 ss:$0x1], $0xffff;
	_ =	sdelay $0x3  }
0x262: {  	v3 =	vmul.f32 $5.995000000e+02, v3  }
0x263: {  	v4 =	vmul.f32 $4.995000000e+02, v4  }
0x264: {  	v3 =	vadd.f32 $5.995000000e+02, v3  }
0x265: {  	v4 =	vadd.f32 $4.995000000e+02, v4  }
0x266: {  	v3 =	vmin.f32 v3, $1.199000000e+03  }
0x267: {  	v4 =	vmin.f32 v4, $9.990000000e+02;
	v60 =	vtrunc.f32 v3  }
0x268: {  	v61 =	vtrunc.f32 v4;
	v5 =	vcvt.f32.s32 v60  }
0x269: {  	v6 =	vcvt.f32.s32 v61  }
0x26a: {  	p2 =	por p1, p1;
	v62 =	vmul.u32 $0x3E8, v5;
	v5 =	vcvt.s32.f32 v5  }
.Ltmp10:
0x26b: {  	v63 =	vadd.s32 v6, v0;
	v6 =	vcvt.s32.f32 v6;
	(pc) =	sbr.rel @p2 .LBB2_22-.Ltmp10, $4  }
0x26c: {  	v7 =	vadd.s32 v62, v63;
	v3 =	vsub.f32 v3, v5  }
0x26d: {  	v4 =	vsub.f32 v4, v6;
	[tilespmem:s4+$0x1030] =	vst v7  }
0x26e: {  	[tilespmem:s4+$0x1830] =	vst v3  }
0x26f: {  	p1 =	por $0x0, $0x0;
	s2 =	simm.s32 $0x40;
	[tilespmem:s4+$0x2030] =	vst v4  }
0x270: {  	s0 =	sadd.s32 $0x1, s0  }
0x271: {  	p1 =	sne.s32 s0, $0x10  }
.Ltmp11:
0x272: {  	_ = 	snop;
	(pc) =	sbr.rel @p1 .LBB2_21-.Ltmp11, $1  }
0x273: {  	_ =	sdelay $0x3  }
0x274: {  	s0 =	simm.s32 $0x1000  }
0x275: {  	[tilespmem:s24], [sflag:$0x2] =	stream.indirect.gather [hbm4b:s10+s22], $0x8, s0, s22, $0xb8;
	[tilespmem:$0x18C40] =	vst v63  }
0x276: {  	s31 =	simm.s32 $0x1080;
	s1 =	simm.s32 $0x2C00  }
0x277: {  	[tilespmem:s1], [sflag:$0x2] =	stream.indirect.gather [hbm4b:s10+s22], $0x8, s31, s22, $0xb8;
	[tilespmem:$0x18C40] =	vst v63  }
0x278: {  	s2 =	simm.s32 $0x3000;
	s1 =	simm.s32 $0x1100  }
0x279: {  	[tilespmem:s2], [sflag:$0x2] =	stream.indirect.gather [hbm4b:s10+s22], $0x8, s1, s22, $0xb8;
	[tilespmem:$0x18C40] =	vst v63  }
0x27a: {  	s4 =	simm.s32 $0x1180;
	s5 =	simm.s32 $0x3400  }
0x27b: {  	[tilespmem:s5], [sflag:$0x2] =	stream.indirect.gather [hbm4b:s10+s22], $0x8, s4, s22, $0xb8;
	[tilespmem:$0x18C40] =	vst v63  }
0x27c: {  	s6 =	simm.s32 $0x1200;
	s7 =	simm.s32 $0x3800  }
0x27d: {  	[tilespmem:s7], [sflag:$0x2] =	stream.indirect.gather [hbm4b:s10+s22], $0x8, s6, s22, $0xb8;
	[tilespmem:$0x18C40] =	vst v63  }
0x27e: {  	s9 =	simm.s32 $0x1280;
	s11 =	simm.s32 $0x3C00  }
0x27f: {  	[tilespmem:s11], [sflag:$0x2] =	stream.indirect.gather [hbm4b:s10+s22], $0x8, s9, s22, $0xb8;
	[tilespmem:$0x18C40] =	vst v63  }
0x280: {  	s12 =	simm.s32 $0x1300;
	s13 =	simm.s32 $0x4000;
	s14 =	simm.s32 $0x1380  }
0x281: {  	[tilespmem:s13], [sflag:$0x2] =	stream.indirect.gather [hbm4b:s10+s22], $0x8, s12, s22, $0xb8;
	[tilespmem:$0x18C40] =	vst v63  }
0x282: {  	s16 =	simm.s32 $0x4400;
	s21 =	simm.s32 $0x1400;
	s25 =	simm.s32 $0x4800  }
0x283: {  	[tilespmem:s16], [sflag:$0x2] =	stream.indirect.gather [hbm4b:s10+s22], $0x8, s14, s22, $0xb8;
	[tilespmem:$0x18C40] =	vst v63  }
0x284: {  	s26 =	simm.s32 $0x1480;
	s31 =	simm.s32 $0x4C00;
	s1 =	simm.s32 $0x1500  }
0x285: {  	[tilespmem:s25], [sflag:$0x2] =	stream.indirect.gather [hbm4b:s10+s22], $0x8, s21, s22, $0xb8;
	[tilespmem:$0x18C40] =	vst v63  }
0x286: {  	s2 =	simm.s32 $0x5000;
	s4 =	simm.s32 $0x1580;
	s5 =	simm.s32 $0x5400  }
0x287: {  	[tilespmem:s31], [sflag:$0x2] =	stream.indirect.gather [hbm4b:s10+s22], $0x8, s26, s22, $0xb8;
	[tilespmem:$0x18C40] =	vst v63  }
0x288: {  	s6 =	simm.s32 $0x1600;
	s7 =	simm.s32 $0x5800;
	s9 =	simm.s32 $0x1680  }
0x289: {  	[tilespmem:s2], [sflag:$0x2] =	stream.indirect.gather [hbm4b:s10+s22], $0x8, s1, s22, $0xb8;
	[tilespmem:$0x18C40] =	vst v63  }
0x28a: {  	s11 =	simm.s32 $0x5C00;
	s12 =	simm.s32 $0x1700;
	s13 =	simm.s32 $0x6000  }
0x28b: {  	[tilespmem:s5], [sflag:$0x2] =	stream.indirect.gather [hbm4b:s10+s22], $0x8, s4, s22, $0xb8;
	[tilespmem:$0x18C40] =	vst v63  }
0x28c: {  	s14 =	simm.s32 $0x1780;
	s16 =	simm.s32 $0x6400;
	s21 =	sadd.s32 $0x3, s30  }
0x28d: {  	[tilespmem:s7], [sflag:$0x2] =	stream.indirect.gather [hbm4b:s10+s22], $0x8, s6, s22, $0xb8;
	[tilespmem:$0x18C40] =	vst v63  }
0x28e: {  	s25 =	sshrl.u32 s21, $0x3;
	s0 =	sshll.u32 s21, $0x9;
	s2 =	rddreg [dreg:$0xb]  }
0x28f: {  	[tilespmem:s11], [sflag:$0x2] =	stream.indirect.gather [hbm4b:s10+s22], $0x8, s9, s22, $0xb8;
	[tilespmem:$0x18C40] =	vst v63  }
0x290: {  	s0 =	sand.u32 $0xE00, s0;
	s26 =	rddreg [dreg:$0x1];
	s1 =	sadd.s32 s2, s25  }
0x291: {  	[tilespmem:s13], [sflag:$0x2] =	stream.indirect.gather [hbm4b:s10+s22], $0x8, s12, s22, $0xb8;
	[tilespmem:$0x18C40] =	vst v63  }
0x292: {  	s30 =	simm.s32 $0x7800;
	s0 =	sadd.s32 s26, s0;
	s1 =	sshll.u32 s1, $0xC  }
0x293: {  	[tilespmem:s16], [sflag:$0x2] =	stream.indirect.gather [hbm4b:s10+s22], $0x8, s14, s22, $0xb8;
	[tilespmem:$0x18C40] =	vst v63  }
.Ltmp12:
0x294: {  	s31 =	simm.s32 $0x5;
	s0 =	sadd.s32 s1, s0;
	(pc) =	sbr.rel @p0 .LBB2_26-.Ltmp12, $4  }
0x295: {  	[tilespmem:s30], [sflag:$0x4] =	stream.linear.gather [hbm4b:s0+s3], $0x1000, $0x38;
	[tilespmem:$0x18C40] =	vst v63  }
0x296: {  	_ =	swait.ge [sflag:s31], $0x4000  }
0x297: {  	[sflag:s31] =	ssyncset.done $0x0  }
0x298: {  	[sflag:s31] =	ssyncadd.s32 $0xFFFFC000  }
.LBB2_25:
0x299: {  	_ =	swait.ge [sflag:s23], $0x800  }
0x29a: {  	[sflag:s23] =	ssyncset.done $0x0  }
0x29b: {  	[sflag:s23] =	ssyncadd.s32 $0xFFFFF800  }
0x29c: {  	_ =	swait.ge [sflag:s23], $0x800  }
0x29d: {  	[sflag:s23] =	ssyncset.done $0x0  }
0x29e: {  	[sflag:s23] =	ssyncadd.s32 $0xFFFFF800  }
.LBB2_26:
0x29f: {  	s1 =	simm.s32 $0x0  }
0x2a0: {  	v2 =	vmov s1  }
0x2a1: {  	v2 =	vshll.u32 v2, $0x3  }
0x2a2: {  	v8 =	vor.u32 v1, v2  }
0x2a3: {  	v2 =	vor.u32 $0x1, v8  }
0x2a4: {  	s9 =	simm.s32 $0x20;
	v5 =	vor.u32 $0x2, v8  }
0x2a5: {  	s0 =	simm.s32 $0x9810;
	s11 =	simm.s32 $0xE010;
	v3 =	vmov s9  }
0x2a6: {  	s14 =	simm.s32 $0xE810;
	s13 =	simm.s32 $0x9010;
	s16 =	simm.s32 $0x40;
	v3 =	vshll.u32 v3, $0x3;
	v7 =	vor.u32 $0x3, v8  }
0x2a7: {  	s25 =	simm.s32 $0xE830;
	s21 =	simm.s32 $0x9030;
	s6 =	simm.s32 $0x60;
	v6 =	vmov s16;
	v3 =	vor.u32 v1, v3;
	v11 =	vld.idx.msk [tilespmem:v8+s20+$0x0], $0xffff  }
0x2a8: {  	s26 =	simm.s32 $0x9830;
	s4 =	simm.s32 $0xE030;
	s30 =	simm.s32 $0xE850;
	v4 =	vor.u32 $0x2, v3;
	v9 =	vld.idx.msk [tilespmem:v2+s20+$0x0], $0xffff;
	v2 =	vshll.u32 v6, $0x3  }
0x2a9: {  	s31 =	simm.s32 $0x9050;
	s12 =	simm.s32 $0x9830;
	s2 =	simm.s32 $0xE030;
	v10 =	vld.idx.msk [tilespmem:v5+s20+$0x0], $0xffff;
	v5 =	vor.u32 $0x1, v3;
	v6 =	vor.u32 $0x3, v3;
	v2 =	vor.u32 v1, v2  }
.LBB2_27:
0x2aa: {  	s26 =	sadd.s32 $0x20, s26  }
0x2ab: {  	v8 =	vor.u32 $0x2, v2;
	s4 =	sadd.s32 $0x20, s4;
	v12 =	vld.idx.msk [tilespmem:v7+s20+$0x0], $0xffff;
	v7 =	vmov v6;
	s7 =	smov.u32 s6;
	s5 =	sadd.s32 $0x20, s6  }
0x2ac: {  	p0 =	sne.s32 s6, $0x7E0;
	v13 =	vor.u32 $0x1, v2;
	v6 =	vor.u32 $0x3, v2  }
0x2ad: {  	v14 =	vld [tilespmem:s0+$0xFFFFFFF0]  }
0x2ae: {  	v15 =	vshll.u32 v9, $0x10;
	v9 =	vand.u32 $0xFFFF0000, v9  }
0x2af: {  	v16 =	vshll.u32 v10, $0x10;
	v10 =	vand.u32 $0xFFFF0000, v10;
	v9 =	vsub.f32 v9, v15  }
0x2b0: {  	v17 =	vshll.u32 v11, $0x10;
	v11 =	vand.u32 $0xFFFF0000, v11;
	v10 =	vsub.f32 v10, v16  }
0x2b1: {  	v18 =	vshll.u32 v12, $0x10;
	v12 =	vand.u32 $0xFFFF0000, v12;
	v11 =	vsub.f32 v11, v17  }
0x2b2: {  	v12 =	vsub.f32 v12, v18;
	v9 =	vmul.f32 v9, v14  }
0x2b3: {  	v11 =	vmul.f32 v11, v14;
	v10 =	vmul.f32 v10, v14  }
0x2b4: {  	v12 =	vmul.f32 v12, v14;
	v19 =	vld [tilespmem:s13+$0xFFFFFFF0]  }
0x2b5: {  	v11 =	vadd.f32 v17, v11;
	v10 =	vadd.f32 v16, v10  }
0x2b6: {  	v9 =	vadd.f32 v15, v9;
	v12 =	vadd.f32 v18, v12  }
0x2b7: {  	s6 =	sadd.s32 $0x10, s1;
	s1 =	smov.u32 s9;
	s9 =	smov.u32 s16;
	v10 =	vsub.f32 v10, v11  }
0x2b8: {  	s16 =	smov.u32 s7;
	v14 =	vmov s6;
	v12 =	vsub.f32 v12, v9  }
0x2b9: {  	v14 =	vshll.u32 v14, $0x3;
	v10 =	vmul.f32 v10, v19  }
0x2ba: {  	v14 =	vor.u32 v1, v14;
	v12 =	vmul.f32 v12, v19  }
0x2bb: {  	v10 =	vadd.f32 v10, v11;
	v11 =	vor.u32 $0x2, v14  }
0x2bc: {  	v9 =	vadd.f32 v12, v9;
	v12 =	vor.u32 $0x1, v14  }
0x2bd: {  	[tilespmem:s11+$0xFFFFFFF0] =	vst v10;
	v10 =	vor.u32 $0x3, v14  }
0x2be: {  	[tilespmem:s14+$0xFFFFFFF0] =	vst v9  }
0x2bf: {  	v9 =	vld.idx.msk [tilespmem:v14+s20+$0x0], $0xffff  }
0x2c0: {  	v11 =	vld.idx.msk [tilespmem:v11+s20+$0x0], $0xffff  }
0x2c1: {  	v12 =	vld.idx.msk [tilespmem:v12+s20+$0x0], $0xffff  }
0x2c2: {  	v10 =	vld.idx.msk [tilespmem:v10+s20+$0x0], $0xffff;
	_ =	sdelay $0x1  }
0x2c3: {  	v14 =	vld [tilespmem:s0+$0x0];
	s0 =	smov.u32 s12;
	s12 =	smov.u32 s26  }
0x2c4: {  	v15 =	vshll.u32 v9, $0x10;
	v9 =	vand.u32 $0xFFFF0000, v9  }
0x2c5: {  	v16 =	vshll.u32 v11, $0x10;
	v11 =	vand.u32 $0xFFFF0000, v11;
	v9 =	vsub.f32 v9, v15  }
0x2c6: {  	v17 =	vshll.u32 v12, $0x10;
	v12 =	vand.u32 $0xFFFF0000, v12;
	v11 =	vsub.f32 v11, v16  }
0x2c7: {  	v18 =	vshll.u32 v10, $0x10;
	v10 =	vand.u32 $0xFFFF0000, v10;
	v12 =	vsub.f32 v12, v17  }
0x2c8: {  	v10 =	vsub.f32 v10, v18;
	v9 =	vmul.f32 v9, v14;
	v11 =	vmul.f32 v11, v14  }
0x2c9: {  	v12 =	vmul.f32 v12, v14  }
0x2ca: {  	v10 =	vmul.f32 v10, v14;
	v19 =	vld [tilespmem:s13+$0x0];
	v11 =	vadd.f32 v16, v11;
	s13 =	smov.u32 s21;
	s21 =	smov.u32 s31  }
0x2cb: {  	v9 =	vadd.f32 v15, v9  }
0x2cc: {  	v12 =	vadd.f32 v17, v12;
	v10 =	vadd.f32 v18, v10  }
0x2cd: {  	v11 =	vsub.f32 v11, v9  }
0x2ce: {  	v10 =	vsub.f32 v10, v12  }
0x2cf: {  	v11 =	vmul.f32 v11, v19  }
0x2d0: {  	v10 =	vmul.f32 v10, v19  }
0x2d1: {  	v9 =	vadd.f32 v11, v9  }
0x2d2: {  	v10 =	vadd.f32 v10, v12  }
.Ltmp13:
0x2d3: {  	[tilespmem:s11+$0x0] =	vst v9;
	s11 =	smov.u32 s2;
	s2 =	smov.u32 s4;
	(pc) =	sbr.rel @p0 .LBB2_27-.Ltmp13, $4  }
0x2d4: {  	[tilespmem:s14+$0x0] =	vst v10;
	s14 =	smov.u32 s25;
	s25 =	smov.u32 s30  }
0x2d5: {  	v10 =	vmov s16;
	v9 =	vld.idx.msk [tilespmem:v5+s20+$0x0], $0xffff;
	v5 =	vmov v13  }
0x2d6: {  	v12 =	vshll.u32 v10, $0x3;
	v10 =	vld.idx.msk [tilespmem:v4+s20+$0x0], $0xffff;
	v4 =	vmov v8  }
0x2d7: {  	s6 =	smov.u32 s5;
	s31 =	sadd.s32 $0x20, s31;
	s30 =	sadd.s32 $0x20, s30;
	v11 =	vld.idx.msk [tilespmem:v3+s20+$0x0], $0xffff;
	v3 =	vmov v2;
	v2 =	vor.u32 v1, v12  }
0x2d8: {  	_ =	sdelay $0x3  }
0x2d9: {  	v7 =	vld.idx.msk [tilespmem:v7+s20+$0x0], $0xffff;
	_ =	sdelay $0x1  }
0x2da: {  	v8 =	vld [tilespmem:s0+$0xFFFFFFF0];
	v12 =	vshll.u32 v9, $0x10  }
0x2db: {  	v20 =	vand.u32 $0xFFFF0000, v9;
	v13 =	vshll.u32 v10, $0x10;
	v21 =	vand.u32 $0xFFFF0000, v10  }
0x2dc: {  	v14 =	vshll.u32 v11, $0x10;
	v22 =	vand.u32 $0xFFFF0000, v11;
	v10 =	vsub.f32 v21, v13  }
0x2dd: {  	v15 =	vshll.u32 v7, $0x10;
	v7 =	vand.u32 $0xFFFF0000, v7;
	v11 =	vsub.f32 v22, v14  }
0x2de: {  	v9 =	vsub.f32 v20, v12;
	v7 =	vsub.f32 v7, v15  }
0x2df: {  	v10 =	vmul.f32 v10, v8;
	v11 =	vmul.f32 v11, v8  }
0x2e0: {  	v16 =	vld [tilespmem:s13+$0xFFFFFFF0];
	v9 =	vmul.f32 v9, v8;
	v7 =	vmul.f32 v7, v8  }
0x2e1: {  	v10 =	vadd.f32 v13, v10;
	v23 =	vadd.f32 v14, v11  }
0x2e2: {  	v9 =	vadd.f32 v12, v9;
	v7 =	vadd.f32 v15, v7  }
0x2e3: {  	s1 =	sadd.s32 $0x10, s1;
	v10 =	vsub.f32 v10, v23  }
0x2e4: {  	v24 =	vmov s1;
	v7 =	vsub.f32 v7, v9  }
0x2e5: {  	v11 =	vshll.u32 v24, $0x3;
	v10 =	vmul.f32 v10, v16  }
0x2e6: {  	v11 =	vor.u32 v1, v11;
	v7 =	vmul.f32 v7, v16  }
0x2e7: {  	v25 =	vor.u32 $0x2, v11;
	v8 =	vadd.f32 v10, v23  }
0x2e8: {  	v26 =	vor.u32 $0x1, v11;
	v7 =	vadd.f32 v7, v9  }
0x2e9: {  	v27 =	vor.u32 $0x3, v11;
	[tilespmem:s11+$0xFFFFFFF0] =	vst v8  }
0x2ea: {  	[tilespmem:s14+$0xFFFFFFF0] =	vst v7  }
0x2eb: {  	v7 =	vld.idx.msk [tilespmem:v11+s20+$0x0], $0xffff  }
0x2ec: {  	v10 =	vld.idx.msk [tilespmem:v25+s20+$0x0], $0xffff  }
0x2ed: {  	v9 =	vld.idx.msk [tilespmem:v26+s20+$0x0], $0xffff  }
0x2ee: {  	v8 =	vld.idx.msk [tilespmem:v27+s20+$0x0], $0xffff;
	_ =	sdelay $0x2  }
0x2ef: {  	v28 =	vld [tilespmem:s0+$0x0];
	v29 =	vshll.u32 v7, $0x10  }
0x2f0: {  	v7 =	vand.u32 $0xFFFF0000, v7;
	v30 =	vshll.u32 v10, $0x10;
	v10 =	vand.u32 $0xFFFF0000, v10  }
0x2f1: {  	v31 =	vshll.u32 v9, $0x10;
	v9 =	vand.u32 $0xFFFF0000, v9;
	v32 =	vshll.u32 v8, $0x10  }
0x2f2: {  	v8 =	vand.u32 $0xFFFF0000, v8;
	v7 =	vsub.f32 v7, v29;
	v10 =	vsub.f32 v10, v30  }
0x2f3: {  	v9 =	vsub.f32 v9, v31;
	v8 =	vsub.f32 v8, v32  }
0x2f4: {  	v7 =	vmul.f32 v7, v28;
	v10 =	vmul.f32 v10, v28  }
0x2f5: {  	v33 =	vld [tilespmem:s13+$0x0];
	v9 =	vmul.f32 v9, v28;
	v8 =	vmul.f32 v8, v28  }
0x2f6: {  	v10 =	vadd.f32 v30, v10;
	v7 =	vadd.f32 v29, v7  }
0x2f7: {  	v9 =	vadd.f32 v31, v9;
	v8 =	vadd.f32 v32, v8  }
0x2f8: {  	v10 =	vsub.f32 v10, v7  }
0x2f9: {  	v8 =	vsub.f32 v8, v9  }
0x2fa: {  	v10 =	vmul.f32 v10, v33  }
0x2fb: {  	v8 =	vmul.f32 v8, v33  }
0x2fc: {  	v7 =	vadd.f32 v10, v7  }
0x2fd: {  	v8 =	vadd.f32 v8, v9  }
0x2fe: {  	[tilespmem:s11+$0x0] =	vst v7  }
0x2ff: {  	[tilespmem:s14+$0x0] =	vst v8  }
0x300: {  	v5 =	vld.idx.msk [tilespmem:v5+s20+$0x0], $0xffff  }
0x301: {  	v4 =	vld.idx.msk [tilespmem:v4+s20+$0x0], $0xffff  }
0x302: {  	v3 =	vld.idx.msk [tilespmem:v3+s20+$0x0], $0xffff  }
0x303: {  	v6 =	vld.idx.msk [tilespmem:v6+s20+$0x0], $0xffff;
	_ =	sdelay $0x2  }
0x304: {  	v7 =	vld [tilespmem:s12+$0xFFFFFFF0];
	v34 =	vshll.u32 v5, $0x10  }
0x305: {  	v5 =	vand.u32 $0xFFFF0000, v5;
	v35 =	vshll.u32 v4, $0x10;
	v4 =	vand.u32 $0xFFFF0000, v4  }
0x306: {  	v36 =	vshll.u32 v3, $0x10;
	v3 =	vand.u32 $0xFFFF0000, v3;
	v37 =	vshll.u32 v6, $0x10  }
0x307: {  	v6 =	vand.u32 $0xFFFF0000, v6;
	v4 =	vsub.f32 v4, v35;
	v3 =	vsub.f32 v3, v36  }
0x308: {  	v5 =	vsub.f32 v5, v34;
	v6 =	vsub.f32 v6, v37  }
0x309: {  	v3 =	vmul.f32 v3, v7;
	v4 =	vmul.f32 v4, v7  }
0x30a: {  	v38 =	vld [tilespmem:s21+$0xFFFFFFF0];
	v5 =	vmul.f32 v5, v7;
	v6 =	vmul.f32 v6, v7  }
0x30b: {  	v3 =	vadd.f32 v36, v3;
	v4 =	vadd.f32 v35, v4  }
0x30c: {  	v5 =	vadd.f32 v34, v5;
	v6 =	vadd.f32 v37, v6  }
0x30d: {  	s13 =	sadd.s32 $0x10, s9;
	v4 =	vsub.f32 v4, v3  }
0x30e: {  	v39 =	vmov s13;
	v6 =	vsub.f32 v6, v5  }
0x30f: {  	v7 =	vshll.u32 v39, $0x3;
	v4 =	vmul.f32 v4, v38  }
0x310: {  	v7 =	vor.u32 v1, v7;
	v6 =	vmul.f32 v6, v38  }
0x311: {  	v40 =	vor.u32 $0x2, v7;
	v3 =	vadd.f32 v4, v3  }
0x312: {  	v41 =	vor.u32 $0x1, v7;
	v5 =	vadd.f32 v6, v5  }
0x313: {  	[tilespmem:s2+$0xFFFFFFF0] =	vst v3;
	v3 =	vor.u32 $0x3, v7  }
0x314: {  	[tilespmem:s25+$0xFFFFFFF0] =	vst v5  }
0x315: {  	v5 =	vld.idx.msk [tilespmem:v7+s20+$0x0], $0xffff  }
0x316: {  	v4 =	vld.idx.msk [tilespmem:v40+s20+$0x0], $0xffff  }
0x317: {  	v6 =	vld.idx.msk [tilespmem:v41+s20+$0x0], $0xffff  }
0x318: {  	v3 =	vld.idx.msk [tilespmem:v3+s20+$0x0], $0xffff;
	_ =	sdelay $0x1  }
0x319: {  	v42 =	vld [tilespmem:s12+$0x0];
	v43 =	vshll.u32 v5, $0x10  }
0x31a: {  	v5 =	vand.u32 $0xFFFF0000, v5;
	v44 =	vshll.u32 v4, $0x10;
	v4 =	vand.u32 $0xFFFF0000, v4  }
0x31b: {  	v45 =	vshll.u32 v6, $0x10;
	v6 =	vand.u32 $0xFFFF0000, v6;
	v5 =	vsub.f32 v5, v43  }
0x31c: {  	v4 =	vsub.f32 v4, v44;
	v46 =	vshll.u32 v3, $0x10;
	v3 =	vand.u32 $0xFFFF0000, v3  }
0x31d: {  	v6 =	vsub.f32 v6, v45;
	v3 =	vsub.f32 v3, v46  }
0x31e: {  	v5 =	vmul.f32 v5, v42;
	v4 =	vmul.f32 v4, v42  }
0x31f: {  	v47 =	vld [tilespmem:s21+$0x0];
	v6 =	vmul.f32 v6, v42;
	v3 =	vmul.f32 v3, v42  }
0x320: {  	v4 =	vadd.f32 v44, v4;
	v5 =	vadd.f32 v43, v5  }
0x321: {  	v6 =	vadd.f32 v45, v6;
	v3 =	vadd.f32 v46, v3  }
0x322: {  	v4 =	vsub.f32 v4, v5  }
0x323: {  	v3 =	vsub.f32 v3, v6  }
0x324: {  	v4 =	vmul.f32 v4, v47  }
0x325: {  	v48 =	vor.u32 $0x1, v2;
	v3 =	vmul.f32 v3, v47  }
0x326: {  	v49 =	vor.u32 $0x2, v2;
	v4 =	vadd.f32 v4, v5  }
0x327: {  	v3 =	vadd.f32 v3, v6  }
0x328: {  	v50 =	vor.u32 $0x3, v2;
	[tilespmem:s2+$0x0] =	vst v4  }
0x329: {  	[tilespmem:s25+$0x0] =	vst v3  }
0x32a: {  	v3 =	vld.idx.msk [tilespmem:v48+s20+$0x0], $0xffff  }
0x32b: {  	v4 =	vld.idx.msk [tilespmem:v49+s20+$0x0], $0xffff  }
0x32c: {  	v2 =	vld.idx.msk [tilespmem:v2+s20+$0x0], $0xffff  }
0x32d: {  	v5 =	vld.idx.msk [tilespmem:v50+s20+$0x0], $0xffff;
	_ =	sdelay $0x1  }
0x32e: {  	s14 =	sadd.s32 $0x20, s26  }
0x32f: {  	v51 =	vld [tilespmem:s14+$0xFFFFFFF0];
	v7 =	vshll.u32 v3, $0x10  }
0x330: {  	v3 =	vand.u32 $0xFFFF0000, v3;
	v8 =	vshll.u32 v4, $0x10;
	v4 =	vand.u32 $0xFFFF0000, v4  }
0x331: {  	v52 =	vshll.u32 v2, $0x10;
	v2 =	vand.u32 $0xFFFF0000, v2;
	v53 =	vshll.u32 v5, $0x10  }
0x332: {  	v5 =	vand.u32 $0xFFFF0000, v5;
	v4 =	vsub.f32 v4, v8;
	v2 =	vsub.f32 v2, v52  }
0x333: {  	v3 =	vsub.f32 v3, v7;
	v5 =	vsub.f32 v5, v53  }
0x334: {  	v2 =	vmul.f32 v2, v51;
	v4 =	vmul.f32 v4, v51  }
0x335: {  	v54 =	vld [tilespmem:s31+$0xFFFFFFF0];
	v3 =	vmul.f32 v3, v51;
	v5 =	vmul.f32 v5, v51  }
0x336: {  	v2 =	vadd.f32 v52, v2;
	v4 =	vadd.f32 v8, v4  }
0x337: {  	v3 =	vadd.f32 v7, v3;
	v5 =	vadd.f32 v53, v5  }
0x338: {  	s21 =	sadd.s32 $0x10, s16;
	v4 =	vsub.f32 v4, v2  }
0x339: {  	v55 =	vmov s21;
	v5 =	vsub.f32 v5, v3  }
0x33a: {  	v6 =	vshll.u32 v55, $0x3;
	v4 =	vmul.f32 v4, v54  }
0x33b: {  	v6 =	vor.u32 v1, v6;
	v5 =	vmul.f32 v5, v54  }
0x33c: {  	v56 =	vor.u32 $0x2, v6;
	v2 =	vadd.f32 v4, v2  }
0x33d: {  	s25 =	sadd.s32 $0x20, s4;
	v57 =	vor.u32 $0x1, v6;
	v3 =	vadd.f32 v5, v3  }
0x33e: {  	[tilespmem:s25+$0xFFFFFFF0] =	vst v2;
	v2 =	vor.u32 $0x3, v6  }
0x33f: {  	[tilespmem:s30+$0xFFFFFFF0] =	vst v3  }
0x340: {  	v3 =	vld.idx.msk [tilespmem:v6+s20+$0x0], $0xffff  }
0x341: {  	v4 =	vld.idx.msk [tilespmem:v56+s20+$0x0], $0xffff  }
0x342: {  	v5 =	vld.idx.msk [tilespmem:v57+s20+$0x0], $0xffff  }
0x343: {  	v2 =	vld.idx.msk [tilespmem:v2+s20+$0x0], $0xffff;
	_ =	sdelay $0x1  }
0x344: {  	v58 =	vld [tilespmem:s14+$0x0];
	v59 =	vshll.u32 v3, $0x10  }
0x345: {  	v3 =	vand.u32 $0xFFFF0000, v3;
	v60 =	vshll.u32 v4, $0x10;
	v4 =	vand.u32 $0xFFFF0000, v4  }
0x346: {  	v61 =	vshll.u32 v5, $0x10;
	v5 =	vand.u32 $0xFFFF0000, v5;
	v3 =	vsub.f32 v3, v59  }
0x347: {  	v4 =	vsub.f32 v4, v60;
	v62 =	vshll.u32 v2, $0x10;
	v2 =	vand.u32 $0xFFFF0000, v2  }
0x348: {  	v5 =	vsub.f32 v5, v61;
	v2 =	vsub.f32 v2, v62  }
0x349: {  	v3 =	vmul.f32 v3, v58;
	v4 =	vmul.f32 v4, v58  }
0x34a: {  	v63 =	vld [tilespmem:s31+$0x0];
	v5 =	vmul.f32 v5, v58;
	v2 =	vmul.f32 v2, v58  }
0x34b: {  	v4 =	vadd.f32 v60, v4;
	v3 =	vadd.f32 v59, v3  }
0x34c: {  	v5 =	vadd.f32 v61, v5;
	v2 =	vadd.f32 v62, v2  }
0x34d: {  	v4 =	vsub.f32 v4, v3  }
0x34e: {  	v2 =	vsub.f32 v2, v5  }
0x34f: {  	v4 =	vmul.f32 v4, v63  }
0x350: {  	v2 =	vmul.f32 v2, v63  }
0x351: {  	s28 =	sadd.s32 $0x1, s28;
	v3 =	vadd.f32 v4, v3  }
0x352: {  	p0 =	sne.s32 s28, $0x10;
	v2 =	vadd.f32 v2, v5  }
.Ltmp14:
0x353: {  	s26 =	sor.u32 $0x100, s29;
	s29 =	rddreg [dreg:$0x2];
	[tilespmem:s25+$0x0] =	vst v3;
	(pc) =	sbr.rel @p0 .LBB2_12-.Ltmp14, $4  }
0x354: {  	s1 =	sadd.s32 s29, s26;
	[tilespmem:s30+$0x0] =	vst v2;
	s30 =	simm.s32 $0xE000  }
0x355: {  	[hbm4b:s1+s3] =	stream.linear.scatter [tilespmem:s30], [sflag:$0x6], $0x800, $0x38;
	[tilespmem:$0x18C40] =	vst v63  }
0x356: {  	s0 =	sadd.s32 s26, s15;
	s31 =	simm.s32 $0xE800  }
0x357: {  	[hbm4b:s0+s3] =	stream.linear.scatter [tilespmem:s31], [sflag:$0x6], $0x800, $0x38;
	[tilespmem:$0x18C40] =	vst v63  }
0x358: {  	s0 =	simm.s32 $0x3  }
0x359: {  	_ =	swait.ge [sflag:s0], $0x800  }
0x35a: {  	[sflag:s0] =	ssyncset.done $0x0  }
0x35b: {  	[sflag:s0] =	ssyncadd.s32 $0xFFFFF800  }
0x35c: {  	_ =	swait.ge [sflag:s0], $0x800  }
0x35d: {  	[sflag:s0] =	ssyncset.done $0x0  }
0x35e: {  	[sflag:s0] =	ssyncadd.s32 $0xFFFFF800  }
0x35f: {  	_ =	swait.ge [sflag:s23], $0x800  }
0x360: {  	[sflag:s23] =	ssyncset.done $0x0  }
0x361: {  	[sflag:s23] =	ssyncadd.s32 $0xFFFFF800  }
0x362: {  	_ =	swait.ge [sflag:s23], $0x800  }
0x363: {  	s1 =	rddreg [dreg:$0xd]  }
0x364: {  	s31 =	rddreg [dreg:$0xc];
	s1 =	sadd.s32 $0x1, s1  }
0x365: {  	p0 =	sne.s32 s1, s31  }
.Ltmp15:
0x366: {  	s13 =	rddreg [dreg:$0x4];
	(pc) =	sbr.rel @p0 .LBB2_1-.Ltmp15, $4  }
0x367: {  	s14 =	rddreg [dreg:$0x5]  }
0x368: {  	s16 =	rddreg [dreg:$0x6]  }
0x369: {  	[sflag:s23] =	ssyncset.done $0x0;
	s21 =	rddreg [dreg:$0x7]  }
0x36a: {  	s7 =	stileid.u32;
	s25 =	rddreg [dreg:$0x9];
	[sflag:s23] =	ssyncadd.s32 $0xFFFFF800  }
0x36b: {  	_ =	sfence.sel $0x180000  }
0x36c: {  	[bflag:$0x0] =	sbarrier.arrive $0xFFFF  }
0x36d: {  	_ =	strace $0x90000047  }
0x36e: {  	[bflag:$0x2] =	sbarrier.arrive $0xFFFF  }
0x36f: {  	p0 =	sne.s32 s7, $0x0;
	s0 =	rddreg [dreg:$0x3]  }
0x370: {  	s0 =	sadd.s32 @!p0 $0x100000, s0  }
0x371: {  	[sflag:s0] =	ssyncadd.tile.s32 @!p0 $0x1;
	_ =	shalt  }
.Lfunc_end2:
_tile_overlayer_lowered:
.L_overlay_start_2:
0x372: {  	(tag) =	ssettag $0x2  }
0x373: {  	s0 =	rddreg [dreg:$0x0];
	s2 =	stileid.u32  }
0x374: {  	s1 =	rddreg [dreg:$0x1];
	p0 =	sne.s32 s2, $0x0  }
0x375: {  	s3 =	rddreg [dreg:$0x2];
	[bflag:$0x3] =	sbarrier.arrive $0xFFFF;
	s2 =	simm.s32 @!p0 $0x1C09  }
0x376: {  	[timem:s3], [sflag:s2] =	dma.local @!p0 [hbm:s0], s1  }
0x377: {  	s0 =	simm.s32 @!p0 $0x9  }
0x378: {  	_ =	swait.ge @!p0 [sflag:s0], s1  }
0x379: {  	s1 =	ssub.s32 @!p0 $0x0, s1;
	[sflag:s0] =	ssyncset.done @!p0 $0x0  }
0x37a: {  	[sflag:s0] =	ssyncadd.s32 @!p0 s1  }
0x37b: {  	[bflag:$0x3] =	sbarrier.arrive $0xFFFF  }
0x37c: {  	_ =	shalt  }

</sc_bundles>
